<compile_context>
chip_gen: v7x
topology: tpu7x:2x2x1
jax: 0.10.2.dev20260603
libtpu: 0.0.44.dev20260713+nightly
codegen_flags: <defaults>
</compile_context>

<pallas_src>
import functools

import jax
import jax.numpy as jnp
from jax import lax
from jax.experimental import pallas as pl
from jax.experimental.pallas import tpu as pltpu
from jax.experimental.pallas import tpu_sc as plsc

NC = 2
NS = 16
NW = NC * NS
L = 16
IDX_CHUNK = 128


@functools.lru_cache(maxsize=None)
def _make_kernel(B, D):
    b_per_w = B // NW
    n_grp = b_per_w // L
    n_chunk = b_per_w // IDX_CHUNK
    mesh = plsc.VectorSubcoreMesh(core_axis_name="c", subcore_axis_name="s")

    @functools.partial(
        pl.kernel,
        mesh=mesh,
        out_type=jax.ShapeDtypeStruct((B,), jnp.float32),
        compiler_params=pltpu.CompilerParams(
            use_tc_tiling_on_sc=False, needs_layout_passes=False),
        scratch_types=[
            pltpu.VMEM((n_chunk, IDX_CHUNK), jnp.int32),
            pltpu.VMEM((n_chunk, IDX_CHUNK), jnp.int32),
            pltpu.VMEM((b_per_w, D), jnp.float32),
            pltpu.VMEM((b_per_w, D), jnp.float32),
            pltpu.VMEM((b_per_w,), jnp.float32),
            pltpu.VMEM((b_per_w,), jnp.float32),
            pltpu.VMEM((b_per_w,), jnp.float32),
            pltpu.SemaphoreType.DMA,
            pltpu.SemaphoreType.DMA,
            pltpu.SemaphoreType.DMA,
            pltpu.SemaphoreType.DMA,
        ],
    )
    def net_kernel(users_hbm, items_hbm, uw_hbm, iw_hbm, ub_hbm, ib_hbm,
                   out_hbm, uidx, iidx, urows, irows, ubv, ibv, outv,
                   s0, s1, s2, s3):
        wid = lax.axis_index("s") * NC + lax.axis_index("c")
        base = wid * b_per_w

        for t in range(n_chunk):
            pltpu.sync_copy(users_hbm.at[pl.ds(base + t * IDX_CHUNK, IDX_CHUNK)],
                            uidx.at[t])
            pltpu.sync_copy(items_hbm.at[pl.ds(base + t * IDX_CHUNK, IDX_CHUNK)],
                            iidx.at[t])

        spc = IDX_CHUNK // L

        def sub_one(j, carry):
            t = j // spc
            o = (j % spc) * L
            uidx[t, pl.ds(o, L)] = uidx[t, pl.ds(o, L)] - 1
            iidx[t, pl.ds(o, L)] = iidx[t, pl.ds(o, L)] - 1
            return carry
        lax.fori_loop(0, n_grp, sub_one, 0)

        copies = []
        for t in range(n_chunk):
            r = pl.ds(t * IDX_CHUNK, IDX_CHUNK)
            copies.append(pltpu.async_copy(uw_hbm.at[uidx.at[t]], urows.at[r], s0))
            copies.append(pltpu.async_copy(iw_hbm.at[iidx.at[t]], irows.at[r], s1))
            copies.append(pltpu.async_copy(ub_hbm.at[uidx.at[t]], ubv.at[r], s2))
            copies.append(pltpu.async_copy(ib_hbm.at[iidx.at[t]], ibv.at[r], s3))
        for cp in copies:
            cp.wait()

        lane = lax.iota(jnp.int32, L)
        mask_lo = lane < (L // 2)
        half = lane & (L // 2 - 1)
        fold_idx = {w: lane ^ w for w in (8, 4, 2, 1)}
        pack_idx = {w: (half // w) * (2 * w) + (half % w) for w in (8, 4, 2, 1)}

        gdn = lax.GatherDimensionNumbers(
            offset_dims=(), collapsed_slice_dims=(0,), start_index_map=(0,))

        def take(v, idx):
            return lax.gather(v, idx[:, None], dimension_numbers=gdn,
                              slice_sizes=(1,), unique_indices=True,
                              indices_are_sorted=False,
                              mode=lax.GatherScatterMode.PROMISE_IN_BOUNDS)

        def fold_pair(a, b, w):
            fa = a + take(a, fold_idx[w])
            fb = b + take(b, fold_idx[w])
            return jnp.where(mask_lo, take(fa, pack_idx[w]),
                             take(fb, pack_idx[w]))

        def group(g, carry):
            svecs = []
            for b in range(L):
                row = g * L + b
                acc = urows[row, pl.ds(0, L)] * irows[row, pl.ds(0, L)]
                for c in range(1, D // L):
                    acc = acc + (urows[row, pl.ds(c * L, L)]
                                 * irows[row, pl.ds(c * L, L)])
                svecs.append(acc)
            w = L // 2
            while len(svecs) > 1:
                svecs = [fold_pair(svecs[2 * i], svecs[2 * i + 1], w)
                         for i in range(len(svecs) // 2)]
                w //= 2
            res = svecs[0] + ubv[pl.ds(g * L, L)] + ibv[pl.ds(g * L, L)]
            outv[pl.ds(g * L, L)] = 5.0 / (1.0 + jnp.exp(-res))
            return carry
        lax.fori_loop(0, n_grp, group, 0)

        pltpu.sync_copy(outv, out_hbm.at[pl.ds(base, b_per_w)])

    return net_kernel


def kernel(users, items, u_weight, i_weight, u_bias, i_bias):
    B = users.shape[0]
    D = u_weight.shape[1]
    k = _make_kernel(B, D)
    return k(users, items, u_weight, i_weight,
             u_bias.reshape(-1), i_bias.reshape(-1))

# --- scband reference (transcript-rebuilt; emitter-appended) ---
"""Pipeline reference for scband-embedding-net-27101243638006 (READ-ONLY COPY).

The authoritative reference and input builder live on the scoring server;
editing this copy changes nothing except your own understanding.
"""

import jax, jax.numpy as jnp
import numpy as np

N_USERS = 1000000
N_ITEMS = 1000000
D = 64
B = 16384
Y0, Y1 = 0.0, 5.0


def setup_inputs(seed: int = 0) -> dict:
    key = jax.random.key(seed)
    ks = jax.random.split(key, 6)
    # indices are 1-based in this model (forward subtracts 1), so sample in [1, vocab)
    users = jax.random.randint(ks[0], (B,), 1, N_USERS, dtype=jnp.int32)
    items = jax.random.randint(ks[1], (B,), 1, N_ITEMS, dtype=jnp.int32)
    u_weight = jax.random.normal(ks[2], (N_USERS, D), dtype=jnp.float32) * 0.01
    i_weight = jax.random.normal(ks[3], (N_ITEMS, D), dtype=jnp.float32) * 0.01
    u_bias = jax.random.normal(ks[4], (N_USERS, 1), dtype=jnp.float32) * 0.01
    i_bias = jax.random.normal(ks[5], (N_ITEMS, 1), dtype=jnp.float32) * 0.01
    return {"users": users, "items": items, "u_weight": u_weight, "i_weight": i_weight, "u_bias": u_bias, "i_bias": i_bias}


def reference(users, items, u_weight, i_weight, u_bias, i_bias):
    user_indices = users - 1
    item_indices = items - 1
    u_emb = jnp.take(u_weight, user_indices, axis=0)
    i_emb = jnp.take(i_weight, item_indices, axis=0)
    dot = (u_emb * i_emb).sum(axis=1)
    ub = jnp.take(u_bias, user_indices, axis=0).squeeze(-1)
    ib = jnp.take(i_bias, item_indices, axis=0).squeeze(-1)
    res = dot + ub + ib
    return jax.nn.sigmoid(res) * (Y1 - Y0) + Y0

if __name__ == "__main__":
    import jax
    _d = setup_inputs()
    print(jax.jit(kernel)(*tuple(_d.values())))

</pallas_src>

<mosaic_0001>
#map = affine_map<(d0, d1) -> (0)>
#map1 = affine_map<(d0, d1) -> (0, 0)>
module attributes {stable_mosaic.version = 14 : i64} {
  func.func @net_kernel(%arg0: i32, %arg1: i32, %arg2: memref<16384xi32, #tpu.memory_space<hbm>>, %arg3: memref<16384xi32, #tpu.memory_space<hbm>>, %arg4: memref<1000000x64xf32, #tpu.memory_space<hbm>>, %arg5: memref<1000000x64xf32, #tpu.memory_space<hbm>>, %arg6: memref<1000000xf32, #tpu.memory_space<hbm>>, %arg7: memref<1000000xf32, #tpu.memory_space<hbm>>, %arg8: memref<16384xf32, #tpu.memory_space<hbm>>, %arg9: memref<4x128xi32, #tpu.memory_space<vmem>>, %arg10: memref<4x128xi32, #tpu.memory_space<vmem>>, %arg11: memref<512x64xf32, #tpu.memory_space<vmem>>, %arg12: memref<512x64xf32, #tpu.memory_space<vmem>>, %arg13: memref<512xf32, #tpu.memory_space<vmem>>, %arg14: memref<512xf32, #tpu.memory_space<vmem>>, %arg15: memref<512xf32, #tpu.memory_space<vmem>>, %arg16: memref<!tpu.dma_semaphore, #tpu.memory_space<semaphore_mem>>, %arg17: memref<!tpu.dma_semaphore, #tpu.memory_space<semaphore_mem>>, %arg18: memref<!tpu.dma_semaphore, #tpu.memory_space<semaphore_mem>>, %arg19: memref<!tpu.dma_semaphore, #tpu.memory_space<semaphore_mem>>) attributes {dimension_semantics = [#tpu.dimension_semantics<core_parallel>, #tpu.dimension_semantics<subcore_parallel>], iteration_bounds = array<i64: 2, 16>, scalar_prefetch = 0 : i64, scratch_operands = 11 : i64, tpu.core_type = #tpu.core_type<sc_vector_subcore>, window_params = [{transform_indices = #map}, {transform_indices = #map}, {transform_indices = #map1}, {transform_indices = #map1}, {transform_indices = #map}, {transform_indices = #map}, {transform_indices = #map}]} {
    %mul3A = arith.constant 2 : i32
    %mul3A_0 = arith.muli %arg1, %mul3A : i32
    %add3A = arith.addi %mul3A_0, %arg0 : i32
    %mul3A_1 = arith.constant 512 : i32
    %mul3A_2 = arith.muli %add3A, %mul3A_1 : i32
    %add3A_3 = arith.constant 0 : i32
    %add3A_4 = arith.addi %mul3A_2, %add3A_3 : i32
    %run_scoped3A = arith.constant 0 : i32
    "tpu.region"() ({
      %run_scoped3A_558 = tpu.sem_alloc : memref<!tpu.dma_semaphore, #tpu.memory_space<semaphore_mem>>
      %dma_start3A_559 = arith.constant 0 : i32
      %dma_start3A_560 = tpu.memref_slice %arg9[%run_scoped3A, %dma_start3A_559] : memref<4x128xi32, #tpu.memory_space<vmem>> -> memref<1x128xi32, #tpu.memory_space<vmem>>
      %dma_start3A_561 = tpu.memref_squeeze %dma_start3A_560 : memref<1x128xi32, #tpu.memory_space<vmem>> -> memref<128xi32, #tpu.memory_space<vmem>>
      %dma_start3A_562 = tpu.memref_slice %arg2[%add3A_4] : memref<16384xi32, #tpu.memory_space<hbm>> -> memref<128xi32, #tpu.memory_space<hbm>>
      %dma_start3A_563 = arith.constant 0 : i32
      %dma_start3A_564 = tpu.memref_slice %arg9[%run_scoped3A, %dma_start3A_563] : memref<4x128xi32, #tpu.memory_space<vmem>> -> memref<1x128xi32, #tpu.memory_space<vmem>>
      %dma_start3A_565 = tpu.memref_squeeze %dma_start3A_564 : memref<1x128xi32, #tpu.memory_space<vmem>> -> memref<128xi32, #tpu.memory_space<vmem>>
      %dma_start3A_566 = tpu.memref_slice %arg2[%add3A_4] : memref<16384xi32, #tpu.memory_space<hbm>> -> memref<128xi32, #tpu.memory_space<hbm>>
      tpu.enqueue_dma source(%dma_start3A_566 : memref<128xi32, #tpu.memory_space<hbm>>) target(%dma_start3A_565 : memref<128xi32, #tpu.memory_space<vmem>>) target_semaphore(%run_scoped3A_558 : memref<!tpu.dma_semaphore, #tpu.memory_space<semaphore_mem>>)
      %dma_wait3A_567 = arith.constant 0 : i32
      %dma_wait3A_568 = tpu.memref_slice %arg9[%run_scoped3A, %dma_wait3A_567] : memref<4x128xi32, #tpu.memory_space<vmem>> -> memref<1x128xi32, #tpu.memory_space<vmem>>
      %dma_wait3A_569 = tpu.memref_squeeze %dma_wait3A_568 : memref<1x128xi32, #tpu.memory_space<vmem>> -> memref<128xi32, #tpu.memory_space<vmem>>
      %dma_wait3A_570 = tpu.memref_slice %arg2[%add3A_4] : memref<16384xi32, #tpu.memory_space<hbm>> -> memref<128xi32, #tpu.memory_space<hbm>>
      %dma_wait3A_571 = arith.constant 0 : i32
      %dma_wait3A_572 = tpu.memref_slice %arg9[%run_scoped3A, %dma_wait3A_571] : memref<4x128xi32, #tpu.memory_space<vmem>> -> memref<1x128xi32, #tpu.memory_space<vmem>>
      %dma_wait3A_573 = tpu.memref_squeeze %dma_wait3A_572 : memref<1x128xi32, #tpu.memory_space<vmem>> -> memref<128xi32, #tpu.memory_space<vmem>>
      %dma_wait3A_574 = tpu.memref_slice %arg2[%add3A_4] : memref<16384xi32, #tpu.memory_space<hbm>> -> memref<128xi32, #tpu.memory_space<hbm>>
      tpu.wait_dma2 semaphore(%run_scoped3A_558 : memref<!tpu.dma_semaphore, #tpu.memory_space<semaphore_mem>>) src(%dma_wait3A_574 : memref<128xi32, #tpu.memory_space<hbm>>) dst(%dma_wait3A_573 : memref<128xi32, #tpu.memory_space<vmem>>)
      tpu.yield
    }) : () -> ()
    %add3A_5 = arith.constant 0 : i32
    %add3A_6 = arith.addi %mul3A_2, %add3A_5 : i32
    %run_scoped3A_7 = arith.constant 0 : i32
    "tpu.region"() ({
      %run_scoped3A_558 = tpu.sem_alloc : memref<!tpu.dma_semaphore, #tpu.memory_space<semaphore_mem>>
      %dma_start3A_559 = arith.constant 0 : i32
      %dma_start3A_560 = tpu.memref_slice %arg10[%run_scoped3A_7, %dma_start3A_559] : memref<4x128xi32, #tpu.memory_space<vmem>> -> memref<1x128xi32, #tpu.memory_space<vmem>>
      %dma_start3A_561 = tpu.memref_squeeze %dma_start3A_560 : memref<1x128xi32, #tpu.memory_space<vmem>> -> memref<128xi32, #tpu.memory_space<vmem>>
      %dma_start3A_562 = tpu.memref_slice %arg3[%add3A_6] : memref<16384xi32, #tpu.memory_space<hbm>> -> memref<128xi32, #tpu.memory_space<hbm>>
      %dma_start3A_563 = arith.constant 0 : i32
      %dma_start3A_564 = tpu.memref_slice %arg10[%run_scoped3A_7, %dma_start3A_563] : memref<4x128xi32, #tpu.memory_space<vmem>> -> memref<1x128xi32, #tpu.memory_space<vmem>>
      %dma_start3A_565 = tpu.memref_squeeze %dma_start3A_564 : memref<1x128xi32, #tpu.memory_space<vmem>> -> memref<128xi32, #tpu.memory_space<vmem>>
      %dma_start3A_566 = tpu.memref_slice %arg3[%add3A_6] : memref<16384xi32, #tpu.memory_space<hbm>> -> memref<128xi32, #tpu.memory_space<hbm>>
      tpu.enqueue_dma source(%dma_start3A_566 : memref<128xi32, #tpu.memory_space<hbm>>) target(%dma_start3A_565 : memref<128xi32, #tpu.memory_space<vmem>>) target_semaphore(%run_scoped3A_558 : memref<!tpu.dma_semaphore, #tpu.memory_space<semaphore_mem>>)
      %dma_wait3A_567 = arith.constant 0 : i32
      %dma_wait3A_568 = tpu.memref_slice %arg10[%run_scoped3A_7, %dma_wait3A_567] : memref<4x128xi32, #tpu.memory_space<vmem>> -> memref<1x128xi32, #tpu.memory_space<vmem>>
      %dma_wait3A_569 = tpu.memref_squeeze %dma_wait3A_568 : memref<1x128xi32, #tpu.memory_space<vmem>> -> memref<128xi32, #tpu.memory_space<vmem>>
      %dma_wait3A_570 = tpu.memref_slice %arg3[%add3A_6] : memref<16384xi32, #tpu.memory_space<hbm>> -> memref<128xi32, #tpu.memory_space<hbm>>
      %dma_wait3A_571 = arith.constant 0 : i32
      %dma_wait3A_572 = tpu.memref_slice %arg10[%run_scoped3A_7, %dma_wait3A_571] : memref<4x128xi32, #tpu.memory_space<vmem>> -> memref<1x128xi32, #tpu.memory_space<vmem>>
      %dma_wait3A_573 = tpu.memref_squeeze %dma_wait3A_572 : memref<1x128xi32, #tpu.memory_space<vmem>> -> memref<128xi32, #tpu.memory_space<vmem>>
      %dma_wait3A_574 = tpu.memref_slice %arg3[%add3A_6] : memref<16384xi32, #tpu.memory_space<hbm>> -> memref<128xi32, #tpu.memory_space<hbm>>
      tpu.wait_dma2 semaphore(%run_scoped3A_558 : memref<!tpu.dma_semaphore, #tpu.memory_space<semaphore_mem>>) src(%dma_wait3A_574 : memref<128xi32, #tpu.memory_space<hbm>>) dst(%dma_wait3A_573 : memref<128xi32, #tpu.memory_space<vmem>>)
      tpu.yield
    }) : () -> ()
    %add3A_8 = arith.constant 128 : i32
    %add3A_9 = arith.addi %mul3A_2, %add3A_8 : i32
    %run_scoped3A_10 = arith.constant 1 : i32
    "tpu.region"() ({
      %run_scoped3A_558 = tpu.sem_alloc : memref<!tpu.dma_semaphore, #tpu.memory_space<semaphore_mem>>
      %dma_start3A_559 = arith.constant 0 : i32
      %dma_start3A_560 = tpu.memref_slice %arg9[%run_scoped3A_10, %dma_start3A_559] : memref<4x128xi32, #tpu.memory_space<vmem>> -> memref<1x128xi32, #tpu.memory_space<vmem>>
      %dma_start3A_561 = tpu.memref_squeeze %dma_start3A_560 : memref<1x128xi32, #tpu.memory_space<vmem>> -> memref<128xi32, #tpu.memory_space<vmem>>
      %dma_start3A_562 = tpu.memref_slice %arg2[%add3A_9] : memref<16384xi32, #tpu.memory_space<hbm>> -> memref<128xi32, #tpu.memory_space<hbm>>
      %dma_start3A_563 = arith.constant 0 : i32
      %dma_start3A_564 = tpu.memref_slice %arg9[%run_scoped3A_10, %dma_start3A_563] : memref<4x128xi32, #tpu.memory_space<vmem>> -> memref<1x128xi32, #tpu.memory_space<vmem>>
      %dma_start3A_565 = tpu.memref_squeeze %dma_start3A_564 : memref<1x128xi32, #tpu.memory_space<vmem>> -> memref<128xi32, #tpu.memory_space<vmem>>
      %dma_start3A_566 = tpu.memref_slice %arg2[%add3A_9] : memref<16384xi32, #tpu.memory_space<hbm>> -> memref<128xi32, #tpu.memory_space<hbm>>
      tpu.enqueue_dma source(%dma_start3A_566 : memref<128xi32, #tpu.memory_space<hbm>>) target(%dma_start3A_565 : memref<128xi32, #tpu.memory_space<vmem>>) target_semaphore(%run_scoped3A_558 : memref<!tpu.dma_semaphore, #tpu.memory_space<semaphore_mem>>)
      %dma_wait3A_567 = arith.constant 0 : i32
      %dma_wait3A_568 = tpu.memref_slice %arg9[%run_scoped3A_10, %dma_wait3A_567] : memref<4x128xi32, #tpu.memory_space<vmem>> -> memref<1x128xi32, #tpu.memory_space<vmem>>
      %dma_wait3A_569 = tpu.memref_squeeze %dma_wait3A_568 : memref<1x128xi32, #tpu.memory_space<vmem>> -> memref<128xi32, #tpu.memory_space<vmem>>
      %dma_wait3A_570 = tpu.memref_slice %arg2[%add3A_9] : memref<16384xi32, #tpu.memory_space<hbm>> -> memref<128xi32, #tpu.memory_space<hbm>>
      %dma_wait3A_571 = arith.constant 0 : i32
      %dma_wait3A_572 = tpu.memref_slice %arg9[%run_scoped3A_10, %dma_wait3A_571] : memref<4x128xi32, #tpu.memory_space<vmem>> -> memref<1x128xi32, #tpu.memory_space<vmem>>
      %dma_wait3A_573 = tpu.memref_squeeze %dma_wait3A_572 : memref<1x128xi32, #tpu.memory_space<vmem>> -> memref<128xi32, #tpu.memory_space<vmem>>
      %dma_wait3A_574 = tpu.memref_slice %arg2[%add3A_9] : memref<16384xi32, #tpu.memory_space<hbm>> -> memref<128xi32, #tpu.memory_space<hbm>>
      tpu.wait_dma2 semaphore(%run_scoped3A_558 : memref<!tpu.dma_semaphore, #tpu.memory_space<semaphore_mem>>) src(%dma_wait3A_574 : memref<128xi32, #tpu.memory_space<hbm>>) dst(%dma_wait3A_573 : memref<128xi32, #tpu.memory_space<vmem>>)
      tpu.yield
    }) : () -> ()
    %add3A_11 = arith.constant 128 : i32
    %add3A_12 = arith.addi %mul3A_2, %add3A_11 : i32
    %run_scoped3A_13 = arith.constant 1 : i32
    "tpu.region"() ({
      %run_scoped3A_558 = tpu.sem_alloc : memref<!tpu.dma_semaphore, #tpu.memory_space<semaphore_mem>>
      %dma_start3A_559 = arith.constant 0 : i32
      %dma_start3A_560 = tpu.memref_slice %arg10[%run_scoped3A_13, %dma_start3A_559] : memref<4x128xi32, #tpu.memory_space<vmem>> -> memref<1x128xi32, #tpu.memory_space<vmem>>
      %dma_start3A_561 = tpu.memref_squeeze %dma_start3A_560 : memref<1x128xi32, #tpu.memory_space<vmem>> -> memref<128xi32, #tpu.memory_space<vmem>>
      %dma_start3A_562 = tpu.memref_slice %arg3[%add3A_12] : memref<16384xi32, #tpu.memory_space<hbm>> -> memref<128xi32, #tpu.memory_space<hbm>>
      %dma_start3A_563 = arith.constant 0 : i32
      %dma_start3A_564 = tpu.memref_slice %arg10[%run_scoped3A_13, %dma_start3A_563] : memref<4x128xi32, #tpu.memory_space<vmem>> -> memref<1x128xi32, #tpu.memory_space<vmem>>
      %dma_start3A_565 = tpu.memref_squeeze %dma_start3A_564 : memref<1x128xi32, #tpu.memory_space<vmem>> -> memref<128xi32, #tpu.memory_space<vmem>>
      %dma_start3A_566 = tpu.memref_slice %arg3[%add3A_12] : memref<16384xi32, #tpu.memory_space<hbm>> -> memref<128xi32, #tpu.memory_space<hbm>>
      tpu.enqueue_dma source(%dma_start3A_566 : memref<128xi32, #tpu.memory_space<hbm>>) target(%dma_start3A_565 : memref<128xi32, #tpu.memory_space<vmem>>) target_semaphore(%run_scoped3A_558 : memref<!tpu.dma_semaphore, #tpu.memory_space<semaphore_mem>>)
      %dma_wait3A_567 = arith.constant 0 : i32
      %dma_wait3A_568 = tpu.memref_slice %arg10[%run_scoped3A_13, %dma_wait3A_567] : memref<4x128xi32, #tpu.memory_space<vmem>> -> memref<1x128xi32, #tpu.memory_space<vmem>>
      %dma_wait3A_569 = tpu.memref_squeeze %dma_wait3A_568 : memref<1x128xi32, #tpu.memory_space<vmem>> -> memref<128xi32, #tpu.memory_space<vmem>>
      %dma_wait3A_570 = tpu.memref_slice %arg3[%add3A_12] : memref<16384xi32, #tpu.memory_space<hbm>> -> memref<128xi32, #tpu.memory_space<hbm>>
      %dma_wait3A_571 = arith.constant 0 : i32
      %dma_wait3A_572 = tpu.memref_slice %arg10[%run_scoped3A_13, %dma_wait3A_571] : memref<4x128xi32, #tpu.memory_space<vmem>> -> memref<1x128xi32, #tpu.memory_space<vmem>>
      %dma_wait3A_573 = tpu.memref_squeeze %dma_wait3A_572 : memref<1x128xi32, #tpu.memory_space<vmem>> -> memref<128xi32, #tpu.memory_space<vmem>>
      %dma_wait3A_574 = tpu.memref_slice %arg3[%add3A_12] : memref<16384xi32, #tpu.memory_space<hbm>> -> memref<128xi32, #tpu.memory_space<hbm>>
      tpu.wait_dma2 semaphore(%run_scoped3A_558 : memref<!tpu.dma_semaphore, #tpu.memory_space<semaphore_mem>>) src(%dma_wait3A_574 : memref<128xi32, #tpu.memory_space<hbm>>) dst(%dma_wait3A_573 : memref<128xi32, #tpu.memory_space<vmem>>)
      tpu.yield
    }) : () -> ()
    %add3A_14 = arith.constant 256 : i32
    %add3A_15 = arith.addi %mul3A_2, %add3A_14 : i32
    %run_scoped3A_16 = arith.constant 2 : i32
    "tpu.region"() ({
      %run_scoped3A_558 = tpu.sem_alloc : memref<!tpu.dma_semaphore, #tpu.memory_space<semaphore_mem>>
      %dma_start3A_559 = arith.constant 0 : i32
      %dma_start3A_560 = tpu.memref_slice %arg9[%run_scoped3A_16, %dma_start3A_559] : memref<4x128xi32, #tpu.memory_space<vmem>> -> memref<1x128xi32, #tpu.memory_space<vmem>>
      %dma_start3A_561 = tpu.memref_squeeze %dma_start3A_560 : memref<1x128xi32, #tpu.memory_space<vmem>> -> memref<128xi32, #tpu.memory_space<vmem>>
      %dma_start3A_562 = tpu.memref_slice %arg2[%add3A_15] : memref<16384xi32, #tpu.memory_space<hbm>> -> memref<128xi32, #tpu.memory_space<hbm>>
      %dma_start3A_563 = arith.constant 0 : i32
      %dma_start3A_564 = tpu.memref_slice %arg9[%run_scoped3A_16, %dma_start3A_563] : memref<4x128xi32, #tpu.memory_space<vmem>> -> memref<1x128xi32, #tpu.memory_space<vmem>>
      %dma_start3A_565 = tpu.memref_squeeze %dma_start3A_564 : memref<1x128xi32, #tpu.memory_space<vmem>> -> memref<128xi32, #tpu.memory_space<vmem>>
      %dma_start3A_566 = tpu.memref_slice %arg2[%add3A_15] : memref<16384xi32, #tpu.memory_space<hbm>> -> memref<128xi32, #tpu.memory_space<hbm>>
      tpu.enqueue_dma source(%dma_start3A_566 : memref<128xi32, #tpu.memory_space<hbm>>) target(%dma_start3A_565 : memref<128xi32, #tpu.memory_space<vmem>>) target_semaphore(%run_scoped3A_558 : memref<!tpu.dma_semaphore, #tpu.memory_space<semaphore_mem>>)
      %dma_wait3A_567 = arith.constant 0 : i32
      %dma_wait3A_568 = tpu.memref_slice %arg9[%run_scoped3A_16, %dma_wait3A_567] : memref<4x128xi32, #tpu.memory_space<vmem>> -> memref<1x128xi32, #tpu.memory_space<vmem>>
      %dma_wait3A_569 = tpu.memref_squeeze %dma_wait3A_568 : memref<1x128xi32, #tpu.memory_space<vmem>> -> memref<128xi32, #tpu.memory_space<vmem>>
      %dma_wait3A_570 = tpu.memref_slice %arg2[%add3A_15] : memref<16384xi32, #tpu.memory_space<hbm>> -> memref<128xi32, #tpu.memory_space<hbm>>
      %dma_wait3A_571 = arith.constant 0 : i32
      %dma_wait3A_572 = tpu.memref_slice %arg9[%run_scoped3A_16, %dma_wait3A_571] : memref<4x128xi32, #tpu.memory_space<vmem>> -> memref<1x128xi32, #tpu.memory_space<vmem>>
      %dma_wait3A_573 = tpu.memref_squeeze %dma_wait3A_572 : memref<1x128xi32, #tpu.memory_space<vmem>> -> memref<128xi32, #tpu.memory_space<vmem>>
      %dma_wait3A_574 = tpu.memref_slice %arg2[%add3A_15] : memref<16384xi32, #tpu.memory_space<hbm>> -> memref<128xi32, #tpu.memory_space<hbm>>
      tpu.wait_dma2 semaphore(%run_scoped3A_558 : memref<!tpu.dma_semaphore, #tpu.memory_space<semaphore_mem>>) src(%dma_wait3A_574 : memref<128xi32, #tpu.memory_space<hbm>>) dst(%dma_wait3A_573 : memref<128xi32, #tpu.memory_space<vmem>>)
      tpu.yield
    }) : () -> ()
    %add3A_17 = arith.constant 256 : i32
    %add3A_18 = arith.addi %mul3A_2, %add3A_17 : i32
    %run_scoped3A_19 = arith.constant 2 : i32
    "tpu.region"() ({
      %run_scoped3A_558 = tpu.sem_alloc : memref<!tpu.dma_semaphore, #tpu.memory_space<semaphore_mem>>
      %dma_start3A_559 = arith.constant 0 : i32
      %dma_start3A_560 = tpu.memref_slice %arg10[%run_scoped3A_19, %dma_start3A_559] : memref<4x128xi32, #tpu.memory_space<vmem>> -> memref<1x128xi32, #tpu.memory_space<vmem>>
      %dma_start3A_561 = tpu.memref_squeeze %dma_start3A_560 : memref<1x128xi32, #tpu.memory_space<vmem>> -> memref<128xi32, #tpu.memory_space<vmem>>
      %dma_start3A_562 = tpu.memref_slice %arg3[%add3A_18] : memref<16384xi32, #tpu.memory_space<hbm>> -> memref<128xi32, #tpu.memory_space<hbm>>
      %dma_start3A_563 = arith.constant 0 : i32
      %dma_start3A_564 = tpu.memref_slice %arg10[%run_scoped3A_19, %dma_start3A_563] : memref<4x128xi32, #tpu.memory_space<vmem>> -> memref<1x128xi32, #tpu.memory_space<vmem>>
      %dma_start3A_565 = tpu.memref_squeeze %dma_start3A_564 : memref<1x128xi32, #tpu.memory_space<vmem>> -> memref<128xi32, #tpu.memory_space<vmem>>
      %dma_start3A_566 = tpu.memref_slice %arg3[%add3A_18] : memref<16384xi32, #tpu.memory_space<hbm>> -> memref<128xi32, #tpu.memory_space<hbm>>
      tpu.enqueue_dma source(%dma_start3A_566 : memref<128xi32, #tpu.memory_space<hbm>>) target(%dma_start3A_565 : memref<128xi32, #tpu.memory_space<vmem>>) target_semaphore(%run_scoped3A_558 : memref<!tpu.dma_semaphore, #tpu.memory_space<semaphore_mem>>)
      %dma_wait3A_567 = arith.constant 0 : i32
      %dma_wait3A_568 = tpu.memref_slice %arg10[%run_scoped3A_19, %dma_wait3A_567] : memref<4x128xi32, #tpu.memory_space<vmem>> -> memref<1x128xi32, #tpu.memory_space<vmem>>
      %dma_wait3A_569 = tpu.memref_squeeze %dma_wait3A_568 : memref<1x128xi32, #tpu.memory_space<vmem>> -> memref<128xi32, #tpu.memory_space<vmem>>
      %dma_wait3A_570 = tpu.memref_slice %arg3[%add3A_18] : memref<16384xi32, #tpu.memory_space<hbm>> -> memref<128xi32, #tpu.memory_space<hbm>>
      %dma_wait3A_571 = arith.constant 0 : i32
      %dma_wait3A_572 = tpu.memref_slice %arg10[%run_scoped3A_19, %dma_wait3A_571] : memref<4x128xi32, #tpu.memory_space<vmem>> -> memref<1x128xi32, #tpu.memory_space<vmem>>
      %dma_wait3A_573 = tpu.memref_squeeze %dma_wait3A_572 : memref<1x128xi32, #tpu.memory_space<vmem>> -> memref<128xi32, #tpu.memory_space<vmem>>
      %dma_wait3A_574 = tpu.memref_slice %arg3[%add3A_18] : memref<16384xi32, #tpu.memory_space<hbm>> -> memref<128xi32, #tpu.memory_space<hbm>>
      tpu.wait_dma2 semaphore(%run_scoped3A_558 : memref<!tpu.dma_semaphore, #tpu.memory_space<semaphore_mem>>) src(%dma_wait3A_574 : memref<128xi32, #tpu.memory_space<hbm>>) dst(%dma_wait3A_573 : memref<128xi32, #tpu.memory_space<vmem>>)
      tpu.yield
    }) : () -> ()
    %add3A_20 = arith.constant 384 : i32
    %add3A_21 = arith.addi %mul3A_2, %add3A_20 : i32
    %run_scoped3A_22 = arith.constant 3 : i32
    "tpu.region"() ({
      %run_scoped3A_558 = tpu.sem_alloc : memref<!tpu.dma_semaphore, #tpu.memory_space<semaphore_mem>>
      %dma_start3A_559 = arith.constant 0 : i32
      %dma_start3A_560 = tpu.memref_slice %arg9[%run_scoped3A_22, %dma_start3A_559] : memref<4x128xi32, #tpu.memory_space<vmem>> -> memref<1x128xi32, #tpu.memory_space<vmem>>
      %dma_start3A_561 = tpu.memref_squeeze %dma_start3A_560 : memref<1x128xi32, #tpu.memory_space<vmem>> -> memref<128xi32, #tpu.memory_space<vmem>>
      %dma_start3A_562 = tpu.memref_slice %arg2[%add3A_21] : memref<16384xi32, #tpu.memory_space<hbm>> -> memref<128xi32, #tpu.memory_space<hbm>>
      %dma_start3A_563 = arith.constant 0 : i32
      %dma_start3A_564 = tpu.memref_slice %arg9[%run_scoped3A_22, %dma_start3A_563] : memref<4x128xi32, #tpu.memory_space<vmem>> -> memref<1x128xi32, #tpu.memory_space<vmem>>
      %dma_start3A_565 = tpu.memref_squeeze %dma_start3A_564 : memref<1x128xi32, #tpu.memory_space<vmem>> -> memref<128xi32, #tpu.memory_space<vmem>>
      %dma_start3A_566 = tpu.memref_slice %arg2[%add3A_21] : memref<16384xi32, #tpu.memory_space<hbm>> -> memref<128xi32, #tpu.memory_space<hbm>>
      tpu.enqueue_dma source(%dma_start3A_566 : memref<128xi32, #tpu.memory_space<hbm>>) target(%dma_start3A_565 : memref<128xi32, #tpu.memory_space<vmem>>) target_semaphore(%run_scoped3A_558 : memref<!tpu.dma_semaphore, #tpu.memory_space<semaphore_mem>>)
      %dma_wait3A_567 = arith.constant 0 : i32
      %dma_wait3A_568 = tpu.memref_slice %arg9[%run_scoped3A_22, %dma_wait3A_567] : memref<4x128xi32, #tpu.memory_space<vmem>> -> memref<1x128xi32, #tpu.memory_space<vmem>>
      %dma_wait3A_569 = tpu.memref_squeeze %dma_wait3A_568 : memref<1x128xi32, #tpu.memory_space<vmem>> -> memref<128xi32, #tpu.memory_space<vmem>>
      %dma_wait3A_570 = tpu.memref_slice %arg2[%add3A_21] : memref<16384xi32, #tpu.memory_space<hbm>> -> memref<128xi32, #tpu.memory_space<hbm>>
      %dma_wait3A_571 = arith.constant 0 : i32
      %dma_wait3A_572 = tpu.memref_slice %arg9[%run_scoped3A_22, %dma_wait3A_571] : memref<4x128xi32, #tpu.memory_space<vmem>> -> memref<1x128xi32, #tpu.memory_space<vmem>>
      %dma_wait3A_573 = tpu.memref_squeeze %dma_wait3A_572 : memref<1x128xi32, #tpu.memory_space<vmem>> -> memref<128xi32, #tpu.memory_space<vmem>>
      %dma_wait3A_574 = tpu.memref_slice %arg2[%add3A_21] : memref<16384xi32, #tpu.memory_space<hbm>> -> memref<128xi32, #tpu.memory_space<hbm>>
      tpu.wait_dma2 semaphore(%run_scoped3A_558 : memref<!tpu.dma_semaphore, #tpu.memory_space<semaphore_mem>>) src(%dma_wait3A_574 : memref<128xi32, #tpu.memory_space<hbm>>) dst(%dma_wait3A_573 : memref<128xi32, #tpu.memory_space<vmem>>)
      tpu.yield
    }) : () -> ()
    %add3A_23 = arith.constant 384 : i32
    %add3A_24 = arith.addi %mul3A_2, %add3A_23 : i32
    %run_scoped3A_25 = arith.constant 3 : i32
    "tpu.region"() ({
      %run_scoped3A_558 = tpu.sem_alloc : memref<!tpu.dma_semaphore, #tpu.memory_space<semaphore_mem>>
      %dma_start3A_559 = arith.constant 0 : i32
      %dma_start3A_560 = tpu.memref_slice %arg10[%run_scoped3A_25, %dma_start3A_559] : memref<4x128xi32, #tpu.memory_space<vmem>> -> memref<1x128xi32, #tpu.memory_space<vmem>>
      %dma_start3A_561 = tpu.memref_squeeze %dma_start3A_560 : memref<1x128xi32, #tpu.memory_space<vmem>> -> memref<128xi32, #tpu.memory_space<vmem>>
      %dma_start3A_562 = tpu.memref_slice %arg3[%add3A_24] : memref<16384xi32, #tpu.memory_space<hbm>> -> memref<128xi32, #tpu.memory_space<hbm>>
      %dma_start3A_563 = arith.constant 0 : i32
      %dma_start3A_564 = tpu.memref_slice %arg10[%run_scoped3A_25, %dma_start3A_563] : memref<4x128xi32, #tpu.memory_space<vmem>> -> memref<1x128xi32, #tpu.memory_space<vmem>>
      %dma_start3A_565 = tpu.memref_squeeze %dma_start3A_564 : memref<1x128xi32, #tpu.memory_space<vmem>> -> memref<128xi32, #tpu.memory_space<vmem>>
      %dma_start3A_566 = tpu.memref_slice %arg3[%add3A_24] : memref<16384xi32, #tpu.memory_space<hbm>> -> memref<128xi32, #tpu.memory_space<hbm>>
      tpu.enqueue_dma source(%dma_start3A_566 : memref<128xi32, #tpu.memory_space<hbm>>) target(%dma_start3A_565 : memref<128xi32, #tpu.memory_space<vmem>>) target_semaphore(%run_scoped3A_558 : memref<!tpu.dma_semaphore, #tpu.memory_space<semaphore_mem>>)
      %dma_wait3A_567 = arith.constant 0 : i32
      %dma_wait3A_568 = tpu.memref_slice %arg10[%run_scoped3A_25, %dma_wait3A_567] : memref<4x128xi32, #tpu.memory_space<vmem>> -> memref<1x128xi32, #tpu.memory_space<vmem>>
      %dma_wait3A_569 = tpu.memref_squeeze %dma_wait3A_568 : memref<1x128xi32, #tpu.memory_space<vmem>> -> memref<128xi32, #tpu.memory_space<vmem>>
      %dma_wait3A_570 = tpu.memref_slice %arg3[%add3A_24] : memref<16384xi32, #tpu.memory_space<hbm>> -> memref<128xi32, #tpu.memory_space<hbm>>
      %dma_wait3A_571 = arith.constant 0 : i32
      %dma_wait3A_572 = tpu.memref_slice %arg10[%run_scoped3A_25, %dma_wait3A_571] : memref<4x128xi32, #tpu.memory_space<vmem>> -> memref<1x128xi32, #tpu.memory_space<vmem>>
      %dma_wait3A_573 = tpu.memref_squeeze %dma_wait3A_572 : memref<1x128xi32, #tpu.memory_space<vmem>> -> memref<128xi32, #tpu.memory_space<vmem>>
      %dma_wait3A_574 = tpu.memref_slice %arg3[%add3A_24] : memref<16384xi32, #tpu.memory_space<hbm>> -> memref<128xi32, #tpu.memory_space<hbm>>
      tpu.wait_dma2 semaphore(%run_scoped3A_558 : memref<!tpu.dma_semaphore, #tpu.memory_space<semaphore_mem>>) src(%dma_wait3A_574 : memref<128xi32, #tpu.memory_space<hbm>>) dst(%dma_wait3A_573 : memref<128xi32, #tpu.memory_space<vmem>>)
      tpu.yield
    }) : () -> ()
    %scan3A = arith.constant 0 : i32
    %scan3A_26 = arith.constant 0 : i32
    %scan3A_27 = arith.constant 32 : i32
    %scan3A_28 = arith.addi %scan3A_26, %scan3A_27 : i32
    %scan3A_29 = arith.constant 1 : i32
    scf.for %scan3A_558 = %scan3A_26 to %scan3A_28 step %scan3A_29  : i32 {
      %jit3A_559 = arith.constant 8 : i32
      %div3A_560 = arith.divsi %scan3A_558, %jit3A_559 : i32
      %sign3A_561 = arith.constant 0 : i32
      %sign3A_562 = arith.cmpi sgt, %scan3A_558, %sign3A_561 : i32
      %sign3A_563 = arith.extui %sign3A_562 : i1 to i32
      %sign3A_564 = arith.constant 0 : i32
      %sign3A_565 = arith.cmpi slt, %scan3A_558, %sign3A_564 : i32
      %sign3A_566 = arith.extui %sign3A_565 : i1 to i32
      %sign3A_567 = arith.subi %sign3A_563, %sign3A_566 : i32
      %sign3A_568 = arith.constant 0 : i32
      %sign3A_569 = arith.cmpi sgt, %jit3A_559, %sign3A_568 : i32
      %sign3A_570 = arith.extui %sign3A_569 : i1 to i32
      %sign3A_571 = arith.constant 0 : i32
      %sign3A_572 = arith.cmpi slt, %jit3A_559, %sign3A_571 : i32
      %sign3A_573 = arith.extui %sign3A_572 : i1 to i32
      %sign3A_574 = arith.subi %sign3A_570, %sign3A_573 : i32
      %ne3A_575 = arith.cmpi ne, %sign3A_567, %sign3A_574 : i32
      %rem3A_576 = arith.remsi %scan3A_558, %jit3A_559 : i32
      %ne3A_577 = arith.constant 0 : i32
      %ne3A_578 = arith.cmpi ne, %rem3A_576, %ne3A_577 : i32
      %and3A_579 = arith.andi %ne3A_575, %ne3A_578 : i1
      %sub3A_580 = arith.constant 1 : i32
      %sub3A_581 = arith.subi %div3A_560, %sub3A_580 : i32
      %select_n3A_582 = arith.select %and3A_579, %sub3A_581, %div3A_560 : i32
      %jit3A_583 = arith.constant 8 : i32
      %eq3A_584 = arith.constant 0 : i32
      %eq3A_585 = arith.cmpi eq, %jit3A_583, %eq3A_584 : i32
      %jit3A_586 = arith.constant 1 : i32
      %select_n3A_587 = arith.select %eq3A_585, %jit3A_586, %jit3A_583 : i32
      %rem3A_588 = arith.remsi %scan3A_558, %select_n3A_587 : i32
      %ne3A_589 = arith.constant 0 : i32
      %ne3A_590 = arith.cmpi ne, %rem3A_588, %ne3A_589 : i32
      %lt3A_591 = arith.constant 0 : i32
      %lt3A_592 = arith.cmpi slt, %rem3A_588, %lt3A_591 : i32
      %lt3A_593 = arith.constant 0 : i32
      %lt3A_594 = arith.cmpi slt, %select_n3A_587, %lt3A_593 : i32
      %ne3A_595 = arith.xori %lt3A_592, %lt3A_594 : i1
      %and3A_596 = arith.andi %ne3A_595, %ne3A_590 : i1
      %add3A_597 = arith.addi %rem3A_588, %select_n3A_587 : i32
      %select_n3A_598 = arith.select %and3A_596, %add3A_597, %rem3A_588 : i32
      %mul3A_599 = arith.constant 16 : i32
      %mul3A_600 = arith.muli %select_n3A_598, %mul3A_599 : i32
      %get3A = arith.index_cast %select_n3A_582 : i32 to index
      %get3A_601 = arith.index_cast %mul3A_600 : i32 to index
      %get3A_602 = tpu.vector_load %arg9[%get3A, %get3A_601] {strides = array<i32>} : memref<4x128xi32, #tpu.memory_space<vmem>>, vector<16xi32>,
      %sub3A_603 = arith.constant 1 : i32
      %sub3A_604 = vector.broadcast %sub3A_603 : i32 to vector<16xi32>
      %sub3A_605 = arith.subi %get3A_602, %sub3A_604 : vector<16xi32>
      %swap3A = arith.index_cast %select_n3A_582 : i32 to index
      %swap3A_606 = arith.index_cast %mul3A_600 : i32 to index
      %swap3A_607 = tpu.vector_load %arg9[%swap3A, %swap3A_606] {strides = array<i32>} : memref<4x128xi32, #tpu.memory_space<vmem>>, vector<16xi32>,
      tpu.vector_store %arg9[%swap3A, %swap3A_606], %sub3A_605 {strides = array<i32>} : memref<4x128xi32, #tpu.memory_space<vmem>>, vector<16xi32>,
      %get3A_608 = arith.index_cast %select_n3A_582 : i32 to index
      %get3A_609 = arith.index_cast %mul3A_600 : i32 to index
      %get3A_610 = tpu.vector_load %arg10[%get3A_608, %get3A_609] {strides = array<i32>} : memref<4x128xi32, #tpu.memory_space<vmem>>, vector<16xi32>,
      %sub3A_611 = arith.constant 1 : i32
      %sub3A_612 = vector.broadcast %sub3A_611 : i32 to vector<16xi32>
      %sub3A_613 = arith.subi %get3A_610, %sub3A_612 : vector<16xi32>
      %swap3A_614 = arith.index_cast %select_n3A_582 : i32 to index
      %swap3A_615 = arith.index_cast %mul3A_600 : i32 to index
      %swap3A_616 = tpu.vector_load %arg10[%swap3A_614, %swap3A_615] {strides = array<i32>} : memref<4x128xi32, #tpu.memory_space<vmem>>, vector<16xi32>,
      tpu.vector_store %arg10[%swap3A_614, %swap3A_615], %sub3A_613 {strides = array<i32>} : memref<4x128xi32, #tpu.memory_space<vmem>>, vector<16xi32>,
    }
    %scan3A_30 = arith.constant 32 : i32
    %dma_start3A = arith.constant 0 : i32
    %dma_start3A_31 = arith.constant 0 : i32
    %dma_start3A_32 = arith.constant 0 : i32
    %dma_start3A_33 = tpu.memref_slice %arg11[%dma_start3A_31, %dma_start3A_32] : memref<512x64xf32, #tpu.memory_space<vmem>> -> memref<128x64xf32, #tpu.memory_space<vmem>>
    %dma_start3A_34 = arith.constant 0 : i32
    %dma_start3A_35 = tpu.memref_slice %arg9[%dma_start3A, %dma_start3A_34] : memref<4x128xi32, #tpu.memory_space<vmem>> -> memref<1x128xi32, #tpu.memory_space<vmem>>
    %dma_start3A_36 = tpu.memref_squeeze %dma_start3A_35 : memref<1x128xi32, #tpu.memory_space<vmem>> -> memref<128xi32, #tpu.memory_space<vmem>>
    %dma_start3A_37 = arith.constant 0 : i32
    %dma_start3A_38 = arith.constant 0 : i32
    %dma_start3A_39 = tpu.memref_slice %arg4[%dma_start3A_37, %dma_start3A_38] : memref<1000000x64xf32, #tpu.memory_space<hbm>> -> memref<1000000x64xf32, #tpu.memory_space<hbm>>
    tpu.enqueue_indirect_dma source(%dma_start3A_39 : memref<1000000x64xf32, #tpu.memory_space<hbm>>) target(%dma_start3A_33 : memref<128x64xf32, #tpu.memory_space<vmem>>) offsets(%dma_start3A_36 : memref<128xi32, #tpu.memory_space<vmem>>) semaphore(%arg16 : memref<!tpu.dma_semaphore, #tpu.memory_space<semaphore_mem>>)
    %dma_start3A_40 = arith.constant 0 : i32
    %dma_start3A_41 = arith.constant 0 : i32
    %dma_start3A_42 = arith.constant 0 : i32
    %dma_start3A_43 = tpu.memref_slice %arg12[%dma_start3A_41, %dma_start3A_42] : memref<512x64xf32, #tpu.memory_space<vmem>> -> memref<128x64xf32, #tpu.memory_space<vmem>>
    %dma_start3A_44 = arith.constant 0 : i32
    %dma_start3A_45 = tpu.memref_slice %arg10[%dma_start3A_40, %dma_start3A_44] : memref<4x128xi32, #tpu.memory_space<vmem>> -> memref<1x128xi32, #tpu.memory_space<vmem>>
    %dma_start3A_46 = tpu.memref_squeeze %dma_start3A_45 : memref<1x128xi32, #tpu.memory_space<vmem>> -> memref<128xi32, #tpu.memory_space<vmem>>
    %dma_start3A_47 = arith.constant 0 : i32
    %dma_start3A_48 = arith.constant 0 : i32
    %dma_start3A_49 = tpu.memref_slice %arg5[%dma_start3A_47, %dma_start3A_48] : memref<1000000x64xf32, #tpu.memory_space<hbm>> -> memref<1000000x64xf32, #tpu.memory_space<hbm>>
    tpu.enqueue_indirect_dma source(%dma_start3A_49 : memref<1000000x64xf32, #tpu.memory_space<hbm>>) target(%dma_start3A_43 : memref<128x64xf32, #tpu.memory_space<vmem>>) offsets(%dma_start3A_46 : memref<128xi32, #tpu.memory_space<vmem>>) semaphore(%arg17 : memref<!tpu.dma_semaphore, #tpu.memory_space<semaphore_mem>>)
    %dma_start3A_50 = arith.constant 0 : i32
    %dma_start3A_51 = arith.constant 0 : i32
    %dma_start3A_52 = tpu.memref_slice %arg13[%dma_start3A_51] : memref<512xf32, #tpu.memory_space<vmem>> -> memref<128xf32, #tpu.memory_space<vmem>>
    %dma_start3A_53 = arith.constant 0 : i32
    %dma_start3A_54 = tpu.memref_slice %arg9[%dma_start3A_50, %dma_start3A_53] : memref<4x128xi32, #tpu.memory_space<vmem>> -> memref<1x128xi32, #tpu.memory_space<vmem>>
    %dma_start3A_55 = tpu.memref_squeeze %dma_start3A_54 : memref<1x128xi32, #tpu.memory_space<vmem>> -> memref<128xi32, #tpu.memory_space<vmem>>
    %dma_start3A_56 = arith.constant 0 : i32
    %dma_start3A_57 = tpu.memref_slice %arg6[%dma_start3A_56] : memref<1000000xf32, #tpu.memory_space<hbm>> -> memref<1000000xf32, #tpu.memory_space<hbm>>
    tpu.enqueue_indirect_dma source(%dma_start3A_57 : memref<1000000xf32, #tpu.memory_space<hbm>>) target(%dma_start3A_52 : memref<128xf32, #tpu.memory_space<vmem>>) offsets(%dma_start3A_55 : memref<128xi32, #tpu.memory_space<vmem>>) semaphore(%arg18 : memref<!tpu.dma_semaphore, #tpu.memory_space<semaphore_mem>>)
    %dma_start3A_58 = arith.constant 0 : i32
    %dma_start3A_59 = arith.constant 0 : i32
    %dma_start3A_60 = tpu.memref_slice %arg14[%dma_start3A_59] : memref<512xf32, #tpu.memory_space<vmem>> -> memref<128xf32, #tpu.memory_space<vmem>>
    %dma_start3A_61 = arith.constant 0 : i32
    %dma_start3A_62 = tpu.memref_slice %arg10[%dma_start3A_58, %dma_start3A_61] : memref<4x128xi32, #tpu.memory_space<vmem>> -> memref<1x128xi32, #tpu.memory_space<vmem>>
    %dma_start3A_63 = tpu.memref_squeeze %dma_start3A_62 : memref<1x128xi32, #tpu.memory_space<vmem>> -> memref<128xi32, #tpu.memory_space<vmem>>
    %dma_start3A_64 = arith.constant 0 : i32
    %dma_start3A_65 = tpu.memref_slice %arg7[%dma_start3A_64] : memref<1000000xf32, #tpu.memory_space<hbm>> -> memref<1000000xf32, #tpu.memory_space<hbm>>
    tpu.enqueue_indirect_dma source(%dma_start3A_65 : memref<1000000xf32, #tpu.memory_space<hbm>>) target(%dma_start3A_60 : memref<128xf32, #tpu.memory_space<vmem>>) offsets(%dma_start3A_63 : memref<128xi32, #tpu.memory_space<vmem>>) semaphore(%arg19 : memref<!tpu.dma_semaphore, #tpu.memory_space<semaphore_mem>>)
    %dma_start3A_66 = arith.constant 1 : i32
    %dma_start3A_67 = arith.constant 128 : i32
    %dma_start3A_68 = arith.constant 0 : i32
    %dma_start3A_69 = tpu.memref_slice %arg11[%dma_start3A_67, %dma_start3A_68] : memref<512x64xf32, #tpu.memory_space<vmem>> -> memref<128x64xf32, #tpu.memory_space<vmem>>
    %dma_start3A_70 = arith.constant 0 : i32
    %dma_start3A_71 = tpu.memref_slice %arg9[%dma_start3A_66, %dma_start3A_70] : memref<4x128xi32, #tpu.memory_space<vmem>> -> memref<1x128xi32, #tpu.memory_space<vmem>>
    %dma_start3A_72 = tpu.memref_squeeze %dma_start3A_71 : memref<1x128xi32, #tpu.memory_space<vmem>> -> memref<128xi32, #tpu.memory_space<vmem>>
    %dma_start3A_73 = arith.constant 0 : i32
    %dma_start3A_74 = arith.constant 0 : i32
    %dma_start3A_75 = tpu.memref_slice %arg4[%dma_start3A_73, %dma_start3A_74] : memref<1000000x64xf32, #tpu.memory_space<hbm>> -> memref<1000000x64xf32, #tpu.memory_space<hbm>>
    tpu.enqueue_indirect_dma source(%dma_start3A_75 : memref<1000000x64xf32, #tpu.memory_space<hbm>>) target(%dma_start3A_69 : memref<128x64xf32, #tpu.memory_space<vmem>>) offsets(%dma_start3A_72 : memref<128xi32, #tpu.memory_space<vmem>>) semaphore(%arg16 : memref<!tpu.dma_semaphore, #tpu.memory_space<semaphore_mem>>)
    %dma_start3A_76 = arith.constant 1 : i32
    %dma_start3A_77 = arith.constant 128 : i32
    %dma_start3A_78 = arith.constant 0 : i32
    %dma_start3A_79 = tpu.memref_slice %arg12[%dma_start3A_77, %dma_start3A_78] : memref<512x64xf32, #tpu.memory_space<vmem>> -> memref<128x64xf32, #tpu.memory_space<vmem>>
    %dma_start3A_80 = arith.constant 0 : i32
    %dma_start3A_81 = tpu.memref_slice %arg10[%dma_start3A_76, %dma_start3A_80] : memref<4x128xi32, #tpu.memory_space<vmem>> -> memref<1x128xi32, #tpu.memory_space<vmem>>
    %dma_start3A_82 = tpu.memref_squeeze %dma_start3A_81 : memref<1x128xi32, #tpu.memory_space<vmem>> -> memref<128xi32, #tpu.memory_space<vmem>>
    %dma_start3A_83 = arith.constant 0 : i32
    %dma_start3A_84 = arith.constant 0 : i32
    %dma_start3A_85 = tpu.memref_slice %arg5[%dma_start3A_83, %dma_start3A_84] : memref<1000000x64xf32, #tpu.memory_space<hbm>> -> memref<1000000x64xf32, #tpu.memory_space<hbm>>
    tpu.enqueue_indirect_dma source(%dma_start3A_85 : memref<1000000x64xf32, #tpu.memory_space<hbm>>) target(%dma_start3A_79 : memref<128x64xf32, #tpu.memory_space<vmem>>) offsets(%dma_start3A_82 : memref<128xi32, #tpu.memory_space<vmem>>) semaphore(%arg17 : memref<!tpu.dma_semaphore, #tpu.memory_space<semaphore_mem>>)
    %dma_start3A_86 = arith.constant 1 : i32
    %dma_start3A_87 = arith.constant 128 : i32
    %dma_start3A_88 = tpu.memref_slice %arg13[%dma_start3A_87] : memref<512xf32, #tpu.memory_space<vmem>> -> memref<128xf32, #tpu.memory_space<vmem>>
    %dma_start3A_89 = arith.constant 0 : i32
    %dma_start3A_90 = tpu.memref_slice %arg9[%dma_start3A_86, %dma_start3A_89] : memref<4x128xi32, #tpu.memory_space<vmem>> -> memref<1x128xi32, #tpu.memory_space<vmem>>
    %dma_start3A_91 = tpu.memref_squeeze %dma_start3A_90 : memref<1x128xi32, #tpu.memory_space<vmem>> -> memref<128xi32, #tpu.memory_space<vmem>>
    %dma_start3A_92 = arith.constant 0 : i32
    %dma_start3A_93 = tpu.memref_slice %arg6[%dma_start3A_92] : memref<1000000xf32, #tpu.memory_space<hbm>> -> memref<1000000xf32, #tpu.memory_space<hbm>>
    tpu.enqueue_indirect_dma source(%dma_start3A_93 : memref<1000000xf32, #tpu.memory_space<hbm>>) target(%dma_start3A_88 : memref<128xf32, #tpu.memory_space<vmem>>) offsets(%dma_start3A_91 : memref<128xi32, #tpu.memory_space<vmem>>) semaphore(%arg18 : memref<!tpu.dma_semaphore, #tpu.memory_space<semaphore_mem>>)
    %dma_start3A_94 = arith.constant 1 : i32
    %dma_start3A_95 = arith.constant 128 : i32
    %dma_start3A_96 = tpu.memref_slice %arg14[%dma_start3A_95] : memref<512xf32, #tpu.memory_space<vmem>> -> memref<128xf32, #tpu.memory_space<vmem>>
    %dma_start3A_97 = arith.constant 0 : i32
    %dma_start3A_98 = tpu.memref_slice %arg10[%dma_start3A_94, %dma_start3A_97] : memref<4x128xi32, #tpu.memory_space<vmem>> -> memref<1x128xi32, #tpu.memory_space<vmem>>
    %dma_start3A_99 = tpu.memref_squeeze %dma_start3A_98 : memref<1x128xi32, #tpu.memory_space<vmem>> -> memref<128xi32, #tpu.memory_space<vmem>>
    %dma_start3A_100 = arith.constant 0 : i32
    %dma_start3A_101 = tpu.memref_slice %arg7[%dma_start3A_100] : memref<1000000xf32, #tpu.memory_space<hbm>> -> memref<1000000xf32, #tpu.memory_space<hbm>>
    tpu.enqueue_indirect_dma source(%dma_start3A_101 : memref<1000000xf32, #tpu.memory_space<hbm>>) target(%dma_start3A_96 : memref<128xf32, #tpu.memory_space<vmem>>) offsets(%dma_start3A_99 : memref<128xi32, #tpu.memory_space<vmem>>) semaphore(%arg19 : memref<!tpu.dma_semaphore, #tpu.memory_space<semaphore_mem>>)
    %dma_start3A_102 = arith.constant 2 : i32
    %dma_start3A_103 = arith.constant 256 : i32
    %dma_start3A_104 = arith.constant 0 : i32
    %dma_start3A_105 = tpu.memref_slice %arg11[%dma_start3A_103, %dma_start3A_104] : memref<512x64xf32, #tpu.memory_space<vmem>> -> memref<128x64xf32, #tpu.memory_space<vmem>>
    %dma_start3A_106 = arith.constant 0 : i32
    %dma_start3A_107 = tpu.memref_slice %arg9[%dma_start3A_102, %dma_start3A_106] : memref<4x128xi32, #tpu.memory_space<vmem>> -> memref<1x128xi32, #tpu.memory_space<vmem>>
    %dma_start3A_108 = tpu.memref_squeeze %dma_start3A_107 : memref<1x128xi32, #tpu.memory_space<vmem>> -> memref<128xi32, #tpu.memory_space<vmem>>
    %dma_start3A_109 = arith.constant 0 : i32
    %dma_start3A_110 = arith.constant 0 : i32
    %dma_start3A_111 = tpu.memref_slice %arg4[%dma_start3A_109, %dma_start3A_110] : memref<1000000x64xf32, #tpu.memory_space<hbm>> -> memref<1000000x64xf32, #tpu.memory_space<hbm>>
    tpu.enqueue_indirect_dma source(%dma_start3A_111 : memref<1000000x64xf32, #tpu.memory_space<hbm>>) target(%dma_start3A_105 : memref<128x64xf32, #tpu.memory_space<vmem>>) offsets(%dma_start3A_108 : memref<128xi32, #tpu.memory_space<vmem>>) semaphore(%arg16 : memref<!tpu.dma_semaphore, #tpu.memory_space<semaphore_mem>>)
    %dma_start3A_112 = arith.constant 2 : i32
    %dma_start3A_113 = arith.constant 256 : i32
    %dma_start3A_114 = arith.constant 0 : i32
    %dma_start3A_115 = tpu.memref_slice %arg12[%dma_start3A_113, %dma_start3A_114] : memref<512x64xf32, #tpu.memory_space<vmem>> -> memref<128x64xf32, #tpu.memory_space<vmem>>
    %dma_start3A_116 = arith.constant 0 : i32
    %dma_start3A_117 = tpu.memref_slice %arg10[%dma_start3A_112, %dma_start3A_116] : memref<4x128xi32, #tpu.memory_space<vmem>> -> memref<1x128xi32, #tpu.memory_space<vmem>>
    %dma_start3A_118 = tpu.memref_squeeze %dma_start3A_117 : memref<1x128xi32, #tpu.memory_space<vmem>> -> memref<128xi32, #tpu.memory_space<vmem>>
    %dma_start3A_119 = arith.constant 0 : i32
    %dma_start3A_120 = arith.constant 0 : i32
    %dma_start3A_121 = tpu.memref_slice %arg5[%dma_start3A_119, %dma_start3A_120] : memref<1000000x64xf32, #tpu.memory_space<hbm>> -> memref<1000000x64xf32, #tpu.memory_space<hbm>>
    tpu.enqueue_indirect_dma source(%dma_start3A_121 : memref<1000000x64xf32, #tpu.memory_space<hbm>>) target(%dma_start3A_115 : memref<128x64xf32, #tpu.memory_space<vmem>>) offsets(%dma_start3A_118 : memref<128xi32, #tpu.memory_space<vmem>>) semaphore(%arg17 : memref<!tpu.dma_semaphore, #tpu.memory_space<semaphore_mem>>)
    %dma_start3A_122 = arith.constant 2 : i32
    %dma_start3A_123 = arith.constant 256 : i32
    %dma_start3A_124 = tpu.memref_slice %arg13[%dma_start3A_123] : memref<512xf32, #tpu.memory_space<vmem>> -> memref<128xf32, #tpu.memory_space<vmem>>
    %dma_start3A_125 = arith.constant 0 : i32
    %dma_start3A_126 = tpu.memref_slice %arg9[%dma_start3A_122, %dma_start3A_125] : memref<4x128xi32, #tpu.memory_space<vmem>> -> memref<1x128xi32, #tpu.memory_space<vmem>>
    %dma_start3A_127 = tpu.memref_squeeze %dma_start3A_126 : memref<1x128xi32, #tpu.memory_space<vmem>> -> memref<128xi32, #tpu.memory_space<vmem>>
    %dma_start3A_128 = arith.constant 0 : i32
    %dma_start3A_129 = tpu.memref_slice %arg6[%dma_start3A_128] : memref<1000000xf32, #tpu.memory_space<hbm>> -> memref<1000000xf32, #tpu.memory_space<hbm>>
    tpu.enqueue_indirect_dma source(%dma_start3A_129 : memref<1000000xf32, #tpu.memory_space<hbm>>) target(%dma_start3A_124 : memref<128xf32, #tpu.memory_space<vmem>>) offsets(%dma_start3A_127 : memref<128xi32, #tpu.memory_space<vmem>>) semaphore(%arg18 : memref<!tpu.dma_semaphore, #tpu.memory_space<semaphore_mem>>)
    %dma_start3A_130 = arith.constant 2 : i32
    %dma_start3A_131 = arith.constant 256 : i32
    %dma_start3A_132 = tpu.memref_slice %arg14[%dma_start3A_131] : memref<512xf32, #tpu.memory_space<vmem>> -> memref<128xf32, #tpu.memory_space<vmem>>
    %dma_start3A_133 = arith.constant 0 : i32
    %dma_start3A_134 = tpu.memref_slice %arg10[%dma_start3A_130, %dma_start3A_133] : memref<4x128xi32, #tpu.memory_space<vmem>> -> memref<1x128xi32, #tpu.memory_space<vmem>>
    %dma_start3A_135 = tpu.memref_squeeze %dma_start3A_134 : memref<1x128xi32, #tpu.memory_space<vmem>> -> memref<128xi32, #tpu.memory_space<vmem>>
    %dma_start3A_136 = arith.constant 0 : i32
    %dma_start3A_137 = tpu.memref_slice %arg7[%dma_start3A_136] : memref<1000000xf32, #tpu.memory_space<hbm>> -> memref<1000000xf32, #tpu.memory_space<hbm>>
    tpu.enqueue_indirect_dma source(%dma_start3A_137 : memref<1000000xf32, #tpu.memory_space<hbm>>) target(%dma_start3A_132 : memref<128xf32, #tpu.memory_space<vmem>>) offsets(%dma_start3A_135 : memref<128xi32, #tpu.memory_space<vmem>>) semaphore(%arg19 : memref<!tpu.dma_semaphore, #tpu.memory_space<semaphore_mem>>)
    %dma_start3A_138 = arith.constant 3 : i32
    %dma_start3A_139 = arith.constant 384 : i32
    %dma_start3A_140 = arith.constant 0 : i32
    %dma_start3A_141 = tpu.memref_slice %arg11[%dma_start3A_139, %dma_start3A_140] : memref<512x64xf32, #tpu.memory_space<vmem>> -> memref<128x64xf32, #tpu.memory_space<vmem>>
    %dma_start3A_142 = arith.constant 0 : i32
    %dma_start3A_143 = tpu.memref_slice %arg9[%dma_start3A_138, %dma_start3A_142] : memref<4x128xi32, #tpu.memory_space<vmem>> -> memref<1x128xi32, #tpu.memory_space<vmem>>
    %dma_start3A_144 = tpu.memref_squeeze %dma_start3A_143 : memref<1x128xi32, #tpu.memory_space<vmem>> -> memref<128xi32, #tpu.memory_space<vmem>>
    %dma_start3A_145 = arith.constant 0 : i32
    %dma_start3A_146 = arith.constant 0 : i32
    %dma_start3A_147 = tpu.memref_slice %arg4[%dma_start3A_145, %dma_start3A_146] : memref<1000000x64xf32, #tpu.memory_space<hbm>> -> memref<1000000x64xf32, #tpu.memory_space<hbm>>
    tpu.enqueue_indirect_dma source(%dma_start3A_147 : memref<1000000x64xf32, #tpu.memory_space<hbm>>) target(%dma_start3A_141 : memref<128x64xf32, #tpu.memory_space<vmem>>) offsets(%dma_start3A_144 : memref<128xi32, #tpu.memory_space<vmem>>) semaphore(%arg16 : memref<!tpu.dma_semaphore, #tpu.memory_space<semaphore_mem>>)
    %dma_start3A_148 = arith.constant 3 : i32
    %dma_start3A_149 = arith.constant 384 : i32
    %dma_start3A_150 = arith.constant 0 : i32
    %dma_start3A_151 = tpu.memref_slice %arg12[%dma_start3A_149, %dma_start3A_150] : memref<512x64xf32, #tpu.memory_space<vmem>> -> memref<128x64xf32, #tpu.memory_space<vmem>>
    %dma_start3A_152 = arith.constant 0 : i32
    %dma_start3A_153 = tpu.memref_slice %arg10[%dma_start3A_148, %dma_start3A_152] : memref<4x128xi32, #tpu.memory_space<vmem>> -> memref<1x128xi32, #tpu.memory_space<vmem>>
    %dma_start3A_154 = tpu.memref_squeeze %dma_start3A_153 : memref<1x128xi32, #tpu.memory_space<vmem>> -> memref<128xi32, #tpu.memory_space<vmem>>
    %dma_start3A_155 = arith.constant 0 : i32
    %dma_start3A_156 = arith.constant 0 : i32
    %dma_start3A_157 = tpu.memref_slice %arg5[%dma_start3A_155, %dma_start3A_156] : memref<1000000x64xf32, #tpu.memory_space<hbm>> -> memref<1000000x64xf32, #tpu.memory_space<hbm>>
    tpu.enqueue_indirect_dma source(%dma_start3A_157 : memref<1000000x64xf32, #tpu.memory_space<hbm>>) target(%dma_start3A_151 : memref<128x64xf32, #tpu.memory_space<vmem>>) offsets(%dma_start3A_154 : memref<128xi32, #tpu.memory_space<vmem>>) semaphore(%arg17 : memref<!tpu.dma_semaphore, #tpu.memory_space<semaphore_mem>>)
    %dma_start3A_158 = arith.constant 3 : i32
    %dma_start3A_159 = arith.constant 384 : i32
    %dma_start3A_160 = tpu.memref_slice %arg13[%dma_start3A_159] : memref<512xf32, #tpu.memory_space<vmem>> -> memref<128xf32, #tpu.memory_space<vmem>>
    %dma_start3A_161 = arith.constant 0 : i32
    %dma_start3A_162 = tpu.memref_slice %arg9[%dma_start3A_158, %dma_start3A_161] : memref<4x128xi32, #tpu.memory_space<vmem>> -> memref<1x128xi32, #tpu.memory_space<vmem>>
    %dma_start3A_163 = tpu.memref_squeeze %dma_start3A_162 : memref<1x128xi32, #tpu.memory_space<vmem>> -> memref<128xi32, #tpu.memory_space<vmem>>
    %dma_start3A_164 = arith.constant 0 : i32
    %dma_start3A_165 = tpu.memref_slice %arg6[%dma_start3A_164] : memref<1000000xf32, #tpu.memory_space<hbm>> -> memref<1000000xf32, #tpu.memory_space<hbm>>
    tpu.enqueue_indirect_dma source(%dma_start3A_165 : memref<1000000xf32, #tpu.memory_space<hbm>>) target(%dma_start3A_160 : memref<128xf32, #tpu.memory_space<vmem>>) offsets(%dma_start3A_163 : memref<128xi32, #tpu.memory_space<vmem>>) semaphore(%arg18 : memref<!tpu.dma_semaphore, #tpu.memory_space<semaphore_mem>>)
    %dma_start3A_166 = arith.constant 3 : i32
    %dma_start3A_167 = arith.constant 384 : i32
    %dma_start3A_168 = tpu.memref_slice %arg14[%dma_start3A_167] : memref<512xf32, #tpu.memory_space<vmem>> -> memref<128xf32, #tpu.memory_space<vmem>>
    %dma_start3A_169 = arith.constant 0 : i32
    %dma_start3A_170 = tpu.memref_slice %arg10[%dma_start3A_166, %dma_start3A_169] : memref<4x128xi32, #tpu.memory_space<vmem>> -> memref<1x128xi32, #tpu.memory_space<vmem>>
    %dma_start3A_171 = tpu.memref_squeeze %dma_start3A_170 : memref<1x128xi32, #tpu.memory_space<vmem>> -> memref<128xi32, #tpu.memory_space<vmem>>
    %dma_start3A_172 = arith.constant 0 : i32
    %dma_start3A_173 = tpu.memref_slice %arg7[%dma_start3A_172] : memref<1000000xf32, #tpu.memory_space<hbm>> -> memref<1000000xf32, #tpu.memory_space<hbm>>
    tpu.enqueue_indirect_dma source(%dma_start3A_173 : memref<1000000xf32, #tpu.memory_space<hbm>>) target(%dma_start3A_168 : memref<128xf32, #tpu.memory_space<vmem>>) offsets(%dma_start3A_171 : memref<128xi32, #tpu.memory_space<vmem>>) semaphore(%arg19 : memref<!tpu.dma_semaphore, #tpu.memory_space<semaphore_mem>>)
    %dma_wait3A = arith.constant 0 : i32
    %dma_wait3A_174 = arith.constant 0 : i32
    %dma_wait3A_175 = arith.constant 0 : i32
    %dma_wait3A_176 = tpu.memref_slice %arg11[%dma_wait3A_174, %dma_wait3A_175] : memref<512x64xf32, #tpu.memory_space<vmem>> -> memref<128x64xf32, #tpu.memory_space<vmem>>
    %dma_wait3A_177 = arith.constant 0 : i32
    %dma_wait3A_178 = tpu.memref_slice %arg9[%dma_wait3A, %dma_wait3A_177] : memref<4x128xi32, #tpu.memory_space<vmem>> -> memref<1x128xi32, #tpu.memory_space<vmem>>
    %dma_wait3A_179 = tpu.memref_squeeze %dma_wait3A_178 : memref<1x128xi32, #tpu.memory_space<vmem>> -> memref<128xi32, #tpu.memory_space<vmem>>
    %dma_wait3A_180 = arith.constant 0 : i32
    %dma_wait3A_181 = arith.constant 0 : i32
    %dma_wait3A_182 = tpu.memref_slice %arg4[%dma_wait3A_180, %dma_wait3A_181] : memref<1000000x64xf32, #tpu.memory_space<hbm>> -> memref<1000000x64xf32, #tpu.memory_space<hbm>>
    tpu.wait_indirect_dma semaphore(%arg16 : memref<!tpu.dma_semaphore, #tpu.memory_space<semaphore_mem>>) src(%dma_wait3A_182 : memref<1000000x64xf32, #tpu.memory_space<hbm>>) dst(%dma_wait3A_176 : memref<128x64xf32, #tpu.memory_space<vmem>>)
    %dma_wait3A_183 = arith.constant 0 : i32
    %dma_wait3A_184 = arith.constant 0 : i32
    %dma_wait3A_185 = arith.constant 0 : i32
    %dma_wait3A_186 = tpu.memref_slice %arg12[%dma_wait3A_184, %dma_wait3A_185] : memref<512x64xf32, #tpu.memory_space<vmem>> -> memref<128x64xf32, #tpu.memory_space<vmem>>
    %dma_wait3A_187 = arith.constant 0 : i32
    %dma_wait3A_188 = tpu.memref_slice %arg10[%dma_wait3A_183, %dma_wait3A_187] : memref<4x128xi32, #tpu.memory_space<vmem>> -> memref<1x128xi32, #tpu.memory_space<vmem>>
    %dma_wait3A_189 = tpu.memref_squeeze %dma_wait3A_188 : memref<1x128xi32, #tpu.memory_space<vmem>> -> memref<128xi32, #tpu.memory_space<vmem>>
    %dma_wait3A_190 = arith.constant 0 : i32
    %dma_wait3A_191 = arith.constant 0 : i32
    %dma_wait3A_192 = tpu.memref_slice %arg5[%dma_wait3A_190, %dma_wait3A_191] : memref<1000000x64xf32, #tpu.memory_space<hbm>> -> memref<1000000x64xf32, #tpu.memory_space<hbm>>
    tpu.wait_indirect_dma semaphore(%arg17 : memref<!tpu.dma_semaphore, #tpu.memory_space<semaphore_mem>>) src(%dma_wait3A_192 : memref<1000000x64xf32, #tpu.memory_space<hbm>>) dst(%dma_wait3A_186 : memref<128x64xf32, #tpu.memory_space<vmem>>)
    %dma_wait3A_193 = arith.constant 0 : i32
    %dma_wait3A_194 = arith.constant 0 : i32
    %dma_wait3A_195 = tpu.memref_slice %arg13[%dma_wait3A_194] : memref<512xf32, #tpu.memory_space<vmem>> -> memref<128xf32, #tpu.memory_space<vmem>>
    %dma_wait3A_196 = arith.constant 0 : i32
    %dma_wait3A_197 = tpu.memref_slice %arg9[%dma_wait3A_193, %dma_wait3A_196] : memref<4x128xi32, #tpu.memory_space<vmem>> -> memref<1x128xi32, #tpu.memory_space<vmem>>
    %dma_wait3A_198 = tpu.memref_squeeze %dma_wait3A_197 : memref<1x128xi32, #tpu.memory_space<vmem>> -> memref<128xi32, #tpu.memory_space<vmem>>
    %dma_wait3A_199 = arith.constant 0 : i32
    %dma_wait3A_200 = tpu.memref_slice %arg6[%dma_wait3A_199] : memref<1000000xf32, #tpu.memory_space<hbm>> -> memref<1000000xf32, #tpu.memory_space<hbm>>
    tpu.wait_indirect_dma semaphore(%arg18 : memref<!tpu.dma_semaphore, #tpu.memory_space<semaphore_mem>>) src(%dma_wait3A_200 : memref<1000000xf32, #tpu.memory_space<hbm>>) dst(%dma_wait3A_195 : memref<128xf32, #tpu.memory_space<vmem>>)
    %dma_wait3A_201 = arith.constant 0 : i32
    %dma_wait3A_202 = arith.constant 0 : i32
    %dma_wait3A_203 = tpu.memref_slice %arg14[%dma_wait3A_202] : memref<512xf32, #tpu.memory_space<vmem>> -> memref<128xf32, #tpu.memory_space<vmem>>
    %dma_wait3A_204 = arith.constant 0 : i32
    %dma_wait3A_205 = tpu.memref_slice %arg10[%dma_wait3A_201, %dma_wait3A_204] : memref<4x128xi32, #tpu.memory_space<vmem>> -> memref<1x128xi32, #tpu.memory_space<vmem>>
    %dma_wait3A_206 = tpu.memref_squeeze %dma_wait3A_205 : memref<1x128xi32, #tpu.memory_space<vmem>> -> memref<128xi32, #tpu.memory_space<vmem>>
    %dma_wait3A_207 = arith.constant 0 : i32
    %dma_wait3A_208 = tpu.memref_slice %arg7[%dma_wait3A_207] : memref<1000000xf32, #tpu.memory_space<hbm>> -> memref<1000000xf32, #tpu.memory_space<hbm>>
    tpu.wait_indirect_dma semaphore(%arg19 : memref<!tpu.dma_semaphore, #tpu.memory_space<semaphore_mem>>) src(%dma_wait3A_208 : memref<1000000xf32, #tpu.memory_space<hbm>>) dst(%dma_wait3A_203 : memref<128xf32, #tpu.memory_space<vmem>>)
    %dma_wait3A_209 = arith.constant 1 : i32
    %dma_wait3A_210 = arith.constant 128 : i32
    %dma_wait3A_211 = arith.constant 0 : i32
    %dma_wait3A_212 = tpu.memref_slice %arg11[%dma_wait3A_210, %dma_wait3A_211] : memref<512x64xf32, #tpu.memory_space<vmem>> -> memref<128x64xf32, #tpu.memory_space<vmem>>
    %dma_wait3A_213 = arith.constant 0 : i32
    %dma_wait3A_214 = tpu.memref_slice %arg9[%dma_wait3A_209, %dma_wait3A_213] : memref<4x128xi32, #tpu.memory_space<vmem>> -> memref<1x128xi32, #tpu.memory_space<vmem>>
    %dma_wait3A_215 = tpu.memref_squeeze %dma_wait3A_214 : memref<1x128xi32, #tpu.memory_space<vmem>> -> memref<128xi32, #tpu.memory_space<vmem>>
    %dma_wait3A_216 = arith.constant 0 : i32
    %dma_wait3A_217 = arith.constant 0 : i32
    %dma_wait3A_218 = tpu.memref_slice %arg4[%dma_wait3A_216, %dma_wait3A_217] : memref<1000000x64xf32, #tpu.memory_space<hbm>> -> memref<1000000x64xf32, #tpu.memory_space<hbm>>
    tpu.wait_indirect_dma semaphore(%arg16 : memref<!tpu.dma_semaphore, #tpu.memory_space<semaphore_mem>>) src(%dma_wait3A_218 : memref<1000000x64xf32, #tpu.memory_space<hbm>>) dst(%dma_wait3A_212 : memref<128x64xf32, #tpu.memory_space<vmem>>)
    %dma_wait3A_219 = arith.constant 1 : i32
    %dma_wait3A_220 = arith.constant 128 : i32
    %dma_wait3A_221 = arith.constant 0 : i32
    %dma_wait3A_222 = tpu.memref_slice %arg12[%dma_wait3A_220, %dma_wait3A_221] : memref<512x64xf32, #tpu.memory_space<vmem>> -> memref<128x64xf32, #tpu.memory_space<vmem>>
    %dma_wait3A_223 = arith.constant 0 : i32
    %dma_wait3A_224 = tpu.memref_slice %arg10[%dma_wait3A_219, %dma_wait3A_223] : memref<4x128xi32, #tpu.memory_space<vmem>> -> memref<1x128xi32, #tpu.memory_space<vmem>>
    %dma_wait3A_225 = tpu.memref_squeeze %dma_wait3A_224 : memref<1x128xi32, #tpu.memory_space<vmem>> -> memref<128xi32, #tpu.memory_space<vmem>>
    %dma_wait3A_226 = arith.constant 0 : i32
    %dma_wait3A_227 = arith.constant 0 : i32
    %dma_wait3A_228 = tpu.memref_slice %arg5[%dma_wait3A_226, %dma_wait3A_227] : memref<1000000x64xf32, #tpu.memory_space<hbm>> -> memref<1000000x64xf32, #tpu.memory_space<hbm>>
    tpu.wait_indirect_dma semaphore(%arg17 : memref<!tpu.dma_semaphore, #tpu.memory_space<semaphore_mem>>) src(%dma_wait3A_228 : memref<1000000x64xf32, #tpu.memory_space<hbm>>) dst(%dma_wait3A_222 : memref<128x64xf32, #tpu.memory_space<vmem>>)
    %dma_wait3A_229 = arith.constant 1 : i32
    %dma_wait3A_230 = arith.constant 128 : i32
    %dma_wait3A_231 = tpu.memref_slice %arg13[%dma_wait3A_230] : memref<512xf32, #tpu.memory_space<vmem>> -> memref<128xf32, #tpu.memory_space<vmem>>
    %dma_wait3A_232 = arith.constant 0 : i32
    %dma_wait3A_233 = tpu.memref_slice %arg9[%dma_wait3A_229, %dma_wait3A_232] : memref<4x128xi32, #tpu.memory_space<vmem>> -> memref<1x128xi32, #tpu.memory_space<vmem>>
    %dma_wait3A_234 = tpu.memref_squeeze %dma_wait3A_233 : memref<1x128xi32, #tpu.memory_space<vmem>> -> memref<128xi32, #tpu.memory_space<vmem>>
    %dma_wait3A_235 = arith.constant 0 : i32
    %dma_wait3A_236 = tpu.memref_slice %arg6[%dma_wait3A_235] : memref<1000000xf32, #tpu.memory_space<hbm>> -> memref<1000000xf32, #tpu.memory_space<hbm>>
    tpu.wait_indirect_dma semaphore(%arg18 : memref<!tpu.dma_semaphore, #tpu.memory_space<semaphore_mem>>) src(%dma_wait3A_236 : memref<1000000xf32, #tpu.memory_space<hbm>>) dst(%dma_wait3A_231 : memref<128xf32, #tpu.memory_space<vmem>>)
    %dma_wait3A_237 = arith.constant 1 : i32
    %dma_wait3A_238 = arith.constant 128 : i32
    %dma_wait3A_239 = tpu.memref_slice %arg14[%dma_wait3A_238] : memref<512xf32, #tpu.memory_space<vmem>> -> memref<128xf32, #tpu.memory_space<vmem>>
    %dma_wait3A_240 = arith.constant 0 : i32
    %dma_wait3A_241 = tpu.memref_slice %arg10[%dma_wait3A_237, %dma_wait3A_240] : memref<4x128xi32, #tpu.memory_space<vmem>> -> memref<1x128xi32, #tpu.memory_space<vmem>>
    %dma_wait3A_242 = tpu.memref_squeeze %dma_wait3A_241 : memref<1x128xi32, #tpu.memory_space<vmem>> -> memref<128xi32, #tpu.memory_space<vmem>>
    %dma_wait3A_243 = arith.constant 0 : i32
    %dma_wait3A_244 = tpu.memref_slice %arg7[%dma_wait3A_243] : memref<1000000xf32, #tpu.memory_space<hbm>> -> memref<1000000xf32, #tpu.memory_space<hbm>>
    tpu.wait_indirect_dma semaphore(%arg19 : memref<!tpu.dma_semaphore, #tpu.memory_space<semaphore_mem>>) src(%dma_wait3A_244 : memref<1000000xf32, #tpu.memory_space<hbm>>) dst(%dma_wait3A_239 : memref<128xf32, #tpu.memory_space<vmem>>)
    %dma_wait3A_245 = arith.constant 2 : i32
    %dma_wait3A_246 = arith.constant 256 : i32
    %dma_wait3A_247 = arith.constant 0 : i32
    %dma_wait3A_248 = tpu.memref_slice %arg11[%dma_wait3A_246, %dma_wait3A_247] : memref<512x64xf32, #tpu.memory_space<vmem>> -> memref<128x64xf32, #tpu.memory_space<vmem>>
    %dma_wait3A_249 = arith.constant 0 : i32
    %dma_wait3A_250 = tpu.memref_slice %arg9[%dma_wait3A_245, %dma_wait3A_249] : memref<4x128xi32, #tpu.memory_space<vmem>> -> memref<1x128xi32, #tpu.memory_space<vmem>>
    %dma_wait3A_251 = tpu.memref_squeeze %dma_wait3A_250 : memref<1x128xi32, #tpu.memory_space<vmem>> -> memref<128xi32, #tpu.memory_space<vmem>>
    %dma_wait3A_252 = arith.constant 0 : i32
    %dma_wait3A_253 = arith.constant 0 : i32
    %dma_wait3A_254 = tpu.memref_slice %arg4[%dma_wait3A_252, %dma_wait3A_253] : memref<1000000x64xf32, #tpu.memory_space<hbm>> -> memref<1000000x64xf32, #tpu.memory_space<hbm>>
    tpu.wait_indirect_dma semaphore(%arg16 : memref<!tpu.dma_semaphore, #tpu.memory_space<semaphore_mem>>) src(%dma_wait3A_254 : memref<1000000x64xf32, #tpu.memory_space<hbm>>) dst(%dma_wait3A_248 : memref<128x64xf32, #tpu.memory_space<vmem>>)
    %dma_wait3A_255 = arith.constant 2 : i32
    %dma_wait3A_256 = arith.constant 256 : i32
    %dma_wait3A_257 = arith.constant 0 : i32
    %dma_wait3A_258 = tpu.memref_slice %arg12[%dma_wait3A_256, %dma_wait3A_257] : memref<512x64xf32, #tpu.memory_space<vmem>> -> memref<128x64xf32, #tpu.memory_space<vmem>>
    %dma_wait3A_259 = arith.constant 0 : i32
    %dma_wait3A_260 = tpu.memref_slice %arg10[%dma_wait3A_255, %dma_wait3A_259] : memref<4x128xi32, #tpu.memory_space<vmem>> -> memref<1x128xi32, #tpu.memory_space<vmem>>
    %dma_wait3A_261 = tpu.memref_squeeze %dma_wait3A_260 : memref<1x128xi32, #tpu.memory_space<vmem>> -> memref<128xi32, #tpu.memory_space<vmem>>
    %dma_wait3A_262 = arith.constant 0 : i32
    %dma_wait3A_263 = arith.constant 0 : i32
    %dma_wait3A_264 = tpu.memref_slice %arg5[%dma_wait3A_262, %dma_wait3A_263] : memref<1000000x64xf32, #tpu.memory_space<hbm>> -> memref<1000000x64xf32, #tpu.memory_space<hbm>>
    tpu.wait_indirect_dma semaphore(%arg17 : memref<!tpu.dma_semaphore, #tpu.memory_space<semaphore_mem>>) src(%dma_wait3A_264 : memref<1000000x64xf32, #tpu.memory_space<hbm>>) dst(%dma_wait3A_258 : memref<128x64xf32, #tpu.memory_space<vmem>>)
    %dma_wait3A_265 = arith.constant 2 : i32
    %dma_wait3A_266 = arith.constant 256 : i32
    %dma_wait3A_267 = tpu.memref_slice %arg13[%dma_wait3A_266] : memref<512xf32, #tpu.memory_space<vmem>> -> memref<128xf32, #tpu.memory_space<vmem>>
    %dma_wait3A_268 = arith.constant 0 : i32
    %dma_wait3A_269 = tpu.memref_slice %arg9[%dma_wait3A_265, %dma_wait3A_268] : memref<4x128xi32, #tpu.memory_space<vmem>> -> memref<1x128xi32, #tpu.memory_space<vmem>>
    %dma_wait3A_270 = tpu.memref_squeeze %dma_wait3A_269 : memref<1x128xi32, #tpu.memory_space<vmem>> -> memref<128xi32, #tpu.memory_space<vmem>>
    %dma_wait3A_271 = arith.constant 0 : i32
    %dma_wait3A_272 = tpu.memref_slice %arg6[%dma_wait3A_271] : memref<1000000xf32, #tpu.memory_space<hbm>> -> memref<1000000xf32, #tpu.memory_space<hbm>>
    tpu.wait_indirect_dma semaphore(%arg18 : memref<!tpu.dma_semaphore, #tpu.memory_space<semaphore_mem>>) src(%dma_wait3A_272 : memref<1000000xf32, #tpu.memory_space<hbm>>) dst(%dma_wait3A_267 : memref<128xf32, #tpu.memory_space<vmem>>)
    %dma_wait3A_273 = arith.constant 2 : i32
    %dma_wait3A_274 = arith.constant 256 : i32
    %dma_wait3A_275 = tpu.memref_slice %arg14[%dma_wait3A_274] : memref<512xf32, #tpu.memory_space<vmem>> -> memref<128xf32, #tpu.memory_space<vmem>>
    %dma_wait3A_276 = arith.constant 0 : i32
    %dma_wait3A_277 = tpu.memref_slice %arg10[%dma_wait3A_273, %dma_wait3A_276] : memref<4x128xi32, #tpu.memory_space<vmem>> -> memref<1x128xi32, #tpu.memory_space<vmem>>
    %dma_wait3A_278 = tpu.memref_squeeze %dma_wait3A_277 : memref<1x128xi32, #tpu.memory_space<vmem>> -> memref<128xi32, #tpu.memory_space<vmem>>
    %dma_wait3A_279 = arith.constant 0 : i32
    %dma_wait3A_280 = tpu.memref_slice %arg7[%dma_wait3A_279] : memref<1000000xf32, #tpu.memory_space<hbm>> -> memref<1000000xf32, #tpu.memory_space<hbm>>
    tpu.wait_indirect_dma semaphore(%arg19 : memref<!tpu.dma_semaphore, #tpu.memory_space<semaphore_mem>>) src(%dma_wait3A_280 : memref<1000000xf32, #tpu.memory_space<hbm>>) dst(%dma_wait3A_275 : memref<128xf32, #tpu.memory_space<vmem>>)
    %dma_wait3A_281 = arith.constant 3 : i32
    %dma_wait3A_282 = arith.constant 384 : i32
    %dma_wait3A_283 = arith.constant 0 : i32
    %dma_wait3A_284 = tpu.memref_slice %arg11[%dma_wait3A_282, %dma_wait3A_283] : memref<512x64xf32, #tpu.memory_space<vmem>> -> memref<128x64xf32, #tpu.memory_space<vmem>>
    %dma_wait3A_285 = arith.constant 0 : i32
    %dma_wait3A_286 = tpu.memref_slice %arg9[%dma_wait3A_281, %dma_wait3A_285] : memref<4x128xi32, #tpu.memory_space<vmem>> -> memref<1x128xi32, #tpu.memory_space<vmem>>
    %dma_wait3A_287 = tpu.memref_squeeze %dma_wait3A_286 : memref<1x128xi32, #tpu.memory_space<vmem>> -> memref<128xi32, #tpu.memory_space<vmem>>
    %dma_wait3A_288 = arith.constant 0 : i32
    %dma_wait3A_289 = arith.constant 0 : i32
    %dma_wait3A_290 = tpu.memref_slice %arg4[%dma_wait3A_288, %dma_wait3A_289] : memref<1000000x64xf32, #tpu.memory_space<hbm>> -> memref<1000000x64xf32, #tpu.memory_space<hbm>>
    tpu.wait_indirect_dma semaphore(%arg16 : memref<!tpu.dma_semaphore, #tpu.memory_space<semaphore_mem>>) src(%dma_wait3A_290 : memref<1000000x64xf32, #tpu.memory_space<hbm>>) dst(%dma_wait3A_284 : memref<128x64xf32, #tpu.memory_space<vmem>>)
    %dma_wait3A_291 = arith.constant 3 : i32
    %dma_wait3A_292 = arith.constant 384 : i32
    %dma_wait3A_293 = arith.constant 0 : i32
    %dma_wait3A_294 = tpu.memref_slice %arg12[%dma_wait3A_292, %dma_wait3A_293] : memref<512x64xf32, #tpu.memory_space<vmem>> -> memref<128x64xf32, #tpu.memory_space<vmem>>
    %dma_wait3A_295 = arith.constant 0 : i32
    %dma_wait3A_296 = tpu.memref_slice %arg10[%dma_wait3A_291, %dma_wait3A_295] : memref<4x128xi32, #tpu.memory_space<vmem>> -> memref<1x128xi32, #tpu.memory_space<vmem>>
    %dma_wait3A_297 = tpu.memref_squeeze %dma_wait3A_296 : memref<1x128xi32, #tpu.memory_space<vmem>> -> memref<128xi32, #tpu.memory_space<vmem>>
    %dma_wait3A_298 = arith.constant 0 : i32
    %dma_wait3A_299 = arith.constant 0 : i32
    %dma_wait3A_300 = tpu.memref_slice %arg5[%dma_wait3A_298, %dma_wait3A_299] : memref<1000000x64xf32, #tpu.memory_space<hbm>> -> memref<1000000x64xf32, #tpu.memory_space<hbm>>
    tpu.wait_indirect_dma semaphore(%arg17 : memref<!tpu.dma_semaphore, #tpu.memory_space<semaphore_mem>>) src(%dma_wait3A_300 : memref<1000000x64xf32, #tpu.memory_space<hbm>>) dst(%dma_wait3A_294 : memref<128x64xf32, #tpu.memory_space<vmem>>)
    %dma_wait3A_301 = arith.constant 3 : i32
    %dma_wait3A_302 = arith.constant 384 : i32
    %dma_wait3A_303 = tpu.memref_slice %arg13[%dma_wait3A_302] : memref<512xf32, #tpu.memory_space<vmem>> -> memref<128xf32, #tpu.memory_space<vmem>>
    %dma_wait3A_304 = arith.constant 0 : i32
    %dma_wait3A_305 = tpu.memref_slice %arg9[%dma_wait3A_301, %dma_wait3A_304] : memref<4x128xi32, #tpu.memory_space<vmem>> -> memref<1x128xi32, #tpu.memory_space<vmem>>
    %dma_wait3A_306 = tpu.memref_squeeze %dma_wait3A_305 : memref<1x128xi32, #tpu.memory_space<vmem>> -> memref<128xi32, #tpu.memory_space<vmem>>
    %dma_wait3A_307 = arith.constant 0 : i32
    %dma_wait3A_308 = tpu.memref_slice %arg6[%dma_wait3A_307] : memref<1000000xf32, #tpu.memory_space<hbm>> -> memref<1000000xf32, #tpu.memory_space<hbm>>
    tpu.wait_indirect_dma semaphore(%arg18 : memref<!tpu.dma_semaphore, #tpu.memory_space<semaphore_mem>>) src(%dma_wait3A_308 : memref<1000000xf32, #tpu.memory_space<hbm>>) dst(%dma_wait3A_303 : memref<128xf32, #tpu.memory_space<vmem>>)
    %dma_wait3A_309 = arith.constant 3 : i32
    %dma_wait3A_310 = arith.constant 384 : i32
    %dma_wait3A_311 = tpu.memref_slice %arg14[%dma_wait3A_310] : memref<512xf32, #tpu.memory_space<vmem>> -> memref<128xf32, #tpu.memory_space<vmem>>
    %dma_wait3A_312 = arith.constant 0 : i32
    %dma_wait3A_313 = tpu.memref_slice %arg10[%dma_wait3A_309, %dma_wait3A_312] : memref<4x128xi32, #tpu.memory_space<vmem>> -> memref<1x128xi32, #tpu.memory_space<vmem>>
    %dma_wait3A_314 = tpu.memref_squeeze %dma_wait3A_313 : memref<1x128xi32, #tpu.memory_space<vmem>> -> memref<128xi32, #tpu.memory_space<vmem>>
    %dma_wait3A_315 = arith.constant 0 : i32
    %dma_wait3A_316 = tpu.memref_slice %arg7[%dma_wait3A_315] : memref<1000000xf32, #tpu.memory_space<hbm>> -> memref<1000000xf32, #tpu.memory_space<hbm>>
    tpu.wait_indirect_dma semaphore(%arg19 : memref<!tpu.dma_semaphore, #tpu.memory_space<semaphore_mem>>) src(%dma_wait3A_316 : memref<1000000xf32, #tpu.memory_space<hbm>>) dst(%dma_wait3A_311 : memref<128xf32, #tpu.memory_space<vmem>>)
    %iota3A = tpu.iota {dimensions = array<i32: 0>} : vector<16xi32>
    %lt3A = arith.constant 8 : i32
    %lt3A_317 = vector.broadcast %lt3A : i32 to vector<16xi32>
    %lt3A_318 = arith.cmpi slt, %iota3A, %lt3A_317 : vector<16xi32>
    %and3A = arith.constant 7 : i32
    %and3A_319 = vector.broadcast %and3A : i32 to vector<16xi32>
    %and3A_320 = arith.andi %iota3A, %and3A_319 : vector<16xi32>
    %xor3A = arith.constant 8 : i32
    %xor3A_321 = vector.broadcast %xor3A : i32 to vector<16xi32>
    %xor3A_322 = arith.xori %iota3A, %xor3A_321 : vector<16xi32>
    %xor3A_323 = arith.constant 4 : i32
    %xor3A_324 = vector.broadcast %xor3A_323 : i32 to vector<16xi32>
    %xor3A_325 = arith.xori %iota3A, %xor3A_324 : vector<16xi32>
    %xor3A_326 = arith.constant 2 : i32
    %xor3A_327 = vector.broadcast %xor3A_326 : i32 to vector<16xi32>
    %xor3A_328 = arith.xori %iota3A, %xor3A_327 : vector<16xi32>
    %xor3A_329 = arith.constant 1 : i32
    %xor3A_330 = vector.broadcast %xor3A_329 : i32 to vector<16xi32>
    %xor3A_331 = arith.xori %iota3A, %xor3A_330 : vector<16xi32>
    %jit3A = arith.constant 8 : i32
    %div3A = vector.broadcast %jit3A : i32 to vector<16xi32>
    %div3A_332 = arith.divsi %and3A_320, %div3A : vector<16xi32>
    %sign3A = arith.constant 0 : i32
    %sign3A_333 = vector.broadcast %sign3A : i32 to vector<16xi32>
    %sign3A_334 = arith.cmpi sgt, %and3A_320, %sign3A_333 : vector<16xi32>
    %sign3A_335 = arith.extui %sign3A_334 : vector<16xi1> to vector<16xi32>
    %sign3A_336 = arith.constant 0 : i32
    %sign3A_337 = vector.broadcast %sign3A_336 : i32 to vector<16xi32>
    %sign3A_338 = arith.cmpi slt, %and3A_320, %sign3A_337 : vector<16xi32>
    %sign3A_339 = arith.extui %sign3A_338 : vector<16xi1> to vector<16xi32>
    %sign3A_340 = arith.subi %sign3A_335, %sign3A_339 : vector<16xi32>
    %sign3A_341 = arith.constant 0 : i32
    %sign3A_342 = arith.cmpi sgt, %jit3A, %sign3A_341 : i32
    %sign3A_343 = arith.extui %sign3A_342 : i1 to i32
    %sign3A_344 = arith.constant 0 : i32
    %sign3A_345 = arith.cmpi slt, %jit3A, %sign3A_344 : i32
    %sign3A_346 = arith.extui %sign3A_345 : i1 to i32
    %sign3A_347 = arith.subi %sign3A_343, %sign3A_346 : i32
    %ne3A = vector.broadcast %sign3A_347 : i32 to vector<16xi32>
    %ne3A_348 = arith.cmpi ne, %sign3A_340, %ne3A : vector<16xi32>
    %rem3A = vector.broadcast %jit3A : i32 to vector<16xi32>
    %rem3A_349 = arith.remsi %and3A_320, %rem3A : vector<16xi32>
    %ne3A_350 = arith.constant 0 : i32
    %ne3A_351 = vector.broadcast %ne3A_350 : i32 to vector<16xi32>
    %ne3A_352 = arith.cmpi ne, %rem3A_349, %ne3A_351 : vector<16xi32>
    %and3A_353 = arith.andi %ne3A_348, %ne3A_352 : vector<16xi1>
    %sub3A = arith.constant 1 : i32
    %sub3A_354 = vector.broadcast %sub3A : i32 to vector<16xi32>
    %sub3A_355 = arith.subi %div3A_332, %sub3A_354 : vector<16xi32>
    %select_n3A = arith.select %and3A_353, %sub3A_355, %div3A_332 : vector<16xi1>, vector<16xi32>
    %mul3A_356 = arith.constant 16 : i32
    %mul3A_357 = vector.broadcast %mul3A_356 : i32 to vector<16xi32>
    %mul3A_358 = arith.muli %select_n3A, %mul3A_357 : vector<16xi32>
    %jit3A_359 = arith.constant 8 : i32
    %eq3A = arith.constant 0 : i32
    %eq3A_360 = arith.cmpi eq, %jit3A_359, %eq3A : i32
    %jit3A_361 = arith.constant 1 : i32
    %select_n3A_362 = arith.select %eq3A_360, %jit3A_361, %jit3A_359 : i32
    %rem3A_363 = vector.broadcast %select_n3A_362 : i32 to vector<16xi32>
    %rem3A_364 = arith.remsi %and3A_320, %rem3A_363 : vector<16xi32>
    %ne3A_365 = arith.constant 0 : i32
    %ne3A_366 = vector.broadcast %ne3A_365 : i32 to vector<16xi32>
    %ne3A_367 = arith.cmpi ne, %rem3A_364, %ne3A_366 : vector<16xi32>
    %lt3A_368 = arith.constant 0 : i32
    %lt3A_369 = vector.broadcast %lt3A_368 : i32 to vector<16xi32>
    %lt3A_370 = arith.cmpi slt, %rem3A_364, %lt3A_369 : vector<16xi32>
    %lt3A_371 = arith.constant 0 : i32
    %lt3A_372 = arith.cmpi slt, %select_n3A_362, %lt3A_371 : i32
    %ne3A_373 = vector.broadcast %lt3A_372 : i1 to vector<16xi1>
    %ne3A_374 = vector.broadcast %ne3A_373 : vector<16xi1> to vector<16xi1>
    %ne3A_375 = arith.xori %lt3A_370, %ne3A_374 : vector<16xi1>
    %and3A_376 = arith.andi %ne3A_375, %ne3A_367 : vector<16xi1>
    %add3A_377 = vector.broadcast %select_n3A_362 : i32 to vector<16xi32>
    %add3A_378 = arith.addi %rem3A_364, %add3A_377 : vector<16xi32>
    %select_n3A_379 = arith.select %and3A_376, %add3A_378, %rem3A_364 : vector<16xi1>, vector<16xi32>
    %add3A_380 = arith.addi %mul3A_358, %select_n3A_379 : vector<16xi32>
    %jit3A_381 = arith.constant 4 : i32
    %div3A_382 = vector.broadcast %jit3A_381 : i32 to vector<16xi32>
    %div3A_383 = arith.divsi %and3A_320, %div3A_382 : vector<16xi32>
    %sign3A_384 = arith.constant 0 : i32
    %sign3A_385 = vector.broadcast %sign3A_384 : i32 to vector<16xi32>
    %sign3A_386 = arith.cmpi sgt, %and3A_320, %sign3A_385 : vector<16xi32>
    %sign3A_387 = arith.extui %sign3A_386 : vector<16xi1> to vector<16xi32>
    %sign3A_388 = arith.constant 0 : i32
    %sign3A_389 = vector.broadcast %sign3A_388 : i32 to vector<16xi32>
    %sign3A_390 = arith.cmpi slt, %and3A_320, %sign3A_389 : vector<16xi32>
    %sign3A_391 = arith.extui %sign3A_390 : vector<16xi1> to vector<16xi32>
    %sign3A_392 = arith.subi %sign3A_387, %sign3A_391 : vector<16xi32>
    %sign3A_393 = arith.constant 0 : i32
    %sign3A_394 = arith.cmpi sgt, %jit3A_381, %sign3A_393 : i32
    %sign3A_395 = arith.extui %sign3A_394 : i1 to i32
    %sign3A_396 = arith.constant 0 : i32
    %sign3A_397 = arith.cmpi slt, %jit3A_381, %sign3A_396 : i32
    %sign3A_398 = arith.extui %sign3A_397 : i1 to i32
    %sign3A_399 = arith.subi %sign3A_395, %sign3A_398 : i32
    %ne3A_400 = vector.broadcast %sign3A_399 : i32 to vector<16xi32>
    %ne3A_401 = arith.cmpi ne, %sign3A_392, %ne3A_400 : vector<16xi32>
    %rem3A_402 = vector.broadcast %jit3A_381 : i32 to vector<16xi32>
    %rem3A_403 = arith.remsi %and3A_320, %rem3A_402 : vector<16xi32>
    %ne3A_404 = arith.constant 0 : i32
    %ne3A_405 = vector.broadcast %ne3A_404 : i32 to vector<16xi32>
    %ne3A_406 = arith.cmpi ne, %rem3A_403, %ne3A_405 : vector<16xi32>
    %and3A_407 = arith.andi %ne3A_401, %ne3A_406 : vector<16xi1>
    %sub3A_408 = arith.constant 1 : i32
    %sub3A_409 = vector.broadcast %sub3A_408 : i32 to vector<16xi32>
    %sub3A_410 = arith.subi %div3A_383, %sub3A_409 : vector<16xi32>
    %select_n3A_411 = arith.select %and3A_407, %sub3A_410, %div3A_383 : vector<16xi1>, vector<16xi32>
    %mul3A_412 = arith.constant 8 : i32
    %mul3A_413 = vector.broadcast %mul3A_412 : i32 to vector<16xi32>
    %mul3A_414 = arith.muli %select_n3A_411, %mul3A_413 : vector<16xi32>
    %jit3A_415 = arith.constant 4 : i32
    %eq3A_416 = arith.constant 0 : i32
    %eq3A_417 = arith.cmpi eq, %jit3A_415, %eq3A_416 : i32
    %jit3A_418 = arith.constant 1 : i32
    %select_n3A_419 = arith.select %eq3A_417, %jit3A_418, %jit3A_415 : i32
    %rem3A_420 = vector.broadcast %select_n3A_419 : i32 to vector<16xi32>
    %rem3A_421 = arith.remsi %and3A_320, %rem3A_420 : vector<16xi32>
    %ne3A_422 = arith.constant 0 : i32
    %ne3A_423 = vector.broadcast %ne3A_422 : i32 to vector<16xi32>
    %ne3A_424 = arith.cmpi ne, %rem3A_421, %ne3A_423 : vector<16xi32>
    %lt3A_425 = arith.constant 0 : i32
    %lt3A_426 = vector.broadcast %lt3A_425 : i32 to vector<16xi32>
    %lt3A_427 = arith.cmpi slt, %rem3A_421, %lt3A_426 : vector<16xi32>
    %lt3A_428 = arith.constant 0 : i32
    %lt3A_429 = arith.cmpi slt, %select_n3A_419, %lt3A_428 : i32
    %ne3A_430 = vector.broadcast %lt3A_429 : i1 to vector<16xi1>
    %ne3A_431 = vector.broadcast %ne3A_430 : vector<16xi1> to vector<16xi1>
    %ne3A_432 = arith.xori %lt3A_427, %ne3A_431 : vector<16xi1>
    %and3A_433 = arith.andi %ne3A_432, %ne3A_424 : vector<16xi1>
    %add3A_434 = vector.broadcast %select_n3A_419 : i32 to vector<16xi32>
    %add3A_435 = arith.addi %rem3A_421, %add3A_434 : vector<16xi32>
    %select_n3A_436 = arith.select %and3A_433, %add3A_435, %rem3A_421 : vector<16xi1>, vector<16xi32>
    %add3A_437 = arith.addi %mul3A_414, %select_n3A_436 : vector<16xi32>
    %jit3A_438 = arith.constant 2 : i32
    %div3A_439 = vector.broadcast %jit3A_438 : i32 to vector<16xi32>
    %div3A_440 = arith.divsi %and3A_320, %div3A_439 : vector<16xi32>
    %sign3A_441 = arith.constant 0 : i32
    %sign3A_442 = vector.broadcast %sign3A_441 : i32 to vector<16xi32>
    %sign3A_443 = arith.cmpi sgt, %and3A_320, %sign3A_442 : vector<16xi32>
    %sign3A_444 = arith.extui %sign3A_443 : vector<16xi1> to vector<16xi32>
    %sign3A_445 = arith.constant 0 : i32
    %sign3A_446 = vector.broadcast %sign3A_445 : i32 to vector<16xi32>
    %sign3A_447 = arith.cmpi slt, %and3A_320, %sign3A_446 : vector<16xi32>
    %sign3A_448 = arith.extui %sign3A_447 : vector<16xi1> to vector<16xi32>
    %sign3A_449 = arith.subi %sign3A_444, %sign3A_448 : vector<16xi32>
    %sign3A_450 = arith.constant 0 : i32
    %sign3A_451 = arith.cmpi sgt, %jit3A_438, %sign3A_450 : i32
    %sign3A_452 = arith.extui %sign3A_451 : i1 to i32
    %sign3A_453 = arith.constant 0 : i32
    %sign3A_454 = arith.cmpi slt, %jit3A_438, %sign3A_453 : i32
    %sign3A_455 = arith.extui %sign3A_454 : i1 to i32
    %sign3A_456 = arith.subi %sign3A_452, %sign3A_455 : i32
    %ne3A_457 = vector.broadcast %sign3A_456 : i32 to vector<16xi32>
    %ne3A_458 = arith.cmpi ne, %sign3A_449, %ne3A_457 : vector<16xi32>
    %rem3A_459 = vector.broadcast %jit3A_438 : i32 to vector<16xi32>
    %rem3A_460 = arith.remsi %and3A_320, %rem3A_459 : vector<16xi32>
    %ne3A_461 = arith.constant 0 : i32
    %ne3A_462 = vector.broadcast %ne3A_461 : i32 to vector<16xi32>
    %ne3A_463 = arith.cmpi ne, %rem3A_460, %ne3A_462 : vector<16xi32>
    %and3A_464 = arith.andi %ne3A_458, %ne3A_463 : vector<16xi1>
    %sub3A_465 = arith.constant 1 : i32
    %sub3A_466 = vector.broadcast %sub3A_465 : i32 to vector<16xi32>
    %sub3A_467 = arith.subi %div3A_440, %sub3A_466 : vector<16xi32>
    %select_n3A_468 = arith.select %and3A_464, %sub3A_467, %div3A_440 : vector<16xi1>, vector<16xi32>
    %mul3A_469 = arith.constant 4 : i32
    %mul3A_470 = vector.broadcast %mul3A_469 : i32 to vector<16xi32>
    %mul3A_471 = arith.muli %select_n3A_468, %mul3A_470 : vector<16xi32>
    %jit3A_472 = arith.constant 2 : i32
    %eq3A_473 = arith.constant 0 : i32
    %eq3A_474 = arith.cmpi eq, %jit3A_472, %eq3A_473 : i32
    %jit3A_475 = arith.constant 1 : i32
    %select_n3A_476 = arith.select %eq3A_474, %jit3A_475, %jit3A_472 : i32
    %rem3A_477 = vector.broadcast %select_n3A_476 : i32 to vector<16xi32>
    %rem3A_478 = arith.remsi %and3A_320, %rem3A_477 : vector<16xi32>
    %ne3A_479 = arith.constant 0 : i32
    %ne3A_480 = vector.broadcast %ne3A_479 : i32 to vector<16xi32>
    %ne3A_481 = arith.cmpi ne, %rem3A_478, %ne3A_480 : vector<16xi32>
    %lt3A_482 = arith.constant 0 : i32
    %lt3A_483 = vector.broadcast %lt3A_482 : i32 to vector<16xi32>
    %lt3A_484 = arith.cmpi slt, %rem3A_478, %lt3A_483 : vector<16xi32>
    %lt3A_485 = arith.constant 0 : i32
    %lt3A_486 = arith.cmpi slt, %select_n3A_476, %lt3A_485 : i32
    %ne3A_487 = vector.broadcast %lt3A_486 : i1 to vector<16xi1>
    %ne3A_488 = vector.broadcast %ne3A_487 : vector<16xi1> to vector<16xi1>
    %ne3A_489 = arith.xori %lt3A_484, %ne3A_488 : vector<16xi1>
    %and3A_490 = arith.andi %ne3A_489, %ne3A_481 : vector<16xi1>
    %add3A_491 = vector.broadcast %select_n3A_476 : i32 to vector<16xi32>
    %add3A_492 = arith.addi %rem3A_478, %add3A_491 : vector<16xi32>
    %select_n3A_493 = arith.select %and3A_490, %add3A_492, %rem3A_478 : vector<16xi1>, vector<16xi32>
    %add3A_494 = arith.addi %mul3A_471, %select_n3A_493 : vector<16xi32>
    %jit3A_495 = arith.constant 1 : i32
    %div3A_496 = vector.broadcast %jit3A_495 : i32 to vector<16xi32>
    %div3A_497 = arith.divsi %and3A_320, %div3A_496 : vector<16xi32>
    %sign3A_498 = arith.constant 0 : i32
    %sign3A_499 = vector.broadcast %sign3A_498 : i32 to vector<16xi32>
    %sign3A_500 = arith.cmpi sgt, %and3A_320, %sign3A_499 : vector<16xi32>
    %sign3A_501 = arith.extui %sign3A_500 : vector<16xi1> to vector<16xi32>
    %sign3A_502 = arith.constant 0 : i32
    %sign3A_503 = vector.broadcast %sign3A_502 : i32 to vector<16xi32>
    %sign3A_504 = arith.cmpi slt, %and3A_320, %sign3A_503 : vector<16xi32>
    %sign3A_505 = arith.extui %sign3A_504 : vector<16xi1> to vector<16xi32>
    %sign3A_506 = arith.subi %sign3A_501, %sign3A_505 : vector<16xi32>
    %sign3A_507 = arith.constant 0 : i32
    %sign3A_508 = arith.cmpi sgt, %jit3A_495, %sign3A_507 : i32
    %sign3A_509 = arith.extui %sign3A_508 : i1 to i32
    %sign3A_510 = arith.constant 0 : i32
    %sign3A_511 = arith.cmpi slt, %jit3A_495, %sign3A_510 : i32
    %sign3A_512 = arith.extui %sign3A_511 : i1 to i32
    %sign3A_513 = arith.subi %sign3A_509, %sign3A_512 : i32
    %ne3A_514 = vector.broadcast %sign3A_513 : i32 to vector<16xi32>
    %ne3A_515 = arith.cmpi ne, %sign3A_506, %ne3A_514 : vector<16xi32>
    %rem3A_516 = vector.broadcast %jit3A_495 : i32 to vector<16xi32>
    %rem3A_517 = arith.remsi %and3A_320, %rem3A_516 : vector<16xi32>
    %ne3A_518 = arith.constant 0 : i32
    %ne3A_519 = vector.broadcast %ne3A_518 : i32 to vector<16xi32>
    %ne3A_520 = arith.cmpi ne, %rem3A_517, %ne3A_519 : vector<16xi32>
    %and3A_521 = arith.andi %ne3A_515, %ne3A_520 : vector<16xi1>
    %sub3A_522 = arith.constant 1 : i32
    %sub3A_523 = vector.broadcast %sub3A_522 : i32 to vector<16xi32>
    %sub3A_524 = arith.subi %div3A_497, %sub3A_523 : vector<16xi32>
    %select_n3A_525 = arith.select %and3A_521, %sub3A_524, %div3A_497 : vector<16xi1>, vector<16xi32>
    %mul3A_526 = arith.constant 2 : i32
    %mul3A_527 = vector.broadcast %mul3A_526 : i32 to vector<16xi32>
    %mul3A_528 = arith.muli %select_n3A_525, %mul3A_527 : vector<16xi32>
    %jit3A_529 = arith.constant 1 : i32
    %eq3A_530 = arith.constant 0 : i32
    %eq3A_531 = arith.cmpi eq, %jit3A_529, %eq3A_530 : i32
    %jit3A_532 = arith.constant 1 : i32
    %select_n3A_533 = arith.select %eq3A_531, %jit3A_532, %jit3A_529 : i32
    %rem3A_534 = vector.broadcast %select_n3A_533 : i32 to vector<16xi32>
    %rem3A_535 = arith.remsi %and3A_320, %rem3A_534 : vector<16xi32>
    %ne3A_536 = arith.constant 0 : i32
    %ne3A_537 = vector.broadcast %ne3A_536 : i32 to vector<16xi32>
    %ne3A_538 = arith.cmpi ne, %rem3A_535, %ne3A_537 : vector<16xi32>
    %lt3A_539 = arith.constant 0 : i32
    %lt3A_540 = vector.broadcast %lt3A_539 : i32 to vector<16xi32>
    %lt3A_541 = arith.cmpi slt, %rem3A_535, %lt3A_540 : vector<16xi32>
    %lt3A_542 = arith.constant 0 : i32
    %lt3A_543 = arith.cmpi slt, %select_n3A_533, %lt3A_542 : i32
    %ne3A_544 = vector.broadcast %lt3A_543 : i1 to vector<16xi1>
    %ne3A_545 = vector.broadcast %ne3A_544 : vector<16xi1> to vector<16xi1>
    %ne3A_546 = arith.xori %lt3A_541, %ne3A_545 : vector<16xi1>
    %and3A_547 = arith.andi %ne3A_546, %ne3A_538 : vector<16xi1>
    %add3A_548 = vector.broadcast %select_n3A_533 : i32 to vector<16xi32>
    %add3A_549 = arith.addi %rem3A_535, %add3A_548 : vector<16xi32>
    %select_n3A_550 = arith.select %and3A_547, %add3A_549, %rem3A_535 : vector<16xi1>, vector<16xi32>
    %add3A_551 = arith.addi %mul3A_528, %select_n3A_550 : vector<16xi32>
    %scan3A_552 = arith.constant 0 : i32
    %scan3A_553 = arith.constant 0 : i32
    %scan3A_554 = arith.constant 32 : i32
    %scan3A_555 = arith.addi %scan3A_553, %scan3A_554 : i32
    %scan3A_556 = arith.constant 1 : i32
    scf.for %scan3A_558 = %scan3A_553 to %scan3A_555 step %scan3A_556  : i32 {
      %mul3A_559 = arith.constant 16 : i32
      %mul3A_560 = arith.muli %scan3A_558, %mul3A_559 : i32
      %add3A_561 = arith.constant 0 : i32
      %add3A_562 = arith.addi %mul3A_560, %add3A_561 : i32
      %get3A = arith.index_cast %add3A_562 : i32 to index
      %get3A_563 = arith.constant 0 : index
      %get3A_564 = tpu.vector_load %arg11[%get3A, %get3A_563] {strides = array<i32>} : memref<512x64xf32, #tpu.memory_space<vmem>>, vector<16xf32>,
      %get3A_565 = arith.index_cast %add3A_562 : i32 to index
      %get3A_566 = arith.constant 0 : index
      %get3A_567 = tpu.vector_load %arg12[%get3A_565, %get3A_566] {strides = array<i32>} : memref<512x64xf32, #tpu.memory_space<vmem>>, vector<16xf32>,
      %mul3A_568 = arith.mulf %get3A_564, %get3A_567 : vector<16xf32>
      %get3A_569 = arith.index_cast %add3A_562 : i32 to index
      %get3A_570 = arith.constant 16 : index
      %get3A_571 = tpu.vector_load %arg11[%get3A_569, %get3A_570] {strides = array<i32>} : memref<512x64xf32, #tpu.memory_space<vmem>>, vector<16xf32>,
      %get3A_572 = arith.index_cast %add3A_562 : i32 to index
      %get3A_573 = arith.constant 16 : index
      %get3A_574 = tpu.vector_load %arg12[%get3A_572, %get3A_573] {strides = array<i32>} : memref<512x64xf32, #tpu.memory_space<vmem>>, vector<16xf32>,
      %mul3A_575 = arith.mulf %get3A_571, %get3A_574 : vector<16xf32>
      %add3A_576 = arith.addf %mul3A_568, %mul3A_575 : vector<16xf32>
      %get3A_577 = arith.index_cast %add3A_562 : i32 to index
      %get3A_578 = arith.constant 32 : index
      %get3A_579 = tpu.vector_load %arg11[%get3A_577, %get3A_578] {strides = array<i32>} : memref<512x64xf32, #tpu.memory_space<vmem>>, vector<16xf32>,
      %get3A_580 = arith.index_cast %add3A_562 : i32 to index
      %get3A_581 = arith.constant 32 : index
      %get3A_582 = tpu.vector_load %arg12[%get3A_580, %get3A_581] {strides = array<i32>} : memref<512x64xf32, #tpu.memory_space<vmem>>, vector<16xf32>,
      %mul3A_583 = arith.mulf %get3A_579, %get3A_582 : vector<16xf32>
      %add3A_584 = arith.addf %add3A_576, %mul3A_583 : vector<16xf32>
      %get3A_585 = arith.index_cast %add3A_562 : i32 to index
      %get3A_586 = arith.constant 48 : index
      %get3A_587 = tpu.vector_load %arg11[%get3A_585, %get3A_586] {strides = array<i32>} : memref<512x64xf32, #tpu.memory_space<vmem>>, vector<16xf32>,
      %get3A_588 = arith.index_cast %add3A_562 : i32 to index
      %get3A_589 = arith.constant 48 : index
      %get3A_590 = tpu.vector_load %arg12[%get3A_588, %get3A_589] {strides = array<i32>} : memref<512x64xf32, #tpu.memory_space<vmem>>, vector<16xf32>,
      %mul3A_591 = arith.mulf %get3A_587, %get3A_590 : vector<16xf32>
      %add3A_592 = arith.addf %add3A_584, %mul3A_591 : vector<16xf32>
      %mul3A_593 = arith.constant 16 : i32
      %mul3A_594 = arith.muli %scan3A_558, %mul3A_593 : i32
      %add3A_595 = arith.constant 1 : i32
      %add3A_596 = arith.addi %mul3A_594, %add3A_595 : i32
      %get3A_597 = arith.index_cast %add3A_596 : i32 to index
      %get3A_598 = arith.constant 0 : index
      %get3A_599 = tpu.vector_load %arg11[%get3A_597, %get3A_598] {strides = array<i32>} : memref<512x64xf32, #tpu.memory_space<vmem>>, vector<16xf32>,
      %get3A_600 = arith.index_cast %add3A_596 : i32 to index
      %get3A_601 = arith.constant 0 : index
      %get3A_602 = tpu.vector_load %arg12[%get3A_600, %get3A_601] {strides = array<i32>} : memref<512x64xf32, #tpu.memory_space<vmem>>, vector<16xf32>,
      %mul3A_603 = arith.mulf %get3A_599, %get3A_602 : vector<16xf32>
      %get3A_604 = arith.index_cast %add3A_596 : i32 to index
      %get3A_605 = arith.constant 16 : index
      %get3A_606 = tpu.vector_load %arg11[%get3A_604, %get3A_605] {strides = array<i32>} : memref<512x64xf32, #tpu.memory_space<vmem>>, vector<16xf32>,
      %get3A_607 = arith.index_cast %add3A_596 : i32 to index
      %get3A_608 = arith.constant 16 : index
      %get3A_609 = tpu.vector_load %arg12[%get3A_607, %get3A_608] {strides = array<i32>} : memref<512x64xf32, #tpu.memory_space<vmem>>, vector<16xf32>,
      %mul3A_610 = arith.mulf %get3A_606, %get3A_609 : vector<16xf32>
      %add3A_611 = arith.addf %mul3A_603, %mul3A_610 : vector<16xf32>
      %get3A_612 = arith.index_cast %add3A_596 : i32 to index
      %get3A_613 = arith.constant 32 : index
      %get3A_614 = tpu.vector_load %arg11[%get3A_612, %get3A_613] {strides = array<i32>} : memref<512x64xf32, #tpu.memory_space<vmem>>, vector<16xf32>,
      %get3A_615 = arith.index_cast %add3A_596 : i32 to index
      %get3A_616 = arith.constant 32 : index
      %get3A_617 = tpu.vector_load %arg12[%get3A_615, %get3A_616] {strides = array<i32>} : memref<512x64xf32, #tpu.memory_space<vmem>>, vector<16xf32>,
      %mul3A_618 = arith.mulf %get3A_614, %get3A_617 : vector<16xf32>
      %add3A_619 = arith.addf %add3A_611, %mul3A_618 : vector<16xf32>
      %get3A_620 = arith.index_cast %add3A_596 : i32 to index
      %get3A_621 = arith.constant 48 : index
      %get3A_622 = tpu.vector_load %arg11[%get3A_620, %get3A_621] {strides = array<i32>} : memref<512x64xf32, #tpu.memory_space<vmem>>, vector<16xf32>,
      %get3A_623 = arith.index_cast %add3A_596 : i32 to index
      %get3A_624 = arith.constant 48 : index
      %get3A_625 = tpu.vector_load %arg12[%get3A_623, %get3A_624] {strides = array<i32>} : memref<512x64xf32, #tpu.memory_space<vmem>>, vector<16xf32>,
      %mul3A_626 = arith.mulf %get3A_622, %get3A_625 : vector<16xf32>
      %add3A_627 = arith.addf %add3A_619, %mul3A_626 : vector<16xf32>
      %mul3A_628 = arith.constant 16 : i32
      %mul3A_629 = arith.muli %scan3A_558, %mul3A_628 : i32
      %add3A_630 = arith.constant 2 : i32
      %add3A_631 = arith.addi %mul3A_629, %add3A_630 : i32
      %get3A_632 = arith.index_cast %add3A_631 : i32 to index
      %get3A_633 = arith.constant 0 : index
      %get3A_634 = tpu.vector_load %arg11[%get3A_632, %get3A_633] {strides = array<i32>} : memref<512x64xf32, #tpu.memory_space<vmem>>, vector<16xf32>,
      %get3A_635 = arith.index_cast %add3A_631 : i32 to index
      %get3A_636 = arith.constant 0 : index
      %get3A_637 = tpu.vector_load %arg12[%get3A_635, %get3A_636] {strides = array<i32>} : memref<512x64xf32, #tpu.memory_space<vmem>>, vector<16xf32>,
      %mul3A_638 = arith.mulf %get3A_634, %get3A_637 : vector<16xf32>
      %get3A_639 = arith.index_cast %add3A_631 : i32 to index
      %get3A_640 = arith.constant 16 : index
      %get3A_641 = tpu.vector_load %arg11[%get3A_639, %get3A_640] {strides = array<i32>} : memref<512x64xf32, #tpu.memory_space<vmem>>, vector<16xf32>,
      %get3A_642 = arith.index_cast %add3A_631 : i32 to index
      %get3A_643 = arith.constant 16 : index
      %get3A_644 = tpu.vector_load %arg12[%get3A_642, %get3A_643] {strides = array<i32>} : memref<512x64xf32, #tpu.memory_space<vmem>>, vector<16xf32>,
      %mul3A_645 = arith.mulf %get3A_641, %get3A_644 : vector<16xf32>
      %add3A_646 = arith.addf %mul3A_638, %mul3A_645 : vector<16xf32>
      %get3A_647 = arith.index_cast %add3A_631 : i32 to index
      %get3A_648 = arith.constant 32 : index
      %get3A_649 = tpu.vector_load %arg11[%get3A_647, %get3A_648] {strides = array<i32>} : memref<512x64xf32, #tpu.memory_space<vmem>>, vector<16xf32>,
      %get3A_650 = arith.index_cast %add3A_631 : i32 to index
      %get3A_651 = arith.constant 32 : index
      %get3A_652 = tpu.vector_load %arg12[%get3A_650, %get3A_651] {strides = array<i32>} : memref<512x64xf32, #tpu.memory_space<vmem>>, vector<16xf32>,
      %mul3A_653 = arith.mulf %get3A_649, %get3A_652 : vector<16xf32>
      %add3A_654 = arith.addf %add3A_646, %mul3A_653 : vector<16xf32>
      %get3A_655 = arith.index_cast %add3A_631 : i32 to index
      %get3A_656 = arith.constant 48 : index
      %get3A_657 = tpu.vector_load %arg11[%get3A_655, %get3A_656] {strides = array<i32>} : memref<512x64xf32, #tpu.memory_space<vmem>>, vector<16xf32>,
      %get3A_658 = arith.index_cast %add3A_631 : i32 to index
      %get3A_659 = arith.constant 48 : index
      %get3A_660 = tpu.vector_load %arg12[%get3A_658, %get3A_659] {strides = array<i32>} : memref<512x64xf32, #tpu.memory_space<vmem>>, vector<16xf32>,
      %mul3A_661 = arith.mulf %get3A_657, %get3A_660 : vector<16xf32>
      %add3A_662 = arith.addf %add3A_654, %mul3A_661 : vector<16xf32>
      %mul3A_663 = arith.constant 16 : i32
      %mul3A_664 = arith.muli %scan3A_558, %mul3A_663 : i32
      %add3A_665 = arith.constant 3 : i32
      %add3A_666 = arith.addi %mul3A_664, %add3A_665 : i32
      %get3A_667 = arith.index_cast %add3A_666 : i32 to index
      %get3A_668 = arith.constant 0 : index
      %get3A_669 = tpu.vector_load %arg11[%get3A_667, %get3A_668] {strides = array<i32>} : memref<512x64xf32, #tpu.memory_space<vmem>>, vector<16xf32>,
      %get3A_670 = arith.index_cast %add3A_666 : i32 to index
      %get3A_671 = arith.constant 0 : index
      %get3A_672 = tpu.vector_load %arg12[%get3A_670, %get3A_671] {strides = array<i32>} : memref<512x64xf32, #tpu.memory_space<vmem>>, vector<16xf32>,
      %mul3A_673 = arith.mulf %get3A_669, %get3A_672 : vector<16xf32>
      %get3A_674 = arith.index_cast %add3A_666 : i32 to index
      %get3A_675 = arith.constant 16 : index
      %get3A_676 = tpu.vector_load %arg11[%get3A_674, %get3A_675] {strides = array<i32>} : memref<512x64xf32, #tpu.memory_space<vmem>>, vector<16xf32>,
      %get3A_677 = arith.index_cast %add3A_666 : i32 to index
      %get3A_678 = arith.constant 16 : index
      %get3A_679 = tpu.vector_load %arg12[%get3A_677, %get3A_678] {strides = array<i32>} : memref<512x64xf32, #tpu.memory_space<vmem>>, vector<16xf32>,
      %mul3A_680 = arith.mulf %get3A_676, %get3A_679 : vector<16xf32>
      %add3A_681 = arith.addf %mul3A_673, %mul3A_680 : vector<16xf32>
      %get3A_682 = arith.index_cast %add3A_666 : i32 to index
      %get3A_683 = arith.constant 32 : index
      %get3A_684 = tpu.vector_load %arg11[%get3A_682, %get3A_683] {strides = array<i32>} : memref<512x64xf32, #tpu.memory_space<vmem>>, vector<16xf32>,
      %get3A_685 = arith.index_cast %add3A_666 : i32 to index
      %get3A_686 = arith.constant 32 : index
      %get3A_687 = tpu.vector_load %arg12[%get3A_685, %get3A_686] {strides = array<i32>} : memref<512x64xf32, #tpu.memory_space<vmem>>, vector<16xf32>,
      %mul3A_688 = arith.mulf %get3A_684, %get3A_687 : vector<16xf32>
      %add3A_689 = arith.addf %add3A_681, %mul3A_688 : vector<16xf32>
      %get3A_690 = arith.index_cast %add3A_666 : i32 to index
      %get3A_691 = arith.constant 48 : index
      %get3A_692 = tpu.vector_load %arg11[%get3A_690, %get3A_691] {strides = array<i32>} : memref<512x64xf32, #tpu.memory_space<vmem>>, vector<16xf32>,
      %get3A_693 = arith.index_cast %add3A_666 : i32 to index
      %get3A_694 = arith.constant 48 : index
      %get3A_695 = tpu.vector_load %arg12[%get3A_693, %get3A_694] {strides = array<i32>} : memref<512x64xf32, #tpu.memory_space<vmem>>, vector<16xf32>,
      %mul3A_696 = arith.mulf %get3A_692, %get3A_695 : vector<16xf32>
      %add3A_697 = arith.addf %add3A_689, %mul3A_696 : vector<16xf32>
      %mul3A_698 = arith.constant 16 : i32
      %mul3A_699 = arith.muli %scan3A_558, %mul3A_698 : i32
      %add3A_700 = arith.constant 4 : i32
      %add3A_701 = arith.addi %mul3A_699, %add3A_700 : i32
      %get3A_702 = arith.index_cast %add3A_701 : i32 to index
      %get3A_703 = arith.constant 0 : index
      %get3A_704 = tpu.vector_load %arg11[%get3A_702, %get3A_703] {strides = array<i32>} : memref<512x64xf32, #tpu.memory_space<vmem>>, vector<16xf32>,
      %get3A_705 = arith.index_cast %add3A_701 : i32 to index
      %get3A_706 = arith.constant 0 : index
      %get3A_707 = tpu.vector_load %arg12[%get3A_705, %get3A_706] {strides = array<i32>} : memref<512x64xf32, #tpu.memory_space<vmem>>, vector<16xf32>,
      %mul3A_708 = arith.mulf %get3A_704, %get3A_707 : vector<16xf32>
      %get3A_709 = arith.index_cast %add3A_701 : i32 to index
      %get3A_710 = arith.constant 16 : index
      %get3A_711 = tpu.vector_load %arg11[%get3A_709, %get3A_710] {strides = array<i32>} : memref<512x64xf32, #tpu.memory_space<vmem>>, vector<16xf32>,
      %get3A_712 = arith.index_cast %add3A_701 : i32 to index
      %get3A_713 = arith.constant 16 : index
      %get3A_714 = tpu.vector_load %arg12[%get3A_712, %get3A_713] {strides = array<i32>} : memref<512x64xf32, #tpu.memory_space<vmem>>, vector<16xf32>,
      %mul3A_715 = arith.mulf %get3A_711, %get3A_714 : vector<16xf32>
      %add3A_716 = arith.addf %mul3A_708, %mul3A_715 : vector<16xf32>
      %get3A_717 = arith.index_cast %add3A_701 : i32 to index
      %get3A_718 = arith.constant 32 : index
      %get3A_719 = tpu.vector_load %arg11[%get3A_717, %get3A_718] {strides = array<i32>} : memref<512x64xf32, #tpu.memory_space<vmem>>, vector<16xf32>,
      %get3A_720 = arith.index_cast %add3A_701 : i32 to index
      %get3A_721 = arith.constant 32 : index
      %get3A_722 = tpu.vector_load %arg12[%get3A_720, %get3A_721] {strides = array<i32>} : memref<512x64xf32, #tpu.memory_space<vmem>>, vector<16xf32>,
      %mul3A_723 = arith.mulf %get3A_719, %get3A_722 : vector<16xf32>
      %add3A_724 = arith.addf %add3A_716, %mul3A_723 : vector<16xf32>
      %get3A_725 = arith.index_cast %add3A_701 : i32 to index
      %get3A_726 = arith.constant 48 : index
      %get3A_727 = tpu.vector_load %arg11[%get3A_725, %get3A_726] {strides = array<i32>} : memref<512x64xf32, #tpu.memory_space<vmem>>, vector<16xf32>,
      %get3A_728 = arith.index_cast %add3A_701 : i32 to index
      %get3A_729 = arith.constant 48 : index
      %get3A_730 = tpu.vector_load %arg12[%get3A_728, %get3A_729] {strides = array<i32>} : memref<512x64xf32, #tpu.memory_space<vmem>>, vector<16xf32>,
      %mul3A_731 = arith.mulf %get3A_727, %get3A_730 : vector<16xf32>
      %add3A_732 = arith.addf %add3A_724, %mul3A_731 : vector<16xf32>
      %mul3A_733 = arith.constant 16 : i32
      %mul3A_734 = arith.muli %scan3A_558, %mul3A_733 : i32
      %add3A_735 = arith.constant 5 : i32
      %add3A_736 = arith.addi %mul3A_734, %add3A_735 : i32
      %get3A_737 = arith.index_cast %add3A_736 : i32 to index
      %get3A_738 = arith.constant 0 : index
      %get3A_739 = tpu.vector_load %arg11[%get3A_737, %get3A_738] {strides = array<i32>} : memref<512x64xf32, #tpu.memory_space<vmem>>, vector<16xf32>,
      %get3A_740 = arith.index_cast %add3A_736 : i32 to index
      %get3A_741 = arith.constant 0 : index
      %get3A_742 = tpu.vector_load %arg12[%get3A_740, %get3A_741] {strides = array<i32>} : memref<512x64xf32, #tpu.memory_space<vmem>>, vector<16xf32>,
      %mul3A_743 = arith.mulf %get3A_739, %get3A_742 : vector<16xf32>
      %get3A_744 = arith.index_cast %add3A_736 : i32 to index
      %get3A_745 = arith.constant 16 : index
      %get3A_746 = tpu.vector_load %arg11[%get3A_744, %get3A_745] {strides = array<i32>} : memref<512x64xf32, #tpu.memory_space<vmem>>, vector<16xf32>,
      %get3A_747 = arith.index_cast %add3A_736 : i32 to index
      %get3A_748 = arith.constant 16 : index
      %get3A_749 = tpu.vector_load %arg12[%get3A_747, %get3A_748] {strides = array<i32>} : memref<512x64xf32, #tpu.memory_space<vmem>>, vector<16xf32>,
      %mul3A_750 = arith.mulf %get3A_746, %get3A_749 : vector<16xf32>
      %add3A_751 = arith.addf %mul3A_743, %mul3A_750 : vector<16xf32>
      %get3A_752 = arith.index_cast %add3A_736 : i32 to index
      %get3A_753 = arith.constant 32 : index
      %get3A_754 = tpu.vector_load %arg11[%get3A_752, %get3A_753] {strides = array<i32>} : memref<512x64xf32, #tpu.memory_space<vmem>>, vector<16xf32>,
      %get3A_755 = arith.index_cast %add3A_736 : i32 to index
      %get3A_756 = arith.constant 32 : index
      %get3A_757 = tpu.vector_load %arg12[%get3A_755, %get3A_756] {strides = array<i32>} : memref<512x64xf32, #tpu.memory_space<vmem>>, vector<16xf32>,
      %mul3A_758 = arith.mulf %get3A_754, %get3A_757 : vector<16xf32>
      %add3A_759 = arith.addf %add3A_751, %mul3A_758 : vector<16xf32>
      %get3A_760 = arith.index_cast %add3A_736 : i32 to index
      %get3A_761 = arith.constant 48 : index
      %get3A_762 = tpu.vector_load %arg11[%get3A_760, %get3A_761] {strides = array<i32>} : memref<512x64xf32, #tpu.memory_space<vmem>>, vector<16xf32>,
      %get3A_763 = arith.index_cast %add3A_736 : i32 to index
      %get3A_764 = arith.constant 48 : index
      %get3A_765 = tpu.vector_load %arg12[%get3A_763, %get3A_764] {strides = array<i32>} : memref<512x64xf32, #tpu.memory_space<vmem>>, vector<16xf32>,
      %mul3A_766 = arith.mulf %get3A_762, %get3A_765 : vector<16xf32>
      %add3A_767 = arith.addf %add3A_759, %mul3A_766 : vector<16xf32>
      %mul3A_768 = arith.constant 16 : i32
      %mul3A_769 = arith.muli %scan3A_558, %mul3A_768 : i32
      %add3A_770 = arith.constant 6 : i32
      %add3A_771 = arith.addi %mul3A_769, %add3A_770 : i32
      %get3A_772 = arith.index_cast %add3A_771 : i32 to index
      %get3A_773 = arith.constant 0 : index
      %get3A_774 = tpu.vector_load %arg11[%get3A_772, %get3A_773] {strides = array<i32>} : memref<512x64xf32, #tpu.memory_space<vmem>>, vector<16xf32>,
      %get3A_775 = arith.index_cast %add3A_771 : i32 to index
      %get3A_776 = arith.constant 0 : index
      %get3A_777 = tpu.vector_load %arg12[%get3A_775, %get3A_776] {strides = array<i32>} : memref<512x64xf32, #tpu.memory_space<vmem>>, vector<16xf32>,
      %mul3A_778 = arith.mulf %get3A_774, %get3A_777 : vector<16xf32>
      %get3A_779 = arith.index_cast %add3A_771 : i32 to index
      %get3A_780 = arith.constant 16 : index
      %get3A_781 = tpu.vector_load %arg11[%get3A_779, %get3A_780] {strides = array<i32>} : memref<512x64xf32, #tpu.memory_space<vmem>>, vector<16xf32>,
      %get3A_782 = arith.index_cast %add3A_771 : i32 to index
      %get3A_783 = arith.constant 16 : index
      %get3A_784 = tpu.vector_load %arg12[%get3A_782, %get3A_783] {strides = array<i32>} : memref<512x64xf32, #tpu.memory_space<vmem>>, vector<16xf32>,
      %mul3A_785 = arith.mulf %get3A_781, %get3A_784 : vector<16xf32>
      %add3A_786 = arith.addf %mul3A_778, %mul3A_785 : vector<16xf32>
      %get3A_787 = arith.index_cast %add3A_771 : i32 to index
      %get3A_788 = arith.constant 32 : index
      %get3A_789 = tpu.vector_load %arg11[%get3A_787, %get3A_788] {strides = array<i32>} : memref<512x64xf32, #tpu.memory_space<vmem>>, vector<16xf32>,
      %get3A_790 = arith.index_cast %add3A_771 : i32 to index
      %get3A_791 = arith.constant 32 : index
      %get3A_792 = tpu.vector_load %arg12[%get3A_790, %get3A_791] {strides = array<i32>} : memref<512x64xf32, #tpu.memory_space<vmem>>, vector<16xf32>,
      %mul3A_793 = arith.mulf %get3A_789, %get3A_792 : vector<16xf32>
      %add3A_794 = arith.addf %add3A_786, %mul3A_793 : vector<16xf32>
      %get3A_795 = arith.index_cast %add3A_771 : i32 to index
      %get3A_796 = arith.constant 48 : index
      %get3A_797 = tpu.vector_load %arg11[%get3A_795, %get3A_796] {strides = array<i32>} : memref<512x64xf32, #tpu.memory_space<vmem>>, vector<16xf32>,
      %get3A_798 = arith.index_cast %add3A_771 : i32 to index
      %get3A_799 = arith.constant 48 : index
      %get3A_800 = tpu.vector_load %arg12[%get3A_798, %get3A_799] {strides = array<i32>} : memref<512x64xf32, #tpu.memory_space<vmem>>, vector<16xf32>,
      %mul3A_801 = arith.mulf %get3A_797, %get3A_800 : vector<16xf32>
      %add3A_802 = arith.addf %add3A_794, %mul3A_801 : vector<16xf32>
      %mul3A_803 = arith.constant 16 : i32
      %mul3A_804 = arith.muli %scan3A_558, %mul3A_803 : i32
      %add3A_805 = arith.constant 7 : i32
      %add3A_806 = arith.addi %mul3A_804, %add3A_805 : i32
      %get3A_807 = arith.index_cast %add3A_806 : i32 to index
      %get3A_808 = arith.constant 0 : index
      %get3A_809 = tpu.vector_load %arg11[%get3A_807, %get3A_808] {strides = array<i32>} : memref<512x64xf32, #tpu.memory_space<vmem>>, vector<16xf32>,
      %get3A_810 = arith.index_cast %add3A_806 : i32 to index
      %get3A_811 = arith.constant 0 : index
      %get3A_812 = tpu.vector_load %arg12[%get3A_810, %get3A_811] {strides = array<i32>} : memref<512x64xf32, #tpu.memory_space<vmem>>, vector<16xf32>,
      %mul3A_813 = arith.mulf %get3A_809, %get3A_812 : vector<16xf32>
      %get3A_814 = arith.index_cast %add3A_806 : i32 to index
      %get3A_815 = arith.constant 16 : index
      %get3A_816 = tpu.vector_load %arg11[%get3A_814, %get3A_815] {strides = array<i32>} : memref<512x64xf32, #tpu.memory_space<vmem>>, vector<16xf32>,
      %get3A_817 = arith.index_cast %add3A_806 : i32 to index
      %get3A_818 = arith.constant 16 : index
      %get3A_819 = tpu.vector_load %arg12[%get3A_817, %get3A_818] {strides = array<i32>} : memref<512x64xf32, #tpu.memory_space<vmem>>, vector<16xf32>,
      %mul3A_820 = arith.mulf %get3A_816, %get3A_819 : vector<16xf32>
      %add3A_821 = arith.addf %mul3A_813, %mul3A_820 : vector<16xf32>
      %get3A_822 = arith.index_cast %add3A_806 : i32 to index
      %get3A_823 = arith.constant 32 : index
      %get3A_824 = tpu.vector_load %arg11[%get3A_822, %get3A_823] {strides = array<i32>} : memref<512x64xf32, #tpu.memory_space<vmem>>, vector<16xf32>,
      %get3A_825 = arith.index_cast %add3A_806 : i32 to index
      %get3A_826 = arith.constant 32 : index
      %get3A_827 = tpu.vector_load %arg12[%get3A_825, %get3A_826] {strides = array<i32>} : memref<512x64xf32, #tpu.memory_space<vmem>>, vector<16xf32>,
      %mul3A_828 = arith.mulf %get3A_824, %get3A_827 : vector<16xf32>
      %add3A_829 = arith.addf %add3A_821, %mul3A_828 : vector<16xf32>
      %get3A_830 = arith.index_cast %add3A_806 : i32 to index
      %get3A_831 = arith.constant 48 : index
      %get3A_832 = tpu.vector_load %arg11[%get3A_830, %get3A_831] {strides = array<i32>} : memref<512x64xf32, #tpu.memory_space<vmem>>, vector<16xf32>,
      %get3A_833 = arith.index_cast %add3A_806 : i32 to index
      %get3A_834 = arith.constant 48 : index
      %get3A_835 = tpu.vector_load %arg12[%get3A_833, %get3A_834] {strides = array<i32>} : memref<512x64xf32, #tpu.memory_space<vmem>>, vector<16xf32>,
      %mul3A_836 = arith.mulf %get3A_832, %get3A_835 : vector<16xf32>
      %add3A_837 = arith.addf %add3A_829, %mul3A_836 : vector<16xf32>
      %mul3A_838 = arith.constant 16 : i32
      %mul3A_839 = arith.muli %scan3A_558, %mul3A_838 : i32
      %add3A_840 = arith.constant 8 : i32
      %add3A_841 = arith.addi %mul3A_839, %add3A_840 : i32
      %get3A_842 = arith.index_cast %add3A_841 : i32 to index
      %get3A_843 = arith.constant 0 : index
      %get3A_844 = tpu.vector_load %arg11[%get3A_842, %get3A_843] {strides = array<i32>} : memref<512x64xf32, #tpu.memory_space<vmem>>, vector<16xf32>,
      %get3A_845 = arith.index_cast %add3A_841 : i32 to index
      %get3A_846 = arith.constant 0 : index
      %get3A_847 = tpu.vector_load %arg12[%get3A_845, %get3A_846] {strides = array<i32>} : memref<512x64xf32, #tpu.memory_space<vmem>>, vector<16xf32>,
      %mul3A_848 = arith.mulf %get3A_844, %get3A_847 : vector<16xf32>
      %get3A_849 = arith.index_cast %add3A_841 : i32 to index
      %get3A_850 = arith.constant 16 : index
      %get3A_851 = tpu.vector_load %arg11[%get3A_849, %get3A_850] {strides = array<i32>} : memref<512x64xf32, #tpu.memory_space<vmem>>, vector<16xf32>,
      %get3A_852 = arith.index_cast %add3A_841 : i32 to index
      %get3A_853 = arith.constant 16 : index
      %get3A_854 = tpu.vector_load %arg12[%get3A_852, %get3A_853] {strides = array<i32>} : memref<512x64xf32, #tpu.memory_space<vmem>>, vector<16xf32>,
      %mul3A_855 = arith.mulf %get3A_851, %get3A_854 : vector<16xf32>
      %add3A_856 = arith.addf %mul3A_848, %mul3A_855 : vector<16xf32>
      %get3A_857 = arith.index_cast %add3A_841 : i32 to index
      %get3A_858 = arith.constant 32 : index
      %get3A_859 = tpu.vector_load %arg11[%get3A_857, %get3A_858] {strides = array<i32>} : memref<512x64xf32, #tpu.memory_space<vmem>>, vector<16xf32>,
      %get3A_860 = arith.index_cast %add3A_841 : i32 to index
      %get3A_861 = arith.constant 32 : index
      %get3A_862 = tpu.vector_load %arg12[%get3A_860, %get3A_861] {strides = array<i32>} : memref<512x64xf32, #tpu.memory_space<vmem>>, vector<16xf32>,
      %mul3A_863 = arith.mulf %get3A_859, %get3A_862 : vector<16xf32>
      %add3A_864 = arith.addf %add3A_856, %mul3A_863 : vector<16xf32>
      %get3A_865 = arith.index_cast %add3A_841 : i32 to index
      %get3A_866 = arith.constant 48 : index
      %get3A_867 = tpu.vector_load %arg11[%get3A_865, %get3A_866] {strides = array<i32>} : memref<512x64xf32, #tpu.memory_space<vmem>>, vector<16xf32>,
      %get3A_868 = arith.index_cast %add3A_841 : i32 to index
      %get3A_869 = arith.constant 48 : index
      %get3A_870 = tpu.vector_load %arg12[%get3A_868, %get3A_869] {strides = array<i32>} : memref<512x64xf32, #tpu.memory_space<vmem>>, vector<16xf32>,
      %mul3A_871 = arith.mulf %get3A_867, %get3A_870 : vector<16xf32>
      %add3A_872 = arith.addf %add3A_864, %mul3A_871 : vector<16xf32>
      %mul3A_873 = arith.constant 16 : i32
      %mul3A_874 = arith.muli %scan3A_558, %mul3A_873 : i32
      %add3A_875 = arith.constant 9 : i32
      %add3A_876 = arith.addi %mul3A_874, %add3A_875 : i32
      %get3A_877 = arith.index_cast %add3A_876 : i32 to index
      %get3A_878 = arith.constant 0 : index
      %get3A_879 = tpu.vector_load %arg11[%get3A_877, %get3A_878] {strides = array<i32>} : memref<512x64xf32, #tpu.memory_space<vmem>>, vector<16xf32>,
      %get3A_880 = arith.index_cast %add3A_876 : i32 to index
      %get3A_881 = arith.constant 0 : index
      %get3A_882 = tpu.vector_load %arg12[%get3A_880, %get3A_881] {strides = array<i32>} : memref<512x64xf32, #tpu.memory_space<vmem>>, vector<16xf32>,
      %mul3A_883 = arith.mulf %get3A_879, %get3A_882 : vector<16xf32>
      %get3A_884 = arith.index_cast %add3A_876 : i32 to index
      %get3A_885 = arith.constant 16 : index
      %get3A_886 = tpu.vector_load %arg11[%get3A_884, %get3A_885] {strides = array<i32>} : memref<512x64xf32, #tpu.memory_space<vmem>>, vector<16xf32>,
      %get3A_887 = arith.index_cast %add3A_876 : i32 to index
      %get3A_888 = arith.constant 16 : index
      %get3A_889 = tpu.vector_load %arg12[%get3A_887, %get3A_888] {strides = array<i32>} : memref<512x64xf32, #tpu.memory_space<vmem>>, vector<16xf32>,
      %mul3A_890 = arith.mulf %get3A_886, %get3A_889 : vector<16xf32>
      %add3A_891 = arith.addf %mul3A_883, %mul3A_890 : vector<16xf32>
      %get3A_892 = arith.index_cast %add3A_876 : i32 to index
      %get3A_893 = arith.constant 32 : index
      %get3A_894 = tpu.vector_load %arg11[%get3A_892, %get3A_893] {strides = array<i32>} : memref<512x64xf32, #tpu.memory_space<vmem>>, vector<16xf32>,
      %get3A_895 = arith.index_cast %add3A_876 : i32 to index
      %get3A_896 = arith.constant 32 : index
      %get3A_897 = tpu.vector_load %arg12[%get3A_895, %get3A_896] {strides = array<i32>} : memref<512x64xf32, #tpu.memory_space<vmem>>, vector<16xf32>,
      %mul3A_898 = arith.mulf %get3A_894, %get3A_897 : vector<16xf32>
      %add3A_899 = arith.addf %add3A_891, %mul3A_898 : vector<16xf32>
      %get3A_900 = arith.index_cast %add3A_876 : i32 to index
      %get3A_901 = arith.constant 48 : index
      %get3A_902 = tpu.vector_load %arg11[%get3A_900, %get3A_901] {strides = array<i32>} : memref<512x64xf32, #tpu.memory_space<vmem>>, vector<16xf32>,
      %get3A_903 = arith.index_cast %add3A_876 : i32 to index
      %get3A_904 = arith.constant 48 : index
      %get3A_905 = tpu.vector_load %arg12[%get3A_903, %get3A_904] {strides = array<i32>} : memref<512x64xf32, #tpu.memory_space<vmem>>, vector<16xf32>,
      %mul3A_906 = arith.mulf %get3A_902, %get3A_905 : vector<16xf32>
      %add3A_907 = arith.addf %add3A_899, %mul3A_906 : vector<16xf32>
      %mul3A_908 = arith.constant 16 : i32
      %mul3A_909 = arith.muli %scan3A_558, %mul3A_908 : i32
      %add3A_910 = arith.constant 10 : i32
      %add3A_911 = arith.addi %mul3A_909, %add3A_910 : i32
      %get3A_912 = arith.index_cast %add3A_911 : i32 to index
      %get3A_913 = arith.constant 0 : index
      %get3A_914 = tpu.vector_load %arg11[%get3A_912, %get3A_913] {strides = array<i32>} : memref<512x64xf32, #tpu.memory_space<vmem>>, vector<16xf32>,
      %get3A_915 = arith.index_cast %add3A_911 : i32 to index
      %get3A_916 = arith.constant 0 : index
      %get3A_917 = tpu.vector_load %arg12[%get3A_915, %get3A_916] {strides = array<i32>} : memref<512x64xf32, #tpu.memory_space<vmem>>, vector<16xf32>,
      %mul3A_918 = arith.mulf %get3A_914, %get3A_917 : vector<16xf32>
      %get3A_919 = arith.index_cast %add3A_911 : i32 to index
      %get3A_920 = arith.constant 16 : index
      %get3A_921 = tpu.vector_load %arg11[%get3A_919, %get3A_920] {strides = array<i32>} : memref<512x64xf32, #tpu.memory_space<vmem>>, vector<16xf32>,
      %get3A_922 = arith.index_cast %add3A_911 : i32 to index
      %get3A_923 = arith.constant 16 : index
      %get3A_924 = tpu.vector_load %arg12[%get3A_922, %get3A_923] {strides = array<i32>} : memref<512x64xf32, #tpu.memory_space<vmem>>, vector<16xf32>,
      %mul3A_925 = arith.mulf %get3A_921, %get3A_924 : vector<16xf32>
      %add3A_926 = arith.addf %mul3A_918, %mul3A_925 : vector<16xf32>
      %get3A_927 = arith.index_cast %add3A_911 : i32 to index
      %get3A_928 = arith.constant 32 : index
      %get3A_929 = tpu.vector_load %arg11[%get3A_927, %get3A_928] {strides = array<i32>} : memref<512x64xf32, #tpu.memory_space<vmem>>, vector<16xf32>,
      %get3A_930 = arith.index_cast %add3A_911 : i32 to index
      %get3A_931 = arith.constant 32 : index
      %get3A_932 = tpu.vector_load %arg12[%get3A_930, %get3A_931] {strides = array<i32>} : memref<512x64xf32, #tpu.memory_space<vmem>>, vector<16xf32>,
      %mul3A_933 = arith.mulf %get3A_929, %get3A_932 : vector<16xf32>
      %add3A_934 = arith.addf %add3A_926, %mul3A_933 : vector<16xf32>
      %get3A_935 = arith.index_cast %add3A_911 : i32 to index
      %get3A_936 = arith.constant 48 : index
      %get3A_937 = tpu.vector_load %arg11[%get3A_935, %get3A_936] {strides = array<i32>} : memref<512x64xf32, #tpu.memory_space<vmem>>, vector<16xf32>,
      %get3A_938 = arith.index_cast %add3A_911 : i32 to index
      %get3A_939 = arith.constant 48 : index
      %get3A_940 = tpu.vector_load %arg12[%get3A_938, %get3A_939] {strides = array<i32>} : memref<512x64xf32, #tpu.memory_space<vmem>>, vector<16xf32>,
      %mul3A_941 = arith.mulf %get3A_937, %get3A_940 : vector<16xf32>
      %add3A_942 = arith.addf %add3A_934, %mul3A_941 : vector<16xf32>
      %mul3A_943 = arith.constant 16 : i32
      %mul3A_944 = arith.muli %scan3A_558, %mul3A_943 : i32
      %add3A_945 = arith.constant 11 : i32
      %add3A_946 = arith.addi %mul3A_944, %add3A_945 : i32
      %get3A_947 = arith.index_cast %add3A_946 : i32 to index
      %get3A_948 = arith.constant 0 : index
      %get3A_949 = tpu.vector_load %arg11[%get3A_947, %get3A_948] {strides = array<i32>} : memref<512x64xf32, #tpu.memory_space<vmem>>, vector<16xf32>,
      %get3A_950 = arith.index_cast %add3A_946 : i32 to index
      %get3A_951 = arith.constant 0 : index
      %get3A_952 = tpu.vector_load %arg12[%get3A_950, %get3A_951] {strides = array<i32>} : memref<512x64xf32, #tpu.memory_space<vmem>>, vector<16xf32>,
      %mul3A_953 = arith.mulf %get3A_949, %get3A_952 : vector<16xf32>
      %get3A_954 = arith.index_cast %add3A_946 : i32 to index
      %get3A_955 = arith.constant 16 : index
      %get3A_956 = tpu.vector_load %arg11[%get3A_954, %get3A_955] {strides = array<i32>} : memref<512x64xf32, #tpu.memory_space<vmem>>, vector<16xf32>,
      %get3A_957 = arith.index_cast %add3A_946 : i32 to index
      %get3A_958 = arith.constant 16 : index
      %get3A_959 = tpu.vector_load %arg12[%get3A_957, %get3A_958] {strides = array<i32>} : memref<512x64xf32, #tpu.memory_space<vmem>>, vector<16xf32>,
      %mul3A_960 = arith.mulf %get3A_956, %get3A_959 : vector<16xf32>
      %add3A_961 = arith.addf %mul3A_953, %mul3A_960 : vector<16xf32>
      %get3A_962 = arith.index_cast %add3A_946 : i32 to index
      %get3A_963 = arith.constant 32 : index
      %get3A_964 = tpu.vector_load %arg11[%get3A_962, %get3A_963] {strides = array<i32>} : memref<512x64xf32, #tpu.memory_space<vmem>>, vector<16xf32>,
      %get3A_965 = arith.index_cast %add3A_946 : i32 to index
      %get3A_966 = arith.constant 32 : index
      %get3A_967 = tpu.vector_load %arg12[%get3A_965, %get3A_966] {strides = array<i32>} : memref<512x64xf32, #tpu.memory_space<vmem>>, vector<16xf32>,
      %mul3A_968 = arith.mulf %get3A_964, %get3A_967 : vector<16xf32>
      %add3A_969 = arith.addf %add3A_961, %mul3A_968 : vector<16xf32>
      %get3A_970 = arith.index_cast %add3A_946 : i32 to index
      %get3A_971 = arith.constant 48 : index
      %get3A_972 = tpu.vector_load %arg11[%get3A_970, %get3A_971] {strides = array<i32>} : memref<512x64xf32, #tpu.memory_space<vmem>>, vector<16xf32>,
      %get3A_973 = arith.index_cast %add3A_946 : i32 to index
      %get3A_974 = arith.constant 48 : index
      %get3A_975 = tpu.vector_load %arg12[%get3A_973, %get3A_974] {strides = array<i32>} : memref<512x64xf32, #tpu.memory_space<vmem>>, vector<16xf32>,
      %mul3A_976 = arith.mulf %get3A_972, %get3A_975 : vector<16xf32>
      %add3A_977 = arith.addf %add3A_969, %mul3A_976 : vector<16xf32>
      %mul3A_978 = arith.constant 16 : i32
      %mul3A_979 = arith.muli %scan3A_558, %mul3A_978 : i32
      %add3A_980 = arith.constant 12 : i32
      %add3A_981 = arith.addi %mul3A_979, %add3A_980 : i32
      %get3A_982 = arith.index_cast %add3A_981 : i32 to index
      %get3A_983 = arith.constant 0 : index
      %get3A_984 = tpu.vector_load %arg11[%get3A_982, %get3A_983] {strides = array<i32>} : memref<512x64xf32, #tpu.memory_space<vmem>>, vector<16xf32>,
      %get3A_985 = arith.index_cast %add3A_981 : i32 to index
      %get3A_986 = arith.constant 0 : index
      %get3A_987 = tpu.vector_load %arg12[%get3A_985, %get3A_986] {strides = array<i32>} : memref<512x64xf32, #tpu.memory_space<vmem>>, vector<16xf32>,
      %mul3A_988 = arith.mulf %get3A_984, %get3A_987 : vector<16xf32>
      %get3A_989 = arith.index_cast %add3A_981 : i32 to index
      %get3A_990 = arith.constant 16 : index
      %get3A_991 = tpu.vector_load %arg11[%get3A_989, %get3A_990] {strides = array<i32>} : memref<512x64xf32, #tpu.memory_space<vmem>>, vector<16xf32>,
      %get3A_992 = arith.index_cast %add3A_981 : i32 to index
      %get3A_993 = arith.constant 16 : index
      %get3A_994 = tpu.vector_load %arg12[%get3A_992, %get3A_993] {strides = array<i32>} : memref<512x64xf32, #tpu.memory_space<vmem>>, vector<16xf32>,
      %mul3A_995 = arith.mulf %get3A_991, %get3A_994 : vector<16xf32>
      %add3A_996 = arith.addf %mul3A_988, %mul3A_995 : vector<16xf32>
      %get3A_997 = arith.index_cast %add3A_981 : i32 to index
      %get3A_998 = arith.constant 32 : index
      %get3A_999 = tpu.vector_load %arg11[%get3A_997, %get3A_998] {strides = array<i32>} : memref<512x64xf32, #tpu.memory_space<vmem>>, vector<16xf32>,
      %get3A_1000 = arith.index_cast %add3A_981 : i32 to index
      %get3A_1001 = arith.constant 32 : index
      %get3A_1002 = tpu.vector_load %arg12[%get3A_1000, %get3A_1001] {strides = array<i32>} : memref<512x64xf32, #tpu.memory_space<vmem>>, vector<16xf32>,
      %mul3A_1003 = arith.mulf %get3A_999, %get3A_1002 : vector<16xf32>
      %add3A_1004 = arith.addf %add3A_996, %mul3A_1003 : vector<16xf32>
      %get3A_1005 = arith.index_cast %add3A_981 : i32 to index
      %get3A_1006 = arith.constant 48 : index
      %get3A_1007 = tpu.vector_load %arg11[%get3A_1005, %get3A_1006] {strides = array<i32>} : memref<512x64xf32, #tpu.memory_space<vmem>>, vector<16xf32>,
      %get3A_1008 = arith.index_cast %add3A_981 : i32 to index
      %get3A_1009 = arith.constant 48 : index
      %get3A_1010 = tpu.vector_load %arg12[%get3A_1008, %get3A_1009] {strides = array<i32>} : memref<512x64xf32, #tpu.memory_space<vmem>>, vector<16xf32>,
      %mul3A_1011 = arith.mulf %get3A_1007, %get3A_1010 : vector<16xf32>
      %add3A_1012 = arith.addf %add3A_1004, %mul3A_1011 : vector<16xf32>
      %mul3A_1013 = arith.constant 16 : i32
      %mul3A_1014 = arith.muli %scan3A_558, %mul3A_1013 : i32
      %add3A_1015 = arith.constant 13 : i32
      %add3A_1016 = arith.addi %mul3A_1014, %add3A_1015 : i32
      %get3A_1017 = arith.index_cast %add3A_1016 : i32 to index
      %get3A_1018 = arith.constant 0 : index
      %get3A_1019 = tpu.vector_load %arg11[%get3A_1017, %get3A_1018] {strides = array<i32>} : memref<512x64xf32, #tpu.memory_space<vmem>>, vector<16xf32>,
      %get3A_1020 = arith.index_cast %add3A_1016 : i32 to index
      %get3A_1021 = arith.constant 0 : index
      %get3A_1022 = tpu.vector_load %arg12[%get3A_1020, %get3A_1021] {strides = array<i32>} : memref<512x64xf32, #tpu.memory_space<vmem>>, vector<16xf32>,
      %mul3A_1023 = arith.mulf %get3A_1019, %get3A_1022 : vector<16xf32>
      %get3A_1024 = arith.index_cast %add3A_1016 : i32 to index
      %get3A_1025 = arith.constant 16 : index
      %get3A_1026 = tpu.vector_load %arg11[%get3A_1024, %get3A_1025] {strides = array<i32>} : memref<512x64xf32, #tpu.memory_space<vmem>>, vector<16xf32>,
      %get3A_1027 = arith.index_cast %add3A_1016 : i32 to index
      %get3A_1028 = arith.constant 16 : index
      %get3A_1029 = tpu.vector_load %arg12[%get3A_1027, %get3A_1028] {strides = array<i32>} : memref<512x64xf32, #tpu.memory_space<vmem>>, vector<16xf32>,
      %mul3A_1030 = arith.mulf %get3A_1026, %get3A_1029 : vector<16xf32>
      %add3A_1031 = arith.addf %mul3A_1023, %mul3A_1030 : vector<16xf32>
      %get3A_1032 = arith.index_cast %add3A_1016 : i32 to index
      %get3A_1033 = arith.constant 32 : index
      %get3A_1034 = tpu.vector_load %arg11[%get3A_1032, %get3A_1033] {strides = array<i32>} : memref<512x64xf32, #tpu.memory_space<vmem>>, vector<16xf32>,
      %get3A_1035 = arith.index_cast %add3A_1016 : i32 to index
      %get3A_1036 = arith.constant 32 : index
      %get3A_1037 = tpu.vector_load %arg12[%get3A_1035, %get3A_1036] {strides = array<i32>} : memref<512x64xf32, #tpu.memory_space<vmem>>, vector<16xf32>,
      %mul3A_1038 = arith.mulf %get3A_1034, %get3A_1037 : vector<16xf32>
      %add3A_1039 = arith.addf %add3A_1031, %mul3A_1038 : vector<16xf32>
      %get3A_1040 = arith.index_cast %add3A_1016 : i32 to index
      %get3A_1041 = arith.constant 48 : index
      %get3A_1042 = tpu.vector_load %arg11[%get3A_1040, %get3A_1041] {strides = array<i32>} : memref<512x64xf32, #tpu.memory_space<vmem>>, vector<16xf32>,
      %get3A_1043 = arith.index_cast %add3A_1016 : i32 to index
      %get3A_1044 = arith.constant 48 : index
      %get3A_1045 = tpu.vector_load %arg12[%get3A_1043, %get3A_1044] {strides = array<i32>} : memref<512x64xf32, #tpu.memory_space<vmem>>, vector<16xf32>,
      %mul3A_1046 = arith.mulf %get3A_1042, %get3A_1045 : vector<16xf32>
      %add3A_1047 = arith.addf %add3A_1039, %mul3A_1046 : vector<16xf32>
      %mul3A_1048 = arith.constant 16 : i32
      %mul3A_1049 = arith.muli %scan3A_558, %mul3A_1048 : i32
      %add3A_1050 = arith.constant 14 : i32
      %add3A_1051 = arith.addi %mul3A_1049, %add3A_1050 : i32
      %get3A_1052 = arith.index_cast %add3A_1051 : i32 to index
      %get3A_1053 = arith.constant 0 : index
      %get3A_1054 = tpu.vector_load %arg11[%get3A_1052, %get3A_1053] {strides = array<i32>} : memref<512x64xf32, #tpu.memory_space<vmem>>, vector<16xf32>,
      %get3A_1055 = arith.index_cast %add3A_1051 : i32 to index
      %get3A_1056 = arith.constant 0 : index
      %get3A_1057 = tpu.vector_load %arg12[%get3A_1055, %get3A_1056] {strides = array<i32>} : memref<512x64xf32, #tpu.memory_space<vmem>>, vector<16xf32>,
      %mul3A_1058 = arith.mulf %get3A_1054, %get3A_1057 : vector<16xf32>
      %get3A_1059 = arith.index_cast %add3A_1051 : i32 to index
      %get3A_1060 = arith.constant 16 : index
      %get3A_1061 = tpu.vector_load %arg11[%get3A_1059, %get3A_1060] {strides = array<i32>} : memref<512x64xf32, #tpu.memory_space<vmem>>, vector<16xf32>,
      %get3A_1062 = arith.index_cast %add3A_1051 : i32 to index
      %get3A_1063 = arith.constant 16 : index
      %get3A_1064 = tpu.vector_load %arg12[%get3A_1062, %get3A_1063] {strides = array<i32>} : memref<512x64xf32, #tpu.memory_space<vmem>>, vector<16xf32>,
      %mul3A_1065 = arith.mulf %get3A_1061, %get3A_1064 : vector<16xf32>
      %add3A_1066 = arith.addf %mul3A_1058, %mul3A_1065 : vector<16xf32>
      %get3A_1067 = arith.index_cast %add3A_1051 : i32 to index
      %get3A_1068 = arith.constant 32 : index
      %get3A_1069 = tpu.vector_load %arg11[%get3A_1067, %get3A_1068] {strides = array<i32>} : memref<512x64xf32, #tpu.memory_space<vmem>>, vector<16xf32>,
      %get3A_1070 = arith.index_cast %add3A_1051 : i32 to index
      %get3A_1071 = arith.constant 32 : index
      %get3A_1072 = tpu.vector_load %arg12[%get3A_1070, %get3A_1071] {strides = array<i32>} : memref<512x64xf32, #tpu.memory_space<vmem>>, vector<16xf32>,
      %mul3A_1073 = arith.mulf %get3A_1069, %get3A_1072 : vector<16xf32>
      %add3A_1074 = arith.addf %add3A_1066, %mul3A_1073 : vector<16xf32>
      %get3A_1075 = arith.index_cast %add3A_1051 : i32 to index
      %get3A_1076 = arith.constant 48 : index
      %get3A_1077 = tpu.vector_load %arg11[%get3A_1075, %get3A_1076] {strides = array<i32>} : memref<512x64xf32, #tpu.memory_space<vmem>>, vector<16xf32>,
      %get3A_1078 = arith.index_cast %add3A_1051 : i32 to index
      %get3A_1079 = arith.constant 48 : index
      %get3A_1080 = tpu.vector_load %arg12[%get3A_1078, %get3A_1079] {strides = array<i32>} : memref<512x64xf32, #tpu.memory_space<vmem>>, vector<16xf32>,
      %mul3A_1081 = arith.mulf %get3A_1077, %get3A_1080 : vector<16xf32>
      %add3A_1082 = arith.addf %add3A_1074, %mul3A_1081 : vector<16xf32>
      %mul3A_1083 = arith.constant 16 : i32
      %mul3A_1084 = arith.muli %scan3A_558, %mul3A_1083 : i32
      %add3A_1085 = arith.constant 15 : i32
      %add3A_1086 = arith.addi %mul3A_1084, %add3A_1085 : i32
      %get3A_1087 = arith.index_cast %add3A_1086 : i32 to index
      %get3A_1088 = arith.constant 0 : index
      %get3A_1089 = tpu.vector_load %arg11[%get3A_1087, %get3A_1088] {strides = array<i32>} : memref<512x64xf32, #tpu.memory_space<vmem>>, vector<16xf32>,
      %get3A_1090 = arith.index_cast %add3A_1086 : i32 to index
      %get3A_1091 = arith.constant 0 : index
      %get3A_1092 = tpu.vector_load %arg12[%get3A_1090, %get3A_1091] {strides = array<i32>} : memref<512x64xf32, #tpu.memory_space<vmem>>, vector<16xf32>,
      %mul3A_1093 = arith.mulf %get3A_1089, %get3A_1092 : vector<16xf32>
      %get3A_1094 = arith.index_cast %add3A_1086 : i32 to index
      %get3A_1095 = arith.constant 16 : index
      %get3A_1096 = tpu.vector_load %arg11[%get3A_1094, %get3A_1095] {strides = array<i32>} : memref<512x64xf32, #tpu.memory_space<vmem>>, vector<16xf32>,
      %get3A_1097 = arith.index_cast %add3A_1086 : i32 to index
      %get3A_1098 = arith.constant 16 : index
      %get3A_1099 = tpu.vector_load %arg12[%get3A_1097, %get3A_1098] {strides = array<i32>} : memref<512x64xf32, #tpu.memory_space<vmem>>, vector<16xf32>,
      %mul3A_1100 = arith.mulf %get3A_1096, %get3A_1099 : vector<16xf32>
      %add3A_1101 = arith.addf %mul3A_1093, %mul3A_1100 : vector<16xf32>
      %get3A_1102 = arith.index_cast %add3A_1086 : i32 to index
      %get3A_1103 = arith.constant 32 : index
      %get3A_1104 = tpu.vector_load %arg11[%get3A_1102, %get3A_1103] {strides = array<i32>} : memref<512x64xf32, #tpu.memory_space<vmem>>, vector<16xf32>,
      %get3A_1105 = arith.index_cast %add3A_1086 : i32 to index
      %get3A_1106 = arith.constant 32 : index
      %get3A_1107 = tpu.vector_load %arg12[%get3A_1105, %get3A_1106] {strides = array<i32>} : memref<512x64xf32, #tpu.memory_space<vmem>>, vector<16xf32>,
      %mul3A_1108 = arith.mulf %get3A_1104, %get3A_1107 : vector<16xf32>
      %add3A_1109 = arith.addf %add3A_1101, %mul3A_1108 : vector<16xf32>
      %get3A_1110 = arith.index_cast %add3A_1086 : i32 to index
      %get3A_1111 = arith.constant 48 : index
      %get3A_1112 = tpu.vector_load %arg11[%get3A_1110, %get3A_1111] {strides = array<i32>} : memref<512x64xf32, #tpu.memory_space<vmem>>, vector<16xf32>,
      %get3A_1113 = arith.index_cast %add3A_1086 : i32 to index
      %get3A_1114 = arith.constant 48 : index
      %get3A_1115 = tpu.vector_load %arg12[%get3A_1113, %get3A_1114] {strides = array<i32>} : memref<512x64xf32, #tpu.memory_space<vmem>>, vector<16xf32>,
      %mul3A_1116 = arith.mulf %get3A_1112, %get3A_1115 : vector<16xf32>
      %add3A_1117 = arith.addf %add3A_1109, %mul3A_1116 : vector<16xf32>
      %broadcast_in_dim3A = vector.shape_cast %xor3A_322 : vector<16xi32> to vector<16x1xi32>
      %gather3A = vector.shape_cast %broadcast_in_dim3A : vector<16x1xi32> to vector<16xi32>
      %gather3A_1118 = tpu.dynamic_gather %add3A_592[%gather3A] in [0] : vector<16xf32>, vector<16xi32> -> vector<16xf32>
      %add3A_1119 = arith.addf %add3A_592, %gather3A_1118 : vector<16xf32>
      %broadcast_in_dim3A_1120 = vector.shape_cast %xor3A_322 : vector<16xi32> to vector<16x1xi32>
      %gather3A_1121 = vector.shape_cast %broadcast_in_dim3A_1120 : vector<16x1xi32> to vector<16xi32>
      %gather3A_1122 = tpu.dynamic_gather %add3A_627[%gather3A_1121] in [0] : vector<16xf32>, vector<16xi32> -> vector<16xf32>
      %add3A_1123 = arith.addf %add3A_627, %gather3A_1122 : vector<16xf32>
      %broadcast_in_dim3A_1124 = vector.shape_cast %add3A_380 : vector<16xi32> to vector<16x1xi32>
      %gather3A_1125 = vector.shape_cast %broadcast_in_dim3A_1124 : vector<16x1xi32> to vector<16xi32>
      %gather3A_1126 = tpu.dynamic_gather %add3A_1119[%gather3A_1125] in [0] : vector<16xf32>, vector<16xi32> -> vector<16xf32>
      %broadcast_in_dim3A_1127 = vector.shape_cast %add3A_380 : vector<16xi32> to vector<16x1xi32>
      %gather3A_1128 = vector.shape_cast %broadcast_in_dim3A_1127 : vector<16x1xi32> to vector<16xi32>
      %gather3A_1129 = tpu.dynamic_gather %add3A_1123[%gather3A_1128] in [0] : vector<16xf32>, vector<16xi32> -> vector<16xf32>
      %select_n3A_1130 = arith.select %lt3A_318, %gather3A_1126, %gather3A_1129 : vector<16xi1>, vector<16xf32>
      %broadcast_in_dim3A_1131 = vector.shape_cast %xor3A_322 : vector<16xi32> to vector<16x1xi32>
      %gather3A_1132 = vector.shape_cast %broadcast_in_dim3A_1131 : vector<16x1xi32> to vector<16xi32>
      %gather3A_1133 = tpu.dynamic_gather %add3A_662[%gather3A_1132] in [0] : vector<16xf32>, vector<16xi32> -> vector<16xf32>
      %add3A_1134 = arith.addf %add3A_662, %gather3A_1133 : vector<16xf32>
      %broadcast_in_dim3A_1135 = vector.shape_cast %xor3A_322 : vector<16xi32> to vector<16x1xi32>
      %gather3A_1136 = vector.shape_cast %broadcast_in_dim3A_1135 : vector<16x1xi32> to vector<16xi32>
      %gather3A_1137 = tpu.dynamic_gather %add3A_697[%gather3A_1136] in [0] : vector<16xf32>, vector<16xi32> -> vector<16xf32>
      %add3A_1138 = arith.addf %add3A_697, %gather3A_1137 : vector<16xf32>
      %broadcast_in_dim3A_1139 = vector.shape_cast %add3A_380 : vector<16xi32> to vector<16x1xi32>
      %gather3A_1140 = vector.shape_cast %broadcast_in_dim3A_1139 : vector<16x1xi32> to vector<16xi32>
      %gather3A_1141 = tpu.dynamic_gather %add3A_1134[%gather3A_1140] in [0] : vector<16xf32>, vector<16xi32> -> vector<16xf32>
      %broadcast_in_dim3A_1142 = vector.shape_cast %add3A_380 : vector<16xi32> to vector<16x1xi32>
      %gather3A_1143 = vector.shape_cast %broadcast_in_dim3A_1142 : vector<16x1xi32> to vector<16xi32>
      %gather3A_1144 = tpu.dynamic_gather %add3A_1138[%gather3A_1143] in [0] : vector<16xf32>, vector<16xi32> -> vector<16xf32>
      %select_n3A_1145 = arith.select %lt3A_318, %gather3A_1141, %gather3A_1144 : vector<16xi1>, vector<16xf32>
      %broadcast_in_dim3A_1146 = vector.shape_cast %xor3A_322 : vector<16xi32> to vector<16x1xi32>
      %gather3A_1147 = vector.shape_cast %broadcast_in_dim3A_1146 : vector<16x1xi32> to vector<16xi32>
      %gather3A_1148 = tpu.dynamic_gather %add3A_732[%gather3A_1147] in [0] : vector<16xf32>, vector<16xi32> -> vector<16xf32>
      %add3A_1149 = arith.addf %add3A_732, %gather3A_1148 : vector<16xf32>
      %broadcast_in_dim3A_1150 = vector.shape_cast %xor3A_322 : vector<16xi32> to vector<16x1xi32>
      %gather3A_1151 = vector.shape_cast %broadcast_in_dim3A_1150 : vector<16x1xi32> to vector<16xi32>
      %gather3A_1152 = tpu.dynamic_gather %add3A_767[%gather3A_1151] in [0] : vector<16xf32>, vector<16xi32> -> vector<16xf32>
      %add3A_1153 = arith.addf %add3A_767, %gather3A_1152 : vector<16xf32>
      %broadcast_in_dim3A_1154 = vector.shape_cast %add3A_380 : vector<16xi32> to vector<16x1xi32>
      %gather3A_1155 = vector.shape_cast %broadcast_in_dim3A_1154 : vector<16x1xi32> to vector<16xi32>
      %gather3A_1156 = tpu.dynamic_gather %add3A_1149[%gather3A_1155] in [0] : vector<16xf32>, vector<16xi32> -> vector<16xf32>
      %broadcast_in_dim3A_1157 = vector.shape_cast %add3A_380 : vector<16xi32> to vector<16x1xi32>
      %gather3A_1158 = vector.shape_cast %broadcast_in_dim3A_1157 : vector<16x1xi32> to vector<16xi32>
      %gather3A_1159 = tpu.dynamic_gather %add3A_1153[%gather3A_1158] in [0] : vector<16xf32>, vector<16xi32> -> vector<16xf32>
      %select_n3A_1160 = arith.select %lt3A_318, %gather3A_1156, %gather3A_1159 : vector<16xi1>, vector<16xf32>
      %broadcast_in_dim3A_1161 = vector.shape_cast %xor3A_322 : vector<16xi32> to vector<16x1xi32>
      %gather3A_1162 = vector.shape_cast %broadcast_in_dim3A_1161 : vector<16x1xi32> to vector<16xi32>
      %gather3A_1163 = tpu.dynamic_gather %add3A_802[%gather3A_1162] in [0] : vector<16xf32>, vector<16xi32> -> vector<16xf32>
      %add3A_1164 = arith.addf %add3A_802, %gather3A_1163 : vector<16xf32>
      %broadcast_in_dim3A_1165 = vector.shape_cast %xor3A_322 : vector<16xi32> to vector<16x1xi32>
      %gather3A_1166 = vector.shape_cast %broadcast_in_dim3A_1165 : vector<16x1xi32> to vector<16xi32>
      %gather3A_1167 = tpu.dynamic_gather %add3A_837[%gather3A_1166] in [0] : vector<16xf32>, vector<16xi32> -> vector<16xf32>
      %add3A_1168 = arith.addf %add3A_837, %gather3A_1167 : vector<16xf32>
      %broadcast_in_dim3A_1169 = vector.shape_cast %add3A_380 : vector<16xi32> to vector<16x1xi32>
      %gather3A_1170 = vector.shape_cast %broadcast_in_dim3A_1169 : vector<16x1xi32> to vector<16xi32>
      %gather3A_1171 = tpu.dynamic_gather %add3A_1164[%gather3A_1170] in [0] : vector<16xf32>, vector<16xi32> -> vector<16xf32>
      %broadcast_in_dim3A_1172 = vector.shape_cast %add3A_380 : vector<16xi32> to vector<16x1xi32>
      %gather3A_1173 = vector.shape_cast %broadcast_in_dim3A_1172 : vector<16x1xi32> to vector<16xi32>
      %gather3A_1174 = tpu.dynamic_gather %add3A_1168[%gather3A_1173] in [0] : vector<16xf32>, vector<16xi32> -> vector<16xf32>
      %select_n3A_1175 = arith.select %lt3A_318, %gather3A_1171, %gather3A_1174 : vector<16xi1>, vector<16xf32>
      %broadcast_in_dim3A_1176 = vector.shape_cast %xor3A_322 : vector<16xi32> to vector<16x1xi32>
      %gather3A_1177 = vector.shape_cast %broadcast_in_dim3A_1176 : vector<16x1xi32> to vector<16xi32>
      %gather3A_1178 = tpu.dynamic_gather %add3A_872[%gather3A_1177] in [0] : vector<16xf32>, vector<16xi32> -> vector<16xf32>
      %add3A_1179 = arith.addf %add3A_872, %gather3A_1178 : vector<16xf32>
      %broadcast_in_dim3A_1180 = vector.shape_cast %xor3A_322 : vector<16xi32> to vector<16x1xi32>
      %gather3A_1181 = vector.shape_cast %broadcast_in_dim3A_1180 : vector<16x1xi32> to vector<16xi32>
      %gather3A_1182 = tpu.dynamic_gather %add3A_907[%gather3A_1181] in [0] : vector<16xf32>, vector<16xi32> -> vector<16xf32>
      %add3A_1183 = arith.addf %add3A_907, %gather3A_1182 : vector<16xf32>
      %broadcast_in_dim3A_1184 = vector.shape_cast %add3A_380 : vector<16xi32> to vector<16x1xi32>
      %gather3A_1185 = vector.shape_cast %broadcast_in_dim3A_1184 : vector<16x1xi32> to vector<16xi32>
      %gather3A_1186 = tpu.dynamic_gather %add3A_1179[%gather3A_1185] in [0] : vector<16xf32>, vector<16xi32> -> vector<16xf32>
      %broadcast_in_dim3A_1187 = vector.shape_cast %add3A_380 : vector<16xi32> to vector<16x1xi32>
      %gather3A_1188 = vector.shape_cast %broadcast_in_dim3A_1187 : vector<16x1xi32> to vector<16xi32>
      %gather3A_1189 = tpu.dynamic_gather %add3A_1183[%gather3A_1188] in [0] : vector<16xf32>, vector<16xi32> -> vector<16xf32>
      %select_n3A_1190 = arith.select %lt3A_318, %gather3A_1186, %gather3A_1189 : vector<16xi1>, vector<16xf32>
      %broadcast_in_dim3A_1191 = vector.shape_cast %xor3A_322 : vector<16xi32> to vector<16x1xi32>
      %gather3A_1192 = vector.shape_cast %broadcast_in_dim3A_1191 : vector<16x1xi32> to vector<16xi32>
      %gather3A_1193 = tpu.dynamic_gather %add3A_942[%gather3A_1192] in [0] : vector<16xf32>, vector<16xi32> -> vector<16xf32>
      %add3A_1194 = arith.addf %add3A_942, %gather3A_1193 : vector<16xf32>
      %broadcast_in_dim3A_1195 = vector.shape_cast %xor3A_322 : vector<16xi32> to vector<16x1xi32>
      %gather3A_1196 = vector.shape_cast %broadcast_in_dim3A_1195 : vector<16x1xi32> to vector<16xi32>
      %gather3A_1197 = tpu.dynamic_gather %add3A_977[%gather3A_1196] in [0] : vector<16xf32>, vector<16xi32> -> vector<16xf32>
      %add3A_1198 = arith.addf %add3A_977, %gather3A_1197 : vector<16xf32>
      %broadcast_in_dim3A_1199 = vector.shape_cast %add3A_380 : vector<16xi32> to vector<16x1xi32>
      %gather3A_1200 = vector.shape_cast %broadcast_in_dim3A_1199 : vector<16x1xi32> to vector<16xi32>
      %gather3A_1201 = tpu.dynamic_gather %add3A_1194[%gather3A_1200] in [0] : vector<16xf32>, vector<16xi32> -> vector<16xf32>
      %broadcast_in_dim3A_1202 = vector.shape_cast %add3A_380 : vector<16xi32> to vector<16x1xi32>
      %gather3A_1203 = vector.shape_cast %broadcast_in_dim3A_1202 : vector<16x1xi32> to vector<16xi32>
      %gather3A_1204 = tpu.dynamic_gather %add3A_1198[%gather3A_1203] in [0] : vector<16xf32>, vector<16xi32> -> vector<16xf32>
      %select_n3A_1205 = arith.select %lt3A_318, %gather3A_1201, %gather3A_1204 : vector<16xi1>, vector<16xf32>
      %broadcast_in_dim3A_1206 = vector.shape_cast %xor3A_322 : vector<16xi32> to vector<16x1xi32>
      %gather3A_1207 = vector.shape_cast %broadcast_in_dim3A_1206 : vector<16x1xi32> to vector<16xi32>
      %gather3A_1208 = tpu.dynamic_gather %add3A_1012[%gather3A_1207] in [0] : vector<16xf32>, vector<16xi32> -> vector<16xf32>
      %add3A_1209 = arith.addf %add3A_1012, %gather3A_1208 : vector<16xf32>
      %broadcast_in_dim3A_1210 = vector.shape_cast %xor3A_322 : vector<16xi32> to vector<16x1xi32>
      %gather3A_1211 = vector.shape_cast %broadcast_in_dim3A_1210 : vector<16x1xi32> to vector<16xi32>
      %gather3A_1212 = tpu.dynamic_gather %add3A_1047[%gather3A_1211] in [0] : vector<16xf32>, vector<16xi32> -> vector<16xf32>
      %add3A_1213 = arith.addf %add3A_1047, %gather3A_1212 : vector<16xf32>
      %broadcast_in_dim3A_1214 = vector.shape_cast %add3A_380 : vector<16xi32> to vector<16x1xi32>
      %gather3A_1215 = vector.shape_cast %broadcast_in_dim3A_1214 : vector<16x1xi32> to vector<16xi32>
      %gather3A_1216 = tpu.dynamic_gather %add3A_1209[%gather3A_1215] in [0] : vector<16xf32>, vector<16xi32> -> vector<16xf32>
      %broadcast_in_dim3A_1217 = vector.shape_cast %add3A_380 : vector<16xi32> to vector<16x1xi32>
      %gather3A_1218 = vector.shape_cast %broadcast_in_dim3A_1217 : vector<16x1xi32> to vector<16xi32>
      %gather3A_1219 = tpu.dynamic_gather %add3A_1213[%gather3A_1218] in [0] : vector<16xf32>, vector<16xi32> -> vector<16xf32>
      %select_n3A_1220 = arith.select %lt3A_318, %gather3A_1216, %gather3A_1219 : vector<16xi1>, vector<16xf32>
      %broadcast_in_dim3A_1221 = vector.shape_cast %xor3A_322 : vector<16xi32> to vector<16x1xi32>
      %gather3A_1222 = vector.shape_cast %broadcast_in_dim3A_1221 : vector<16x1xi32> to vector<16xi32>
      %gather3A_1223 = tpu.dynamic_gather %add3A_1082[%gather3A_1222] in [0] : vector<16xf32>, vector<16xi32> -> vector<16xf32>
      %add3A_1224 = arith.addf %add3A_1082, %gather3A_1223 : vector<16xf32>
      %broadcast_in_dim3A_1225 = vector.shape_cast %xor3A_322 : vector<16xi32> to vector<16x1xi32>
      %gather3A_1226 = vector.shape_cast %broadcast_in_dim3A_1225 : vector<16x1xi32> to vector<16xi32>
      %gather3A_1227 = tpu.dynamic_gather %add3A_1117[%gather3A_1226] in [0] : vector<16xf32>, vector<16xi32> -> vector<16xf32>
      %add3A_1228 = arith.addf %add3A_1117, %gather3A_1227 : vector<16xf32>
      %broadcast_in_dim3A_1229 = vector.shape_cast %add3A_380 : vector<16xi32> to vector<16x1xi32>
      %gather3A_1230 = vector.shape_cast %broadcast_in_dim3A_1229 : vector<16x1xi32> to vector<16xi32>
      %gather3A_1231 = tpu.dynamic_gather %add3A_1224[%gather3A_1230] in [0] : vector<16xf32>, vector<16xi32> -> vector<16xf32>
      %broadcast_in_dim3A_1232 = vector.shape_cast %add3A_380 : vector<16xi32> to vector<16x1xi32>
      %gather3A_1233 = vector.shape_cast %broadcast_in_dim3A_1232 : vector<16x1xi32> to vector<16xi32>
      %gather3A_1234 = tpu.dynamic_gather %add3A_1228[%gather3A_1233] in [0] : vector<16xf32>, vector<16xi32> -> vector<16xf32>
      %select_n3A_1235 = arith.select %lt3A_318, %gather3A_1231, %gather3A_1234 : vector<16xi1>, vector<16xf32>
      %broadcast_in_dim3A_1236 = vector.shape_cast %xor3A_325 : vector<16xi32> to vector<16x1xi32>
      %gather3A_1237 = vector.shape_cast %broadcast_in_dim3A_1236 : vector<16x1xi32> to vector<16xi32>
      %gather3A_1238 = tpu.dynamic_gather %select_n3A_1130[%gather3A_1237] in [0] : vector<16xf32>, vector<16xi32> -> vector<16xf32>
      %add3A_1239 = arith.addf %select_n3A_1130, %gather3A_1238 : vector<16xf32>
      %broadcast_in_dim3A_1240 = vector.shape_cast %xor3A_325 : vector<16xi32> to vector<16x1xi32>
      %gather3A_1241 = vector.shape_cast %broadcast_in_dim3A_1240 : vector<16x1xi32> to vector<16xi32>
      %gather3A_1242 = tpu.dynamic_gather %select_n3A_1145[%gather3A_1241] in [0] : vector<16xf32>, vector<16xi32> -> vector<16xf32>
      %add3A_1243 = arith.addf %select_n3A_1145, %gather3A_1242 : vector<16xf32>
      %broadcast_in_dim3A_1244 = vector.shape_cast %add3A_437 : vector<16xi32> to vector<16x1xi32>
      %gather3A_1245 = vector.shape_cast %broadcast_in_dim3A_1244 : vector<16x1xi32> to vector<16xi32>
      %gather3A_1246 = tpu.dynamic_gather %add3A_1239[%gather3A_1245] in [0] : vector<16xf32>, vector<16xi32> -> vector<16xf32>
      %broadcast_in_dim3A_1247 = vector.shape_cast %add3A_437 : vector<16xi32> to vector<16x1xi32>
      %gather3A_1248 = vector.shape_cast %broadcast_in_dim3A_1247 : vector<16x1xi32> to vector<16xi32>
      %gather3A_1249 = tpu.dynamic_gather %add3A_1243[%gather3A_1248] in [0] : vector<16xf32>, vector<16xi32> -> vector<16xf32>
      %select_n3A_1250 = arith.select %lt3A_318, %gather3A_1246, %gather3A_1249 : vector<16xi1>, vector<16xf32>
      %broadcast_in_dim3A_1251 = vector.shape_cast %xor3A_325 : vector<16xi32> to vector<16x1xi32>
      %gather3A_1252 = vector.shape_cast %broadcast_in_dim3A_1251 : vector<16x1xi32> to vector<16xi32>
      %gather3A_1253 = tpu.dynamic_gather %select_n3A_1160[%gather3A_1252] in [0] : vector<16xf32>, vector<16xi32> -> vector<16xf32>
      %add3A_1254 = arith.addf %select_n3A_1160, %gather3A_1253 : vector<16xf32>
      %broadcast_in_dim3A_1255 = vector.shape_cast %xor3A_325 : vector<16xi32> to vector<16x1xi32>
      %gather3A_1256 = vector.shape_cast %broadcast_in_dim3A_1255 : vector<16x1xi32> to vector<16xi32>
      %gather3A_1257 = tpu.dynamic_gather %select_n3A_1175[%gather3A_1256] in [0] : vector<16xf32>, vector<16xi32> -> vector<16xf32>
      %add3A_1258 = arith.addf %select_n3A_1175, %gather3A_1257 : vector<16xf32>
      %broadcast_in_dim3A_1259 = vector.shape_cast %add3A_437 : vector<16xi32> to vector<16x1xi32>
      %gather3A_1260 = vector.shape_cast %broadcast_in_dim3A_1259 : vector<16x1xi32> to vector<16xi32>
      %gather3A_1261 = tpu.dynamic_gather %add3A_1254[%gather3A_1260] in [0] : vector<16xf32>, vector<16xi32> -> vector<16xf32>
      %broadcast_in_dim3A_1262 = vector.shape_cast %add3A_437 : vector<16xi32> to vector<16x1xi32>
      %gather3A_1263 = vector.shape_cast %broadcast_in_dim3A_1262 : vector<16x1xi32> to vector<16xi32>
      %gather3A_1264 = tpu.dynamic_gather %add3A_1258[%gather3A_1263] in [0] : vector<16xf32>, vector<16xi32> -> vector<16xf32>
      %select_n3A_1265 = arith.select %lt3A_318, %gather3A_1261, %gather3A_1264 : vector<16xi1>, vector<16xf32>
      %broadcast_in_dim3A_1266 = vector.shape_cast %xor3A_325 : vector<16xi32> to vector<16x1xi32>
      %gather3A_1267 = vector.shape_cast %broadcast_in_dim3A_1266 : vector<16x1xi32> to vector<16xi32>
      %gather3A_1268 = tpu.dynamic_gather %select_n3A_1190[%gather3A_1267] in [0] : vector<16xf32>, vector<16xi32> -> vector<16xf32>
      %add3A_1269 = arith.addf %select_n3A_1190, %gather3A_1268 : vector<16xf32>
      %broadcast_in_dim3A_1270 = vector.shape_cast %xor3A_325 : vector<16xi32> to vector<16x1xi32>
      %gather3A_1271 = vector.shape_cast %broadcast_in_dim3A_1270 : vector<16x1xi32> to vector<16xi32>
      %gather3A_1272 = tpu.dynamic_gather %select_n3A_1205[%gather3A_1271] in [0] : vector<16xf32>, vector<16xi32> -> vector<16xf32>
      %add3A_1273 = arith.addf %select_n3A_1205, %gather3A_1272 : vector<16xf32>
      %broadcast_in_dim3A_1274 = vector.shape_cast %add3A_437 : vector<16xi32> to vector<16x1xi32>
      %gather3A_1275 = vector.shape_cast %broadcast_in_dim3A_1274 : vector<16x1xi32> to vector<16xi32>
      %gather3A_1276 = tpu.dynamic_gather %add3A_1269[%gather3A_1275] in [0] : vector<16xf32>, vector<16xi32> -> vector<16xf32>
      %broadcast_in_dim3A_1277 = vector.shape_cast %add3A_437 : vector<16xi32> to vector<16x1xi32>
      %gather3A_1278 = vector.shape_cast %broadcast_in_dim3A_1277 : vector<16x1xi32> to vector<16xi32>
      %gather3A_1279 = tpu.dynamic_gather %add3A_1273[%gather3A_1278] in [0] : vector<16xf32>, vector<16xi32> -> vector<16xf32>
      %select_n3A_1280 = arith.select %lt3A_318, %gather3A_1276, %gather3A_1279 : vector<16xi1>, vector<16xf32>
      %broadcast_in_dim3A_1281 = vector.shape_cast %xor3A_325 : vector<16xi32> to vector<16x1xi32>
      %gather3A_1282 = vector.shape_cast %broadcast_in_dim3A_1281 : vector<16x1xi32> to vector<16xi32>
      %gather3A_1283 = tpu.dynamic_gather %select_n3A_1220[%gather3A_1282] in [0] : vector<16xf32>, vector<16xi32> -> vector<16xf32>
      %add3A_1284 = arith.addf %select_n3A_1220, %gather3A_1283 : vector<16xf32>
      %broadcast_in_dim3A_1285 = vector.shape_cast %xor3A_325 : vector<16xi32> to vector<16x1xi32>
      %gather3A_1286 = vector.shape_cast %broadcast_in_dim3A_1285 : vector<16x1xi32> to vector<16xi32>
      %gather3A_1287 = tpu.dynamic_gather %select_n3A_1235[%gather3A_1286] in [0] : vector<16xf32>, vector<16xi32> -> vector<16xf32>
      %add3A_1288 = arith.addf %select_n3A_1235, %gather3A_1287 : vector<16xf32>
      %broadcast_in_dim3A_1289 = vector.shape_cast %add3A_437 : vector<16xi32> to vector<16x1xi32>
      %gather3A_1290 = vector.shape_cast %broadcast_in_dim3A_1289 : vector<16x1xi32> to vector<16xi32>
      %gather3A_1291 = tpu.dynamic_gather %add3A_1284[%gather3A_1290] in [0] : vector<16xf32>, vector<16xi32> -> vector<16xf32>
      %broadcast_in_dim3A_1292 = vector.shape_cast %add3A_437 : vector<16xi32> to vector<16x1xi32>
      %gather3A_1293 = vector.shape_cast %broadcast_in_dim3A_1292 : vector<16x1xi32> to vector<16xi32>
      %gather3A_1294 = tpu.dynamic_gather %add3A_1288[%gather3A_1293] in [0] : vector<16xf32>, vector<16xi32> -> vector<16xf32>
      %select_n3A_1295 = arith.select %lt3A_318, %gather3A_1291, %gather3A_1294 : vector<16xi1>, vector<16xf32>
      %broadcast_in_dim3A_1296 = vector.shape_cast %xor3A_328 : vector<16xi32> to vector<16x1xi32>
      %gather3A_1297 = vector.shape_cast %broadcast_in_dim3A_1296 : vector<16x1xi32> to vector<16xi32>
      %gather3A_1298 = tpu.dynamic_gather %select_n3A_1250[%gather3A_1297] in [0] : vector<16xf32>, vector<16xi32> -> vector<16xf32>
      %add3A_1299 = arith.addf %select_n3A_1250, %gather3A_1298 : vector<16xf32>
      %broadcast_in_dim3A_1300 = vector.shape_cast %xor3A_328 : vector<16xi32> to vector<16x1xi32>
      %gather3A_1301 = vector.shape_cast %broadcast_in_dim3A_1300 : vector<16x1xi32> to vector<16xi32>
      %gather3A_1302 = tpu.dynamic_gather %select_n3A_1265[%gather3A_1301] in [0] : vector<16xf32>, vector<16xi32> -> vector<16xf32>
      %add3A_1303 = arith.addf %select_n3A_1265, %gather3A_1302 : vector<16xf32>
      %broadcast_in_dim3A_1304 = vector.shape_cast %add3A_494 : vector<16xi32> to vector<16x1xi32>
      %gather3A_1305 = vector.shape_cast %broadcast_in_dim3A_1304 : vector<16x1xi32> to vector<16xi32>
      %gather3A_1306 = tpu.dynamic_gather %add3A_1299[%gather3A_1305] in [0] : vector<16xf32>, vector<16xi32> -> vector<16xf32>
      %broadcast_in_dim3A_1307 = vector.shape_cast %add3A_494 : vector<16xi32> to vector<16x1xi32>
      %gather3A_1308 = vector.shape_cast %broadcast_in_dim3A_1307 : vector<16x1xi32> to vector<16xi32>
      %gather3A_1309 = tpu.dynamic_gather %add3A_1303[%gather3A_1308] in [0] : vector<16xf32>, vector<16xi32> -> vector<16xf32>
      %select_n3A_1310 = arith.select %lt3A_318, %gather3A_1306, %gather3A_1309 : vector<16xi1>, vector<16xf32>
      %broadcast_in_dim3A_1311 = vector.shape_cast %xor3A_328 : vector<16xi32> to vector<16x1xi32>
      %gather3A_1312 = vector.shape_cast %broadcast_in_dim3A_1311 : vector<16x1xi32> to vector<16xi32>
      %gather3A_1313 = tpu.dynamic_gather %select_n3A_1280[%gather3A_1312] in [0] : vector<16xf32>, vector<16xi32> -> vector<16xf32>
      %add3A_1314 = arith.addf %select_n3A_1280, %gather3A_1313 : vector<16xf32>
      %broadcast_in_dim3A_1315 = vector.shape_cast %xor3A_328 : vector<16xi32> to vector<16x1xi32>
      %gather3A_1316 = vector.shape_cast %broadcast_in_dim3A_1315 : vector<16x1xi32> to vector<16xi32>
      %gather3A_1317 = tpu.dynamic_gather %select_n3A_1295[%gather3A_1316] in [0] : vector<16xf32>, vector<16xi32> -> vector<16xf32>
      %add3A_1318 = arith.addf %select_n3A_1295, %gather3A_1317 : vector<16xf32>
      %broadcast_in_dim3A_1319 = vector.shape_cast %add3A_494 : vector<16xi32> to vector<16x1xi32>
      %gather3A_1320 = vector.shape_cast %broadcast_in_dim3A_1319 : vector<16x1xi32> to vector<16xi32>
      %gather3A_1321 = tpu.dynamic_gather %add3A_1314[%gather3A_1320] in [0] : vector<16xf32>, vector<16xi32> -> vector<16xf32>
      %broadcast_in_dim3A_1322 = vector.shape_cast %add3A_494 : vector<16xi32> to vector<16x1xi32>
      %gather3A_1323 = vector.shape_cast %broadcast_in_dim3A_1322 : vector<16x1xi32> to vector<16xi32>
      %gather3A_1324 = tpu.dynamic_gather %add3A_1318[%gather3A_1323] in [0] : vector<16xf32>, vector<16xi32> -> vector<16xf32>
      %select_n3A_1325 = arith.select %lt3A_318, %gather3A_1321, %gather3A_1324 : vector<16xi1>, vector<16xf32>
      %broadcast_in_dim3A_1326 = vector.shape_cast %xor3A_331 : vector<16xi32> to vector<16x1xi32>
      %gather3A_1327 = vector.shape_cast %broadcast_in_dim3A_1326 : vector<16x1xi32> to vector<16xi32>
      %gather3A_1328 = tpu.dynamic_gather %select_n3A_1310[%gather3A_1327] in [0] : vector<16xf32>, vector<16xi32> -> vector<16xf32>
      %add3A_1329 = arith.addf %select_n3A_1310, %gather3A_1328 : vector<16xf32>
      %broadcast_in_dim3A_1330 = vector.shape_cast %xor3A_331 : vector<16xi32> to vector<16x1xi32>
      %gather3A_1331 = vector.shape_cast %broadcast_in_dim3A_1330 : vector<16x1xi32> to vector<16xi32>
      %gather3A_1332 = tpu.dynamic_gather %select_n3A_1325[%gather3A_1331] in [0] : vector<16xf32>, vector<16xi32> -> vector<16xf32>
      %add3A_1333 = arith.addf %select_n3A_1325, %gather3A_1332 : vector<16xf32>
      %broadcast_in_dim3A_1334 = vector.shape_cast %add3A_551 : vector<16xi32> to vector<16x1xi32>
      %gather3A_1335 = vector.shape_cast %broadcast_in_dim3A_1334 : vector<16x1xi32> to vector<16xi32>
      %gather3A_1336 = tpu.dynamic_gather %add3A_1329[%gather3A_1335] in [0] : vector<16xf32>, vector<16xi32> -> vector<16xf32>
      %broadcast_in_dim3A_1337 = vector.shape_cast %add3A_551 : vector<16xi32> to vector<16x1xi32>
      %gather3A_1338 = vector.shape_cast %broadcast_in_dim3A_1337 : vector<16x1xi32> to vector<16xi32>
      %gather3A_1339 = tpu.dynamic_gather %add3A_1333[%gather3A_1338] in [0] : vector<16xf32>, vector<16xi32> -> vector<16xf32>
      %select_n3A_1340 = arith.select %lt3A_318, %gather3A_1336, %gather3A_1339 : vector<16xi1>, vector<16xf32>
      %mul3A_1341 = arith.constant 16 : i32
      %mul3A_1342 = arith.muli %scan3A_558, %mul3A_1341 : i32
      %get3A_1343 = arith.index_cast %mul3A_1342 : i32 to index
      %get3A_1344 = tpu.vector_load %arg13[%get3A_1343] {strides = array<i32>} : memref<512xf32, #tpu.memory_space<vmem>>, vector<16xf32>,
      %add3A_1345 = arith.addf %select_n3A_1340, %get3A_1344 : vector<16xf32>
      %mul3A_1346 = arith.constant 16 : i32
      %mul3A_1347 = arith.muli %scan3A_558, %mul3A_1346 : i32
      %get3A_1348 = arith.index_cast %mul3A_1347 : i32 to index
      %get3A_1349 = tpu.vector_load %arg14[%get3A_1348] {strides = array<i32>} : memref<512xf32, #tpu.memory_space<vmem>>, vector<16xf32>,
      %add3A_1350 = arith.addf %add3A_1345, %get3A_1349 : vector<16xf32>
      %neg3A = arith.constant 0.000000e+00 : f32
      %neg3A_1351 = vector.broadcast %neg3A : f32 to vector<16xf32>
      %neg3A_1352 = arith.subf %neg3A_1351, %add3A_1350 : vector<16xf32>
      %exp3A = math.exp %neg3A_1352 : vector<16xf32>
      %add3A_1353 = arith.constant 1.000000e+00 : f32
      %add3A_1354 = vector.broadcast %add3A_1353 : f32 to vector<16xf32>
      %add3A_1355 = arith.addf %add3A_1354, %exp3A : vector<16xf32>
      %div3A_1356 = arith.constant 5.000000e+00 : f32
      %div3A_1357 = vector.broadcast %div3A_1356 : f32 to vector<16xf32>
      %div3A_1358 = arith.divf %div3A_1357, %add3A_1355 : vector<16xf32>
      %mul3A_1359 = arith.constant 16 : i32
      %mul3A_1360 = arith.muli %scan3A_558, %mul3A_1359 : i32
      %swap3A = arith.index_cast %mul3A_1360 : i32 to index
      %swap3A_1361 = tpu.vector_load %arg15[%swap3A] {strides = array<i32>} : memref<512xf32, #tpu.memory_space<vmem>>, vector<16xf32>,
      tpu.vector_store %arg15[%swap3A], %div3A_1358 {strides = array<i32>} : memref<512xf32, #tpu.memory_space<vmem>>, vector<16xf32>,
    }
    %scan3A_557 = arith.constant 32 : i32
    "tpu.region"() ({
      %run_scoped3A_558 = tpu.sem_alloc : memref<!tpu.dma_semaphore, #tpu.memory_space<semaphore_mem>>
      %dma_start3A_559 = tpu.memref_slice %arg8[%mul3A_2] : memref<16384xf32, #tpu.memory_space<hbm>> -> memref<512xf32, #tpu.memory_space<hbm>>
      %dma_start3A_560 = tpu.memref_slice %arg8[%mul3A_2] : memref<16384xf32, #tpu.memory_space<hbm>> -> memref<512xf32, #tpu.memory_space<hbm>>
      tpu.enqueue_dma source(%arg15 : memref<512xf32, #tpu.memory_space<vmem>>) target(%dma_start3A_560 : memref<512xf32, #tpu.memory_space<hbm>>) target_semaphore(%run_scoped3A_558 : memref<!tpu.dma_semaphore, #tpu.memory_space<semaphore_mem>>)
      %dma_wait3A_561 = tpu.memref_slice %arg8[%mul3A_2] : memref<16384xf32, #tpu.memory_space<hbm>> -> memref<512xf32, #tpu.memory_space<hbm>>
      %dma_wait3A_562 = tpu.memref_slice %arg8[%mul3A_2] : memref<16384xf32, #tpu.memory_space<hbm>> -> memref<512xf32, #tpu.memory_space<hbm>>
      tpu.wait_dma2 semaphore(%run_scoped3A_558 : memref<!tpu.dma_semaphore, #tpu.memory_space<semaphore_mem>>) src(%arg15 : memref<512xf32, #tpu.memory_space<vmem>>) dst(%dma_wait3A_562 : memref<512xf32, #tpu.memory_space<hbm>>)
      tpu.yield
    }) : () -> ()
    return
  }
}

</mosaic_0001>

<sc_bundles>
// kernel: kernel.3.cloned.1.call-start
scs
__scs_entry_jumppad:
0x0: {  	(pc) =	sbr.rel $0x88, $3  }
0x1: {  	(tag) =	ssettag $0x0;
	lr =	simm.s32 $0x1  }
0x2: {  	[smem:$0x3F9B] =	sst lr;
	_ =	strace $0xD0000000  }
0x3: {  	_ = 	snop  }
0x4: {  	_ = 	snop  }
0x5: {  	_ = 	snop  }
0x6: {  	_ = 	snop  }
0x7: {  	_ = 	snop  }
__scs_overlays_trampoline_lowered:
0x8: {  	[smem:$0x3FAA] =	sst s0  }
0x9: {  	[smem:$0x3FAB] =	sst s1  }
0xa: {  	[smem:$0x3FAC] =	sst s2  }
0xb: {  	[smem:$0x3FAD] =	sst s3  }
0xc: {  	[smem:$0x3FAE] =	sst s4  }
0xd: {  	[smem:$0x3FAF] =	sst s5  }
0xe: {  	[smem:$0x3FB0] =	sst s6  }
0xf: {  	[smem:$0x3FB1] =	sst s7  }
0x10: {  	[smem:$0x3FB2] =	sst s8  }
0x11: {  	[smem:$0x3FB3] =	sst s9;
	s0 =	simm.s32 @!p0 $0x0  }
0x12: {  	s1 =	sld [smem:$0x3F99];
	s0 =	simm.s32 @p0 $0x1  }
0x13: {  	[smem:$0x3FB4] =	sst s0;
	s0 =	simm.s32 @!p1 $0x0  }
0x14: {  	s2 =	sld [smem:$0x3F98];
	s0 =	simm.s32 @p1 $0x1  }
0x15: {  	[smem:$0x3FB5] =	sst s0;
	s0 =	simm.s32 @!p2 $0x0  }
0x16: {  	s3 =	sld [smem:$0x3FDB];
	s0 =	simm.s32 @p2 $0x1  }
0x17: {  	s4 =	simm.s32 $0x1BF5;
	[smem:$0x3FB7] =	sst s0  }
0x18: {  	s0 =	sld [smem:$0x3F9A];
	_ =	swait.ge [sflag:s4], $0x0  }
0x19: {  	s7 =	sld [smem:$0x3F9B]  }
0x1a: {  	s8 =	sadd.s32 $0xFFFFE003, lr  }
0x1b: {  	s9 =	sadd.s32 $0xFFFFFEF7, lr;
	s5 =	simm.s32 $0xFFFFFFFF;
	p2 =	slt.u32 s8, $0xFFFFF086  }
0x1c: {  	p1 =	slt.u32 s9, $0xF7A;
	s5 =	simm.s32 @!p2 $0x0  }
0x1d: {  	s5 =	simm.s32 @p1 $0x1;
	p0 =	seq.s32 s7, s2  }
0x1e: {  	s7 =	smul.u32 @!p0 $0xF7A, s2;
	p2 =	seq.s32 @!p0 s5, $0x0  }
0x1f: {  	s9 =	smul.u32 $0xF7A, s1;
	s8 =	simm.s32 @!p0 $0x1BF5;
	p2 =	por !p2, p0  }
0x20: {  	[sflag:s8] =	ssyncset.s32 @!p0 $0xFFFFF086;
	s6 =	sadd.s32 @!p0 s3, s7;
	s7 =	simm.s32 @!p0 $0x108  }
0x21: {  	s3 =	sadd.s32 s3, s9;
	s6 =	sadd.s32 @!p0 $0x88, s6;
	s7 =	simm.s32 @p2 $0x1082  }
0x22: {  	[simem:s7], [sflag:s8] =	dma.local @!p0 [hbm:s6], $0xF7A  }
0x23: {  	s9 =	sor.u32 $0xD0000000, s2;
	s6 =	simm.s32 $0x108;
	_ =	swait.ge @!p0 [sflag:s8], $0x0  }
0x24: {  	s3 =	sadd.s32 $0x88, s3;
	s6 =	simm.s32 @!p1 $0x1082;
	[sflag:s4] =	ssyncset.s32 $0xFFFFF086  }
0x25: {  	[simem:s6], [sflag:s4] =	dma.local [hbm:s3], $0xF7A  }
0x26: {  	[smem:$0x3F9B] =	sst s1;
	(tag) =	ssettag s2;
	_ =	strace s9  }
0x27: {  	s1 =	sld [smem:$0x3FAB]  }
0x28: {  	s2 =	sld [smem:$0x3FAC]  }
0x29: {  	s4 =	sld [smem:$0x3FAE]  }
0x2a: {  	p0 =	seq.s32 s5, $0x0;
	s5 =	sld [smem:$0x3FAF]  }
0x2b: {  	s6 =	sld [smem:$0x3FB0]  }
0x2c: {  	s7 =	sld [smem:$0x3FB1]  }
0x2d: {  	s3 =	simm.s32 $0x108;
	s8 =	sld [smem:$0x3FB2]  }
0x2e: {  	s3 =	simm.s32 @!p0 $0x1082;
	s9 =	sld [smem:$0x3FB3]  }
0x2f: {  	lr =	sadd.s32 s0, s3;
	s0 =	sld [smem:$0x3FAA]  }
0x30: {  	s3 =	sld [smem:$0x3FAD]  }
0x31: {  	[smem:$0x3FB6] =	sst s10  }
0x32: {  	s10 =	sld [smem:$0x3FB4];
	_ =	sdelay $0x3  }
0x33: {  	p0 =	seq.s32 s10, $0x1;
	s10 =	sld [smem:$0x3FB6];
	_ =	sdelay $0x3  }
0x34: {  	[smem:$0x3FB6] =	sst s10  }
0x35: {  	s10 =	sld [smem:$0x3FB5];
	_ =	sdelay $0x3  }
0x36: {  	p1 =	seq.s32 s10, $0x1;
	s10 =	sld [smem:$0x3FB6];
	_ =	sdelay $0x3  }
0x37: {  	[smem:$0x3FB6] =	sst s10  }
0x38: {  	s10 =	sld [smem:$0x3FB7]  }
0x39: {  	_ = 	snop;
	(pc) =	sbr.ind lr, $3  }
0x3a: {  	_ = 	snop  }
0x3b: {  	_ = 	snop  }
0x3c: {  	p2 =	seq.s32 s10, $0x1;
	s10 =	sld [smem:$0x3FB6]  }
0x3d: {  	_ =	shalt  }
0x3e: {  	_ =	shalt  }
0x3f: {  	_ =	shalt  }
0x40: {  	_ =	shalt  }
0x41: {  	_ =	shalt  }
0x42: {  	_ =	shalt  }
0x43: {  	_ =	shalt  }
0x44: {  	_ =	shalt  }
0x45: {  	_ =	shalt  }
0x46: {  	_ =	shalt  }
0x47: {  	_ =	shalt  }
0x48: {  	_ =	shalt  }
0x49: {  	_ =	shalt  }
0x4a: {  	_ =	shalt  }
0x4b: {  	_ =	shalt  }
0x4c: {  	_ =	shalt  }
0x4d: {  	_ =	shalt  }
0x4e: {  	_ =	shalt  }
0x4f: {  	_ =	shalt  }
0x50: {  	_ =	shalt  }
0x51: {  	_ =	shalt  }
0x52: {  	_ =	shalt  }
0x53: {  	_ =	shalt  }
0x54: {  	_ =	shalt  }
0x55: {  	_ =	shalt  }
0x56: {  	_ =	shalt  }
0x57: {  	_ =	shalt  }
0x58: {  	_ =	shalt  }
0x59: {  	_ =	shalt  }
0x5a: {  	_ =	shalt  }
0x5b: {  	_ =	shalt  }
0x5c: {  	_ =	shalt  }
0x5d: {  	_ =	shalt  }
0x5e: {  	_ =	shalt  }
0x5f: {  	_ =	shalt  }
0x60: {  	_ =	shalt  }
0x61: {  	_ =	shalt  }
0x62: {  	_ =	shalt  }
0x63: {  	_ =	shalt  }
0x64: {  	_ =	shalt  }
0x65: {  	_ =	shalt  }
0x66: {  	_ =	shalt  }
0x67: {  	_ =	shalt  }
0x68: {  	_ =	shalt  }
0x69: {  	_ =	shalt  }
0x6a: {  	_ =	shalt  }
0x6b: {  	_ =	shalt  }
0x6c: {  	_ =	shalt  }
0x6d: {  	_ =	shalt  }
0x6e: {  	_ =	shalt  }
0x6f: {  	_ =	shalt  }
0x70: {  	_ =	shalt  }
0x71: {  	_ =	shalt  }
0x72: {  	_ =	shalt  }
0x73: {  	_ =	shalt  }
0x74: {  	_ =	shalt  }
0x75: {  	_ =	shalt  }
0x76: {  	_ =	shalt  }
0x77: {  	_ =	shalt  }
0x78: {  	_ =	shalt  }
0x79: {  	_ =	shalt  }
0x7a: {  	_ =	shalt  }
0x7b: {  	_ =	shalt  }
0x7c: {  	_ =	shalt  }
0x7d: {  	_ =	shalt  }
0x7e: {  	_ =	shalt  }
0x7f: {  	_ =	shalt  }
0x80: {  	_ =	shalt  }
0x81: {  	_ =	shalt  }
0x82: {  	_ =	shalt  }
0x83: {  	_ =	shalt  }
0x84: {  	_ =	shalt  }
0x85: {  	_ =	shalt  }
0x86: {  	_ =	shalt  }
0x87: {  	_ =	shalt  }
.Lfunc_end0:
.L_simem_size_0:
called_computation_lowered:
.L_overlay_start_0:
0x88: {  	s2 =	sld [smem:$0x3FD9]  }
0x89: {  	s3 =	sld [smem:$0x3FFE];
	_ =	sdelay $0x1  }
0x8a: {  	s1 =	srdreg.scid  }
0x8b: {  	s0 =	sand.u32 $0x1, s1  }
0x8c: {  	s17 =	sshll.u32 s0, $0xA;
	s2 =	sadd.s32 s3, s2  }
0x8d: {  	s2 =	sadd.s32 s2, s17  }
0x8e: {  	[smem:$0x3FC2] =	sst s2  }
0x8f: {  	_ = 	snop  }
0x90: {  	s2 =	sld [smem:$0x3FC9]  }
0x91: {  	s18 =	sld [smem:$0x3FC8]  }
0x92: {  	s4 =	sld [smem:$0x3FD0];
	(tm) =	ssettm $0x1  }
0x93: {  	s5 =	sld [smem:$0x3FFB];
	_ =	sdelay $0x3  }
0x94: {  	_ =	strace s5  }
0x95: {  	s5 =	sld [smem:$0x3FFC];
	_ =	sdelay $0x3  }
0x96: {  	_ =	strace s5  }
0x97: {  	s5 =	sld [smem:$0x3FFD];
	_ =	sdelay $0x3  }
0x98: {  	_ =	strace s5  }
0x99: {  	_ =	strace $0x8FFFFFFF  }
0x9a: {  	s19 =	sld [smem:$0x3FDB];
	_ =	sdelay $0x1  }
0x9b: {  	s6 =	simm.s32 $_scs_section_size  }
0x9c: {  	s7 =	simm.s32 $_size__tile_overlayer_lowered;
	s8 =	simm.s32 $_tile_overlayer_lowered  }
0x9d: {  	s22 =	simm.s32 $0x1BFF;
	s21 =	sshll.u32 s8, $0x1;
	s5 =	sadd.s32 s6, s19  }
0x9e: {  	s9 =	simm.s32 $0x0;
	s20 =	sshll.u32 s7, $0x1;
	s7 =	sadd.s32 s21, s5  }
0x9f: {  	[timem:s9], [sflag:s22] =	dma.local [hbm:s7], s20  }
0xa0: {  	_ =	swait.ge [sflag:s22], s20  }
0xa1: {  	s6 =	ssub.s32 $0x0, s20;
	[sflag:s22] =	ssyncset.done $0x0  }
0xa2: {  	[sflag:s22] =	ssyncadd.s32 s6;
	_ =	sdelay $0x1  }
0xa3: {  	s23 =	simm.s32 $0x1B8B  }
0xa4: {  	_ =	swait.ge [sflag:s23], $0x1  }
0xa5: {  	[sflag:s23] =	ssyncset.done $0x0  }
0xa6: {  	s25 =	simm.s32 $0x1B8E;
	s24 =	sld [smem:$0x3FFE];
	[sflag:s23] =	ssyncadd.s32 $0xFFFFFFFF  }
0xa7: {  	s26 =	simm.s32 $execute0_lowered;
	[smem:$0x3FD2] =	sst s25  }
0xa8: {  	s7 =	sshll.u32 s26, $0x1;
	_ =	strace $0x80000046;
	[dreg:$0x1] =	wrdreg $0xFFFFFFFF  }
0xa9: {  	s28 =	simm.s32 $_size_execute0_lowered;
	s5 =	sadd.s32 s5, s7;
	[dreg:$0x0] =	wrdreg $0x0  }
0xaa: {  	s7 =	sshll.u32 s28, $0x1;
	[dreg:$0x2] =	wrdreg s5  }
0xab: {  	[dreg:$0x3] =	wrdreg s7  }
0xac: {  	[dreg:$0x4] =	wrdreg $0xC0  }
0xad: {  	_ =	task [dreg:s9], $0x5FFFF  }
0xae: {  	[dreg:$0x1] =	wrdreg $0xFFFFFFFF  }
0xaf: {  	[dreg:$0x0] =	wrdreg $0x60  }
0xb0: {  	[dreg:$0x2] =	wrdreg s2  }
0xb1: {  	[dreg:$0x3] =	wrdreg s18  }
0xb2: {  	[dreg:$0x4] =	wrdreg s24  }
0xb3: {  	[dreg:$0x5] =	wrdreg s4  }
0xb4: {  	[dreg:$0x6] =	wrdreg $0x9  }
0xb5: {  	_ =	task.clear_ibuf [dreg:s9], $0x7FFFF;
	_ =	strace $0x90000046  }
0xb6: {  	s29 =	simm.s32 $0x9;
	_ =	strace $0x80000048  }
0xb7: {  	_ =	swait.ge [sflag:s29], $0x1  }
0xb8: {  	[sflag:s29] =	ssyncadd.s32 $0xFFFFFFFF  }
0xb9: {  	_ =	strace $0x90000048  }
0xba: {  	_ =	sfence  }
0xbb: {  	s30 =	sld [smem:$0x0];
	_ =	sdelay $0x2  }
0xbc: {  	s31 =	sshll.u32 s1, $0xD;
	s1 =	sshrl.u32 s1, $0x2  }
0xbd: {  	s3 =	sand.u32 $0x4000, s31;
	s1 =	sadd.s32 s1, s30  }
0xbe: {  	s0 =	sor.u32 s3, s0;
	s1 =	sshll.u32 s1, $0x11  }
0xbf: {  	s0 =	sor.u32 s1, s0  }
0xc0: {  	s0 =	sadd.s32 $0x8F2B, s0  }
0xc1: {  	[sflag:s0] =	ssyncadd.remote.s32 $0x1  }
0xc2: {  	_ =	sfence.sel $0xFFFF  }
0xc3: {  	[dreg:$0x0] =	wrdreg $0xFFFFFFFF;
	(pc) =	sbr.abs _section_cstart, $3  }
0xc4: {  	[dreg:$0x1] =	wrdreg $0xFFFFFFFF  }
0xc5: {  	_ =	task.clear_ibuf [dreg:s9], $0x2FFFF;
	_ =	strace $0x9FFFFFFF  }
0xc6: {  	(tm) =	ssettm $0x7FFFFFFF  }
0xc7: {  	_ =	shalt  }
tec
execute0_lowered:
.L_overlay_start_1:
0x0: {  	(tag) =	ssettag $0x1  }
0x1: {  	s0 =	rddreg [dreg:$0x0]  }
0x2: {  	s3 =	rddreg [dreg:$0x1]  }
0x3: {  	s1 =	rddreg [dreg:$0x2]  }
0x4: {  	s7 =	rddreg [dreg:$0x3];
	s2 =	simm.s32 $0x0;
	v0 =	vimm.s32 $0xFEDCBA98;
	v1 =	vimm.s32 $0x76543210;
	v2 =	vimm.s32 $0xBA98FEDC  }
0x5: {  	s5 =	srdreg.scid;
	s6 =	stileid.u32;
	v3 =	vimm.s32 $0x32107654;
	s17 =	simm.s32 $0x5;
	v51 =	vlaneseq.u32;
	v52 =	vimm.s32 $0xDCFE98BA  }
0x6: {  	s18 =	simm.s32 $0x200;
	s19 =	simm.s32 $0x280;
	s20 =	simm.s32 $0x80;
	v53 =	vimm.s32 $0xBA983210;
	v55 =	vimm.s32 $0x54761032;
	v0 =	vunpack.c.l.s4.s8 v0  }
0x7: {  	s21 =	simm.s32 $0x300;
	s22 =	simm.s32 $0x180;
	s23 =	simm.s32 $0x100;
	v56 =	vimm.s32 $0xEFCDAB89;
	v5 =	vimm.s32 $0x67452301;
	v1 =	vunpack.c.l.s4.s8 v1  }
0x8: {  	s24 =	simm.s32 $0x380;
	v8 =	vimm.s32 $0xDC985410;
	s28 =	simm.s32 $0x3;
	s29 =	simm.s32 $0x4;
	v2 =	vunpack.c.l.s4.s8 v2;
	v0 =	vunpack.c.0.s8.s32 v0  }
0x9: {  	s31 =	simm.s32 $0x0;
	[smem:$0x7FF] =	sst s2;
	s4 =	sadd.s32 $0x16E3600, s1;
	v3 =	vunpack.c.l.s4.s8 v3;
	v54 =	vunpack.c.l.s4.s8 v52;
	v1 =	vunpack.c.0.s8.s32 v1  }
0xa: {  	s5 =	sand.u32 $0x1, s5;
	s6 =	sshll.u32 s6, $0x7;
	v6 =	vunpack.c.l.s4.s8 v55;
	v5 =	vunpack.c.l.s4.s8 v5;
	_ =	strace $0x80000047;
	v0 =	vand.u32 $0xF, v0  }
0xb: {  	v8 =	vunpack.c.l.s4.s8 v8;
	s8 =	ssub.s32 $0x2, s5;
	s9 =	sshll.u32 s5, $0x6;
	s5 =	sadd.s32 $0xF42400, s1;
	v58 =	vcombine.low v0, v1;
	v0 =	vunpack.c.l.s4.s8 v56  }
0xc: {  	v59 =	vand.u32 $0x7, v51;
	s10 =	sshrl.u32 s8, $0x1;
	s15 =	sor.u32 s9, s6;
	s6 =	sadd.s32 $0x1EA00, s1;
	v2 =	vunpack.c.0.s8.s32 v2;
	v4 =	vunpack.c.0.s8.s32 v3  }
0xd: {  	v6 =	vunpack.c.0.s8.s32 v6;
	v5 =	vunpack.c.0.s8.s32 v5;
	s16 =	ssub.s32 s8, s10;
	s25 =	sor.u32 $0x10, s15;
	s26 =	sadd.s32 s0, s15;
	v0 =	vunpack.c.0.s8.s32 v0  }
0xe: {  	s30 =	sadd.s32 s3, s15;
	s12 =	sor.u32 $0x20, s15;
	[dreg:$0x5] =	wrdreg s26;
	v7 =	vcombine.low v4, v2;
	v2 =	vunpack.c.l.s4.s8 v53;
	v4 =	vunpack.c.0.s8.s32 v54  }
0xf: {  	v57 =	vmul.u32 $0x2, v59;
	v8 =	vunpack.c.0.s8.s32 v8;
	s14 =	sor.u32 $0x30, s15;
	s15 =	sadd.s32 s7, s15;
	[dreg:$0x6] =	wrdreg s30;
	v0 =	vcombine.low v5, v0  }
0x10: {  	s9 =	sadd.s32 s0, s25;
	s10 =	sadd.s32 s3, s25;
	s11 =	sadd.s32 s0, s12;
	v6 =	vcombine.low v6, v4;
	v2 =	vunpack.c.0.s8.s32 v2  }
0x11: {  	vm0 =	vmmov $0xff;
	[tilespmem:$0x1FFF0] =	vst v57;
	s12 =	sadd.s32 s3, s12;
	s13 =	sadd.s32 s0, s14;
	s14 =	sadd.s32 s3, s14;
	v63 =	vand.u32 $0xF, v8;
	v0 =	vand.u32 $0xF, v0  }
0x12: {  	s16 =	smax.u32 s16, $0x1;
	s25 =	simm.s32 $0x1;
	s26 =	simm.s32 $0x2;
	v60 =	vand.u32 $0xF, v7;
	v61 =	vand.u32 $0xF, v2;
	v62 =	vand.u32 $0xF, v6;
	[tilespmem:$0x1FFE0] =	vst v0  }
.LBB2_1:
0x13: {  	s0 =	rddreg [dreg:$0x5]  }
0x14: {  	[tilespmem:s2], [sflag:$0x5] =	stream.linear.gather [hbm4b:s0+s2], $0x80, $0x38;
	[tilespmem:$0x10A00] =	vst v63  }
0x15: {  	_ =	swait.ge [sflag:s17], $0x80  }
0x16: {  	[sflag:s17] =	ssyncset.done $0x0  }
0x17: {  	s30 =	rddreg [dreg:$0x6];
	[sflag:s17] =	ssyncadd.s32 $0xFFFFFF80  }
0x18: {  	[tilespmem:s18], [sflag:$0x5] =	stream.linear.gather [hbm4b:s30+s2], $0x80, $0x38;
	[tilespmem:$0x10A00] =	vst v63  }
0x19: {  	_ =	swait.ge [sflag:s17], $0x80  }
0x1a: {  	[sflag:s17] =	ssyncset.done $0x0  }
0x1b: {  	[sflag:s17] =	ssyncadd.s32 $0xFFFFFF80  }
0x1c: {  	[tilespmem:s20], [sflag:$0x5] =	stream.linear.gather [hbm4b:s9+s2], $0x80, $0x38;
	[tilespmem:$0x10A00] =	vst v63  }
0x1d: {  	_ =	swait.ge [sflag:s17], $0x80  }
0x1e: {  	[sflag:s17] =	ssyncset.done $0x0  }
0x1f: {  	[sflag:s17] =	ssyncadd.s32 $0xFFFFFF80  }
0x20: {  	[tilespmem:s19], [sflag:$0x5] =	stream.linear.gather [hbm4b:s10+s2], $0x80, $0x38;
	[tilespmem:$0x10A00] =	vst v63  }
0x21: {  	_ =	swait.ge [sflag:s17], $0x80  }
0x22: {  	[sflag:s17] =	ssyncset.done $0x0  }
0x23: {  	[sflag:s17] =	ssyncadd.s32 $0xFFFFFF80  }
0x24: {  	[tilespmem:s23], [sflag:$0x5] =	stream.linear.gather [hbm4b:s11+s2], $0x80, $0x38;
	[tilespmem:$0x10A00] =	vst v63  }
0x25: {  	_ =	swait.ge [sflag:s17], $0x80  }
0x26: {  	[sflag:s17] =	ssyncset.done $0x0  }
0x27: {  	[sflag:s17] =	ssyncadd.s32 $0xFFFFFF80  }
0x28: {  	[tilespmem:s21], [sflag:$0x5] =	stream.linear.gather [hbm4b:s12+s2], $0x80, $0x38;
	[tilespmem:$0x10A00] =	vst v63  }
0x29: {  	_ =	swait.ge [sflag:s17], $0x80  }
0x2a: {  	[sflag:s17] =	ssyncset.done $0x0  }
0x2b: {  	[sflag:s17] =	ssyncadd.s32 $0xFFFFFF80  }
0x2c: {  	[tilespmem:s22], [sflag:$0x5] =	stream.linear.gather [hbm4b:s13+s2], $0x80, $0x38;
	[tilespmem:$0x10A00] =	vst v63  }
0x2d: {  	_ =	swait.ge [sflag:s17], $0x80  }
0x2e: {  	[sflag:s17] =	ssyncset.done $0x0  }
0x2f: {  	[sflag:s17] =	ssyncadd.s32 $0xFFFFFF80  }
0x30: {  	[tilespmem:s24], [sflag:$0x5] =	stream.linear.gather [hbm4b:s14+s2], $0x80, $0x38;
	[tilespmem:$0x10A00] =	vst v63  }
0x31: {  	_ =	swait.ge [sflag:s17], $0x80  }
0x32: {  	[sflag:s17] =	ssyncset.done $0x0  }
0x33: {  	s0 =	simm.s32 $0x0;
	[sflag:s17] =	ssyncadd.s32 $0xFFFFFF80  }
0x34: {  	s3 =	simm.s32 $0x40;
	v8 =	vld [tilespmem:s0+$0x0]  }
.LBB2_2:
0x35: {  	p0 =	sne.s32 s3, $0x7C0;
	v9 =	vld [tilespmem:s0+$0x200];
	_ =	sdelay $0x1  }
.Ltmp0:
0x36: {  	(pc) =	sbr.rel @p0 .LBB2_2-.Ltmp0, $4  }
0x37: {  	_ = 	snop  }
0x38: {  	v8 =	vadd.s32 $0xFFFFFFFF, v8  }
0x39: {  	s7 =	sshra.s32 s3, $0x2;
	[tilespmem:s0+$0x0] =	vst v8;
	v9 =	vadd.s32 $0xFFFFFFFF, v9  }
0x3a: {  	s3 =	sadd.s32 $0x40, s3;
	v8 =	vld [tilespmem:s7+$0x0];
	[tilespmem:s0+$0x200] =	vst v9;
	s0 =	smov.u32 s7  }
0x3b: {  	v9 =	vld [tilespmem:s0+$0x200];
	_ =	sdelay $0x3  }
0x3c: {  	v8 =	vadd.s32 $0xFFFFFFFF, v8  }
0x3d: {  	[tilespmem:s0+$0x0] =	vst v8;
	v2 =	vadd.s32 $0xFFFFFFFF, v9  }
0x3e: {  	s3 =	simm.s32 $0x400;
	[tilespmem:s0+$0x200] =	vst v2;
	s0 =	simm.s32 $0x0  }
0x3f: {  	[tilespmem:s3], [sflag:$0x1] =	stream.indirect.gather [hbm4b:s4+s20], $0x40, s0, s20, $0xb8;
	[tilespmem:$0x10A00] =	vst v63  }
0x40: {  	s8 =	simm.s32 $0x8400  }
0x41: {  	[tilespmem:s8], [sflag:$0x2] =	stream.indirect.gather [hbm4b:s5+s20], $0x40, s18, s20, $0xb8;
	[tilespmem:$0x10A00] =	vst v63  }
0x42: {  	s7 =	simm.s32 $0x10400  }
0x43: {  	[tilespmem:s7], [sflag:$0x3] =	stream.indirect.gather [hbm4b:s6+s20], $0x1, s0, s20, $0xb8;
	[tilespmem:$0x10A00] =	vst v63  }
0x44: {  	s8 =	simm.s32 $0x10600  }
0x45: {  	[tilespmem:s8], [sflag:$0x4] =	stream.indirect.gather [hbm4b:s1+s20], $0x1, s18, s20, $0xb8;
	[tilespmem:$0x10A00] =	vst v63  }
0x46: {  	s7 =	simm.s32 $0x2400  }
0x47: {  	[tilespmem:s7], [sflag:$0x1] =	stream.indirect.gather [hbm4b:s4+s20], $0x40, s20, s20, $0xb8;
	[tilespmem:$0x10A00] =	vst v63  }
0x48: {  	s8 =	simm.s32 $0xA400  }
0x49: {  	[tilespmem:s8], [sflag:$0x2] =	stream.indirect.gather [hbm4b:s5+s20], $0x40, s19, s20, $0xb8;
	[tilespmem:$0x10A00] =	vst v63  }
0x4a: {  	s7 =	simm.s32 $0x10480  }
0x4b: {  	[tilespmem:s7], [sflag:$0x3] =	stream.indirect.gather [hbm4b:s6+s20], $0x1, s20, s20, $0xb8;
	[tilespmem:$0x10A00] =	vst v63  }
0x4c: {  	s8 =	simm.s32 $0x10680  }
0x4d: {  	[tilespmem:s8], [sflag:$0x4] =	stream.indirect.gather [hbm4b:s1+s20], $0x1, s19, s20, $0xb8;
	[tilespmem:$0x10A00] =	vst v63  }
0x4e: {  	s7 =	simm.s32 $0x4400  }
0x4f: {  	[tilespmem:s7], [sflag:$0x1] =	stream.indirect.gather [hbm4b:s4+s20], $0x40, s23, s20, $0xb8;
	[tilespmem:$0x10A00] =	vst v63  }
0x50: {  	s8 =	simm.s32 $0xC400  }
0x51: {  	[tilespmem:s8], [sflag:$0x2] =	stream.indirect.gather [hbm4b:s5+s20], $0x40, s21, s20, $0xb8;
	[tilespmem:$0x10A00] =	vst v63  }
0x52: {  	s7 =	simm.s32 $0x10500  }
0x53: {  	[tilespmem:s7], [sflag:$0x3] =	stream.indirect.gather [hbm4b:s6+s20], $0x1, s23, s20, $0xb8;
	[tilespmem:$0x10A00] =	vst v63  }
0x54: {  	s8 =	simm.s32 $0x10700  }
0x55: {  	[tilespmem:s8], [sflag:$0x4] =	stream.indirect.gather [hbm4b:s1+s20], $0x1, s21, s20, $0xb8;
	[tilespmem:$0x10A00] =	vst v63  }
0x56: {  	s7 =	simm.s32 $0x6400  }
0x57: {  	[tilespmem:s7], [sflag:$0x1] =	stream.indirect.gather [hbm4b:s4+s20], $0x40, s22, s20, $0xb8;
	[tilespmem:$0x10A00] =	vst v63  }
0x58: {  	s8 =	simm.s32 $0xE400  }
0x59: {  	[tilespmem:s8], [sflag:$0x2] =	stream.indirect.gather [hbm4b:s5+s20], $0x40, s24, s20, $0xb8;
	[tilespmem:$0x10A00] =	vst v63  }
0x5a: {  	s7 =	simm.s32 $0x10580  }
0x5b: {  	[tilespmem:s7], [sflag:$0x3] =	stream.indirect.gather [hbm4b:s6+s20], $0x1, s22, s20, $0xb8;
	[tilespmem:$0x10A00] =	vst v63  }
0x5c: {  	s8 =	simm.s32 $0x10780  }
0x5d: {  	[tilespmem:s8], [sflag:$0x4] =	stream.indirect.gather [hbm4b:s1+s20], $0x1, s24, s20, $0xb8;
	[tilespmem:$0x10A00] =	vst v63  }
0x5e: {  	_ =	swait.ge [sflag:s25], $0x2000  }
0x5f: {  	[sflag:s25] =	ssyncset.done $0x0  }
0x60: {  	[sflag:s25] =	ssyncadd.s32 $0xFFFFE000  }
0x61: {  	_ =	swait.ge [sflag:s26], $0x2000  }
0x62: {  	[sflag:s26] =	ssyncset.done $0x0  }
0x63: {  	[sflag:s26] =	ssyncadd.s32 $0xFFFFE000  }
0x64: {  	_ =	swait.ge [sflag:s28], $0x80  }
0x65: {  	[sflag:s28] =	ssyncset.done $0x0  }
0x66: {  	[sflag:s28] =	ssyncadd.s32 $0xFFFFFF80  }
0x67: {  	_ =	swait.ge [sflag:s29], $0x80  }
0x68: {  	[sflag:s29] =	ssyncset.done $0x0  }
0x69: {  	[sflag:s29] =	ssyncadd.s32 $0xFFFFFF80  }
0x6a: {  	_ =	swait.ge [sflag:s25], $0x2000  }
0x6b: {  	[sflag:s25] =	ssyncset.done $0x0  }
0x6c: {  	[sflag:s25] =	ssyncadd.s32 $0xFFFFE000  }
0x6d: {  	_ =	swait.ge [sflag:s26], $0x2000  }
0x6e: {  	[sflag:s26] =	ssyncset.done $0x0  }
0x6f: {  	[sflag:s26] =	ssyncadd.s32 $0xFFFFE000  }
0x70: {  	_ =	swait.ge [sflag:s28], $0x80  }
0x71: {  	[sflag:s28] =	ssyncset.done $0x0  }
0x72: {  	[sflag:s28] =	ssyncadd.s32 $0xFFFFFF80  }
0x73: {  	_ =	swait.ge [sflag:s29], $0x80  }
0x74: {  	[sflag:s29] =	ssyncset.done $0x0  }
0x75: {  	[sflag:s29] =	ssyncadd.s32 $0xFFFFFF80  }
0x76: {  	_ =	swait.ge [sflag:s25], $0x2000  }
0x77: {  	[sflag:s25] =	ssyncset.done $0x0  }
0x78: {  	[sflag:s25] =	ssyncadd.s32 $0xFFFFE000  }
0x79: {  	_ =	swait.ge [sflag:s26], $0x2000  }
0x7a: {  	[sflag:s26] =	ssyncset.done $0x0  }
0x7b: {  	[sflag:s26] =	ssyncadd.s32 $0xFFFFE000  }
0x7c: {  	_ =	swait.ge [sflag:s28], $0x80  }
0x7d: {  	[sflag:s28] =	ssyncset.done $0x0  }
0x7e: {  	[sflag:s28] =	ssyncadd.s32 $0xFFFFFF80  }
0x7f: {  	_ =	swait.ge [sflag:s29], $0x80  }
0x80: {  	[sflag:s29] =	ssyncset.done $0x0  }
0x81: {  	[sflag:s29] =	ssyncadd.s32 $0xFFFFFF80  }
0x82: {  	_ =	swait.ge [sflag:s25], $0x2000  }
0x83: {  	[sflag:s25] =	ssyncset.done $0x0  }
0x84: {  	[sflag:s25] =	ssyncadd.s32 $0xFFFFE000  }
0x85: {  	_ =	swait.ge [sflag:s26], $0x2000  }
0x86: {  	[sflag:s26] =	ssyncset.done $0x0  }
0x87: {  	[sflag:s26] =	ssyncadd.s32 $0xFFFFE000  }
0x88: {  	_ =	swait.ge [sflag:s28], $0x80  }
0x89: {  	[sflag:s28] =	ssyncset.done $0x0  }
0x8a: {  	[sflag:s28] =	ssyncadd.s32 $0xFFFFFF80  }
0x8b: {  	_ =	swait.ge [sflag:s29], $0x80  }
0x8c: {  	[sflag:s29] =	ssyncset.done $0x0  }
0x8d: {  	s3 =	simm.s32 $0x600;
	[sflag:s29] =	ssyncadd.s32 $0xFFFFFF80  }
0x8e: {  	s30 =	simm.s32 $0x8600;
	v22 =	vld [tilespmem:s3+$0xFFFFFE30]  }
0x8f: {  	v27 =	vld [tilespmem:s30+$0xFFFFFE30]  }
0x90: {  	v32 =	vld [tilespmem:s3+$0xFFFFFE70]  }
0x91: {  	v33 =	vld [tilespmem:s30+$0xFFFFFE70]  }
0x92: {  	v34 =	vld [tilespmem:s3+$0xFFFFFEB0]  }
0x93: {  	v38 =	vld [tilespmem:s30+$0xFFFFFEB0]  }
0x94: {  	v49 =	vld [tilespmem:s3+$0xFFFFFEF0]  }
0x95: {  	v0 =	vld [tilespmem:s30+$0xFFFFFEF0]  }
0x96: {  	v10 =	vld [tilespmem:s3+$0xFFFFFF30]  }
0x97: {  	v11 =	vld [tilespmem:s30+$0xFFFFFF30]  }
0x98: {  	v35 =	vld [tilespmem:s3+$0xFFFFFF70]  }
0x99: {  	v36 =	vld [tilespmem:s30+$0xFFFFFF70]  }
0x9a: {  	v37 =	vld [tilespmem:s3+$0xFFFFFFB0]  }
0x9b: {  	v39 =	vld [tilespmem:s30+$0xFFFFFFB0]  }
0x9c: {  	v40 =	vld [tilespmem:s3+$0xFFFFFFF0]  }
0x9d: {  	v43 =	vld [tilespmem:s30+$0xFFFFFFF0]  }
0x9e: {  	v41 =	vld [tilespmem:s3+$0x30]  }
0x9f: {  	v1 =	vld [tilespmem:s30+$0x30]  }
0xa0: {  	v57 =	vld [tilespmem:s3+$0x70]  }
0xa1: {  	v42 =	vld [tilespmem:s3+$0xB0]  }
0xa2: {  	v12 =	vld [tilespmem:s30+$0xB0]  }
0xa3: {  	v8 =	vld [tilespmem:s30+$0xF0]  }
0xa4: {  	v6 =	vld [tilespmem:s3+$0x130]  }
0xa5: {  	v9 =	vld [tilespmem:s30+$0x130]  }
0xa6: {  	v7 =	vld [tilespmem:s3+$0x1F0]  }
0xa7: {  	v44 =	vld [tilespmem:s30+$0x1F0]  }
0xa8: {  	v45 =	vld [tilespmem:s3+$0xFFFFFE20]  }
0xa9: {  	v46 =	vld [tilespmem:s30+$0xFFFFFE20]  }
0xaa: {  	v4 =	vld [tilespmem:s30+$0xFFFFFE60]  }
0xab: {  	v2 =	vld [tilespmem:s3+$0xFFFFFEA0]  }
0xac: {  	v54 =	vld [tilespmem:s30+$0xFFFFFEA0]  }
0xad: {  	v52 =	vld [tilespmem:s3+$0xFFFFFEE0]  }
0xae: {  	v56 =	vld [tilespmem:s30+$0xFFFFFEE0]  }
0xaf: {  	v5 =	vld [tilespmem:s3+$0xFFFFFF20]  }
0xb0: {  	v51 =	vld [tilespmem:s30+$0xFFFFFF20]  }
0xb1: {  	v47 =	vld [tilespmem:s3+$0xFFFFFF60]  }
0xb2: {  	v53 =	vld [tilespmem:s30+$0xFFFFFF60]  }
0xb3: {  	v13 =	vld [tilespmem:s3+$0xFFFFFFA0]  }
0xb4: {  	v48 =	vld [tilespmem:s30+$0xFFFFFFE0]  }
0xb5: {  	v55 =	vld [tilespmem:s30+$0x20]  }
0xb6: {  	v50 =	vld [tilespmem:s30+$0x60]  }
0xb7: {  	v14 =	vld [tilespmem:s3+$0xA0]  }
0xb8: {  	v17 =	vld [tilespmem:s30+$0xFFFFFE00]  }
0xb9: {  	v16 =	vld [tilespmem:s3+$0xFFFFFE00]  }
0xba: {  	v15 =	vld [tilespmem:s3+$0xFFFFFE10]  }
0xbb: {  	v21 =	vld [tilespmem:s3+$0xFFFFFE40]  }
0xbc: {  	v20 =	vld [tilespmem:s30+$0xFFFFFE40]  }
0xbd: {  	v19 =	vld [tilespmem:s3+$0xFFFFFE50]  }
0xbe: {  	v18 =	vld [tilespmem:s30+$0xFFFFFE50]  }
0xbf: {  	v26 =	vld [tilespmem:s3+$0xFFFFFE80]  }
0xc0: {  	v24 =	vld [tilespmem:s30+$0xFFFFFE80]  }
0xc1: {  	v25 =	vld [tilespmem:s3+$0xFFFFFE90]  }
0xc2: {  	v23 =	vld [tilespmem:s30+$0xFFFFFE90]  }
0xc3: {  	v31 =	vld [tilespmem:s3+$0xFFFFFEC0]  }
0xc4: {  	v30 =	vld [tilespmem:s30+$0xFFFFFEC0]  }
0xc5: {  	v29 =	vld [tilespmem:s3+$0xFFFFFED0]  }
0xc6: {  	v28 =	vld [tilespmem:s30+$0xFFFFFED0]  }
0xc7: {  	[tilespmem:$0x1FDB0] =	vst v11;
	v11 =	vld [tilespmem:s30+$0x70]  }
0xc8: {  	[tilespmem:$0x1FDA0] =	vst v10;
	v10 =	vld [tilespmem:s3+$0xF0]  }
0xc9: {  	[tilespmem:$0x1FDF0] =	vst v39;
	v39 =	vld [tilespmem:s3+$0x170]  }
0xca: {  	[tilespmem:$0x1FE00] =	vst v40;
	v40 =	vld [tilespmem:s30+$0x170]  }
0xcb: {  	[tilespmem:$0x1FE10] =	vst v41;
	v41 =	vld [tilespmem:s3+$0x1B0]  }
0xcc: {  	[tilespmem:$0x1FE20] =	vst v42;
	v42 =	vld [tilespmem:s30+$0x1B0]  }
0xcd: {  	[tilespmem:$0x1FD90] =	vst v0;
	v0 =	vld [tilespmem:s3+$0xFFFFFE60]  }
0xce: {  	[tilespmem:$0x1FE60] =	vst v13;
	v13 =	vld [tilespmem:s30+$0xFFFFFFA0]  }
0xcf: {  	[tilespmem:$0x1FEB0] =	vst v14;
	v14 =	vld [tilespmem:s30+$0xA0]  }
0xd0: {  	[tilespmem:$0x1FDD0] =	vst v36;
	v36 =	vld [tilespmem:s3+$0xFFFFFF00]  }
0xd1: {  	[tilespmem:$0x1FDC0] =	vst v35;
	v35 =	vld [tilespmem:s30+$0xFFFFFF00]  }
0xd2: {  	[tilespmem:$0x1FDE0] =	vst v37;
	v37 =	vld [tilespmem:s3+$0xFFFFFF10]  }
0xd3: {  	v22 =	vmul.f32 v27, v22;
	v27 =	vmul.f32 v33, v32;
	v33 =	vld [tilespmem:s30+$0xFFFFFF10]  }
0xd4: {  	v38 =	vmul.f32 v38, v34;
	v34 =	vld [tilespmem:s3+$0xFFFFFF40]  }
0xd5: {  	[tilespmem:$0x1FEC0] =	vst v14;
	v14 =	vld [tilespmem:s3+$0xE0]  }
0xd6: {  	v24 =	vmul.f32 v24, v26;
	v26 =	vld [tilespmem:s3+$0x10]  }
0xd7: {  	v16 =	vmul.f32 v17, v16;
	v28 =	vmul.f32 v28, v29;
	v29 =	vld [tilespmem:s3+$0x40]  }
0xd8: {  	v17 =	vmul.f32 v54, v2;
	v2 =	vmul.f32 v53, v47;
	v32 =	vld [tilespmem:$0x1FD90]  }
0xd9: {  	v23 =	vmul.f32 v23, v25;
	v25 =	vmul.f32 v30, v31;
	v47 =	vld [tilespmem:$0x1FE60]  }
0xda: {  	[tilespmem:$0x1FED0] =	vst v14;
	v14 =	vld [tilespmem:s30+$0xE0]  }
0xdb: {  	v25 =	vadd.f32 v28, v25;
	v28 =	vld [tilespmem:s3+$0x50]  }
0xdc: {  	[tilespmem:$0x1FE70] =	vst v13;
	v13 =	vld [tilespmem:s3+$0xFFFFFFE0];
	v11 =	vmul.f32 v11, v57  }
0xdd: {  	v57 =	vmul.f32 v9, v6;
	v6 =	vmul.f32 v40, v39;
	v39 =	vld [tilespmem:s30+$0xFFFFFF80]  }
0xde: {  	v40 =	vmul.f32 v46, v45;
	v45 =	vld [tilespmem:s3+$0xFFFFFFC0]  }
0xdf: {  	[tilespmem:$0x1FEE0] =	vst v14;
	v14 =	vld [tilespmem:s3+$0x120]  }
0xe0: {  	v9 =	vld [tilespmem:s3+$0xFFFFFFD0]  }
0xe1: {  	v23 =	vadd.f32 v23, v24;
	v31 =	vmul.f32 v33, v37;
	v33 =	vld [tilespmem:s30+$0x50]  }
0xe2: {  	[tilespmem:$0x1FE80] =	vst v13;
	v13 =	vld [tilespmem:s3+$0x20]  }
0xe3: {  	v17 =	vadd.f32 v17, v23;
	v23 =	vmul.f32 v35, v36;
	v35 =	vld [tilespmem:s3+$0x80]  }
0xe4: {  	[tilespmem:$0x1FEF0] =	vst v14;
	v14 =	vld [tilespmem:s30+$0x120]  }
0xe5: {  	v36 =	vld [tilespmem:s30+$0x80]  }
0xe6: {  	v37 =	vld [tilespmem:s30+$0x90]  }
0xe7: {  	[tilespmem:$0x1FE90] =	vst v13;
	v13 =	vld [tilespmem:s3+$0x60]  }
0xe8: {  	v46 =	vld [tilespmem:s3+$0xC0]  }
0xe9: {  	[tilespmem:$0x1FF00] =	vst v14;
	v14 =	vld [tilespmem:s3+$0x160]  }
0xea: {  	[tilespmem:$0x1FFD0] =	vst v11;
	v11 =	vld [tilespmem:s30+$0xFFFFFF50]  }
0xeb: {  	[tilespmem:$0x1FE30] =	vst v6;
	v6 =	vmul.f32 v42, v41;
	v41 =	vld [tilespmem:s3+$0xFFFFFF90]  }
0xec: {  	[tilespmem:$0x1FEA0] =	vst v13;
	v13 =	vmul.f32 v32, v49;
	v32 =	vld [tilespmem:$0x1FDA0]  }
0xed: {  	v49 =	vld [tilespmem:$0x1FDB0]  }
0xee: {  	[tilespmem:$0x1FF20] =	vst v14;
	v14 =	vld [tilespmem:s30+$0x160]  }
0xef: {  	v42 =	vmul.f32 v4, v0;
	v0 =	vld [tilespmem:s30+$0xFFFFFFC0]  }
0xf0: {  	v4 =	vmul.f32 v51, v5;
	v5 =	vld [tilespmem:$0x1FE70]  }
0xf1: {  	[tilespmem:$0x1FE40] =	vst v6;
	v6 =	vmul.f32 v44, v7;
	v44 =	vld [tilespmem:s30+$0xFFFFFF90]  }
0xf2: {  	v32 =	vmul.f32 v49, v32;
	v49 =	vld [tilespmem:$0x1FDD0]  }
0xf3: {  	[tilespmem:$0x1FF30] =	vst v14;
	v14 =	vld [tilespmem:s3+$0x1A0]  }
0xf4: {  	[tilespmem:$0x1FF40] =	vst v32;
	v32 =	vld [tilespmem:$0x1FDC0]  }
0xf5: {  	v7 =	vld [tilespmem:$0x1FEC0]  }
0xf6: {  	v28 =	vmul.f32 v33, v28;
	v33 =	vld [tilespmem:s3+$0x180]  }
0xf7: {  	[tilespmem:$0x1FF10] =	vst v13;
	v13 =	vld [tilespmem:$0x1FDF0]  }
0xf8: {  	[tilespmem:$0x1FF60] =	vst v14;
	v14 =	vld [tilespmem:s30+$0x1A0]  }
0xf9: {  	v32 =	vmul.f32 v49, v32;
	v49 =	vld [tilespmem:$0x1FDE0]  }
0xfa: {  	v51 =	vld [tilespmem:$0x1FE80]  }
0xfb: {  	[tilespmem:$0x1FE50] =	vst v6;
	v6 =	vld [tilespmem:s30+$0x0]  }
0xfc: {  	v56 =	vmul.f32 v56, v52;
	v52 =	vld [tilespmem:$0x1FE90]  }
0xfd: {  	[tilespmem:$0x1FF70] =	vst v14;
	v14 =	vld [tilespmem:s3+$0x1E0]  }
0xfe: {  	v49 =	vmul.f32 v13, v49;
	v13 =	vld [tilespmem:$0x1FE00]  }
0xff: {  	[tilespmem:$0x1FF50] =	vst v32;
	v32 =	vld [tilespmem:s30+$0xFFFFFF40]  }
0x100: {  	v53 =	vld [tilespmem:$0x1FEA0]  }
0x101: {  	[tilespmem:$0x1FFA0] =	vst v49;
	v49 =	vld [tilespmem:s3+$0xFFFFFF50]  }
0x102: {  	[tilespmem:$0x1FF80] =	vst v14;
	v14 =	vld [tilespmem:s30+$0x1E0]  }
0x103: {  	v43 =	vmul.f32 v43, v13;
	v13 =	vld [tilespmem:$0x1FE10]  }
0x104: {  	v32 =	vmul.f32 v32, v34;
	v34 =	vld [tilespmem:s3+$0x90]  }
0x105: {  	[tilespmem:$0x1FFB0] =	vst v43;
	v43 =	vld [tilespmem:$0x1FE20]  }
0x106: {  	v54 =	vmul.f32 v11, v49;
	v11 =	vmul.f32 v44, v41;
	v41 =	vld [tilespmem:s3+$0xD0]  }
0x107: {  	[tilespmem:$0x1FF90] =	vst v14;
	v14 =	vld [tilespmem:s30+$0xFFFFFE10]  }
0x108: {  	v49 =	vld [tilespmem:$0x1FF50];
	v13 =	vmul.f32 v1, v13  }
0x109: {  	v37 =	vmul.f32 v37, v34;
	v34 =	vld [tilespmem:s3+$0x1C0]  }
0x10a: {  	[tilespmem:$0x1FFC0] =	vst v13;
	v13 =	vmul.f32 v12, v43;
	v12 =	vmul.f32 v8, v10;
	v10 =	vld [tilespmem:$0x1FF40]  }
0x10b: {  	v23 =	vadd.f32 v31, v23;
	v44 =	vld [tilespmem:$0x1FFB0]  }
0x10c: {  	v1 =	vld [tilespmem:$0x1FF30];
	v14 =	vmul.f32 v14, v15  }
0x10d: {  	v23 =	vadd.f32 v4, v23;
	v15 =	vmul.f32 v20, v21;
	v20 =	vmul.f32 v5, v47;
	v5 =	vld [tilespmem:$0x1FEB0]  }
0x10e: {  	v43 =	vld [tilespmem:s3+$0xFFFFFF80]  }
0x10f: {  	v23 =	vadd.f32 v10, v23;
	v10 =	vld [tilespmem:$0x1FFA0]  }
0x110: {  	v21 =	vmul.f32 v48, v51;
	v51 =	vmul.f32 v0, v45;
	v45 =	vld [tilespmem:s30+$0xD0]  }
0x111: {  	v14 =	vadd.f32 v14, v16;
	v16 =	vmul.f32 v18, v19;
	v18 =	vld [tilespmem:s30+$0xFFFFFFD0]  }
0x112: {  	v47 =	vmul.f32 v7, v5;
	v5 =	vld [tilespmem:$0x1FED0]  }
0x113: {  	v14 =	vadd.f32 v40, v14;
	v16 =	vadd.f32 v16, v15;
	v7 =	vld [tilespmem:$0x1FEE0]  }
0x114: {  	v19 =	vld [tilespmem:s3+$0x0]  }
0x115: {  	v40 =	vmul.f32 v55, v52;
	v55 =	vld [tilespmem:$0x1FF10];
	v14 =	vadd.f32 v22, v14;
	v22 =	vadd.f32 v42, v16  }
0x116: {  	v42 =	vld [tilespmem:s30+$0x10]  }
0x117: {  	v22 =	vadd.f32 v27, v22;
	v27 =	vld [tilespmem:s30+$0x40]  }
0x118: {  	v48 =	vmul.f32 v7, v5;
	v5 =	vld [tilespmem:$0x1FEF0]  }
0x119: {  	v8 =	vmul.f32 v50, v53;
	v45 =	vmul.f32 v45, v41;
	v7 =	vld [tilespmem:$0x1FF00]  }
0x11a: {  	v25 =	vadd.f32 v56, v25;
	v41 =	vld [tilespmem:s3+$0x1D0];
	v53 =	vmul.f32 v18, v9;
	v30 =	vperm.xlane v22, v58  }
0x11b: {  	v31 =	vadd.f32 v54, v32;
	v19 =	vmul.f32 v6, v19;
	v6 =	vld [tilespmem:$0x1FF60];
	v24 =	vperm.xlane v14, v58  }
0x11c: {  	v42 =	vmul.f32 v42, v26;
	v26 =	vld [tilespmem:s3+$0x110];
	v22 =	vadd.f32 v30, v22;
	v30 =	vadd.f32 v38, v17  }
0x11d: {  	v18 =	vperm.xlane v23, v58;
	v24 =	vadd.f32 v24, v14;
	v54 =	vmul.f32 v27, v29;
	v27 =	vld [tilespmem:s30+$0x110]  }
0x11e: {  	v31 =	vadd.f32 v2, v31;
	v56 =	vperm.xlane v30, v58;
	v5 =	vmul.f32 v7, v5;
	v7 =	vld [tilespmem:$0x1FF20]  }
0x11f: {  	v25 =	vadd.f32 v55, v25;
	v24 =	vperm.xlane v24, v59;
	v29 =	vld [tilespmem:s3+$0x140];
	v22 =	vperm.xlane v22, v59  }
0x120: {  	v28 =	vadd.f32 v28, v54;
	v32 =	vadd.f32 v56, v30;
	v30 =	vmul.f32 v39, v43;
	v39 =	vld [tilespmem:s30+$0xC0]  }
0x121: {  	v31 =	vadd.f32 v49, v31;
	v22 =	vsel vm0, v24, v22;
	v24 =	vperm.xlane v25, v58;
	v56 =	vld [tilespmem:$0x1FF80]  }
0x122: {  	v23 =	vadd.f32 v18, v23;
	v50 =	vperm.xlane v22, v60;
	v9 =	vadd.f32 v8, v28;
	v28 =	vld [tilespmem:s30+$0x180]  }
0x123: {  	v52 =	vadd.f32 v24, v25;
	v30 =	vadd.f32 v11, v30;
	v17 =	vmul.f32 v1, v7;
	v7 =	vld [tilespmem:$0x1FF70]  }
0x124: {  	v55 =	vadd.f32 v42, v19;
	v24 =	vld [tilespmem:s3+$0x100];
	v4 =	vadd.f32 v50, v22;
	v22 =	vperm.xlane v31, v58  }
0x125: {  	v50 =	vld [tilespmem:$0x1FFC0];
	v20 =	vadd.f32 v20, v30;
	v1 =	vperm.xlane v32, v59;
	v2 =	vperm.xlane v52, v59  }
0x126: {  	v23 =	vperm.xlane v23, v59;
	v25 =	vld [tilespmem:s30+$0x100];
	v22 =	vadd.f32 v22, v31;
	v31 =	vadd.f32 v53, v51  }
0x127: {  	v40 =	vadd.f32 v40, v55;
	v51 =	vld [tilespmem:$0x1FFD0];
	v53 =	vmul.f32 v36, v35;
	v42 =	vsel vm0, v1, v2  }
0x128: {  	v11 =	vadd.f32 v10, v20;
	v21 =	vadd.f32 v21, v31;
	v18 =	vmul.f32 v7, v6;
	v6 =	vld [tilespmem:$0x1FF90]  }
0x129: {  	v30 =	vld [tilespmem:s30+$0x140];
	v22 =	vperm.xlane v22, v59;
	v20 =	vperm.xlane v42, v60  }
0x12a: {  	v32 =	vld [tilespmem:s30+$0x150];
	v0 =	vadd.f32 v50, v40;
	v54 =	vperm.xlane v11, v58;
	v21 =	vadd.f32 v44, v21  }
0x12b: {  	v31 =	vld [tilespmem:s3+$0x150];
	v49 =	vsel vm0, v23, v22;
	v40 =	vadd.f32 v20, v42;
	v44 =	vmul.f32 v39, v46  }
0x12c: {  	v22 =	vld [tilespmem:s3+$0x190];
	v38 =	vadd.f32 v51, v9;
	v52 =	vperm.xlane v49, v60;
	v55 =	vperm.xlane v21, v58  }
0x12d: {  	v23 =	vld [tilespmem:s30+$0x190];
	v46 =	vadd.f32 v37, v53;
	v19 =	vmul.f32 v6, v56;
	v56 =	vperm.xlane v0, v58  }
0x12e: {  	v39 =	vld [tilespmem:s30+$0x1C0];
	v35 =	vadd.f32 v54, v11;
	v20 =	vadd.f32 v52, v49;
	v43 =	vperm.xlane v38, v58  }
0x12f: {  	s7 =	simm.s32 $0x40;
	v42 =	vld [tilespmem:s30+$0x1D0];
	v36 =	vadd.f32 v55, v21;
	v21 =	vperm.xlane v4, v61;
	v37 =	vadd.f32 v56, v0  }
.LBB2_4:
0x130: {  	_ = 	snop  }
0x131: {  	v44 =	vadd.f32 v45, v44  }
0x132: {  	v38 =	vadd.f32 v43, v38;
	v15 =	vadd.f32 v47, v46;
	v24 =	vmul.f32 v25, v24  }
0x133: {  	v16 =	vadd.f32 v48, v44;
	v25 =	vmul.f32 v27, v26;
	v26 =	vmul.f32 v30, v29  }
0x134: {  	v27 =	vmul.f32 v32, v31;
	v13 =	vadd.f32 v13, v15;
	v15 =	vmul.f32 v28, v33  }
0x135: {  	v0 =	vld [tilespmem:$0x1FE30];
	v22 =	vmul.f32 v23, v22;
	v23 =	vmul.f32 v42, v41;
	v12 =	vadd.f32 v12, v16  }
0x136: {  	v42 =	vld [tilespmem:$0x1FE40];
	v16 =	vmul.f32 v39, v34;
	v24 =	vadd.f32 v25, v24;
	v25 =	vadd.f32 v27, v26  }
0x137: {  	v43 =	vld [tilespmem:$0x1FE50];
	v26 =	vperm.xlane v35, v59;
	v15 =	vadd.f32 v22, v15;
	v22 =	vperm.xlane v36, v59  }
0x138: {  	v16 =	vadd.f32 v23, v16;
	v23 =	vperm.xlane v37, v59;
	v14 =	vadd.f32 v5, v24  }
0x139: {  	v17 =	vadd.f32 v17, v25;
	v15 =	vadd.f32 v18, v15;
	v18 =	vperm.xlane v38, v59  }
0x13a: {  	v16 =	vadd.f32 v19, v16;
	v8 =	vadd.f32 v57, v14;
	v14 =	vperm.xlane v13, v58  }
0x13b: {  	v10 =	vadd.f32 v0, v17;
	v9 =	vadd.f32 v42, v15;
	v15 =	vperm.xlane v12, v58  }
0x13c: {  	v11 =	vadd.f32 v43, v16;
	v13 =	vadd.f32 v14, v13;
	v14 =	vperm.xlane v8, v58  }
0x13d: {  	v16 =	vperm.xlane v10, v58;
	v12 =	vadd.f32 v15, v12;
	v15 =	vperm.xlane v9, v58  }
0x13e: {  	v17 =	vperm.xlane v11, v58;
	v13 =	vperm.xlane v13, v59;
	v8 =	vadd.f32 v14, v8  }
0x13f: {  	v10 =	vadd.f32 v16, v10;
	v9 =	vadd.f32 v15, v9;
	v15 =	vsel vm0, v23, v18  }
0x140: {  	v12 =	vperm.xlane v12, v59;
	v11 =	vadd.f32 v17, v11;
	v16 =	vperm.xlane v15, v60  }
0x141: {  	v14 =	vsel vm0, v26, v22;
	v8 =	vperm.xlane v8, v59;
	v10 =	vperm.xlane v10, v59  }
0x142: {  	v9 =	vperm.xlane v9, v59;
	v12 =	vsel vm0, v13, v12;
	v11 =	vperm.xlane v11, v59  }
0x143: {  	v13 =	vperm.xlane v14, v60;
	v44 =	vperm.xlane v12, v60  }
0x144: {  	v15 =	vadd.f32 v16, v15;
	v8 =	vsel vm0, v8, v10;
	v9 =	vsel vm0, v9, v11  }
0x145: {  	v45 =	vadd.f32 v13, v14;
	v13 =	vperm.xlane v8, v60;
	v14 =	vperm.xlane v9, v60  }
0x146: {  	v40 =	vperm.xlane v40, v61;
	v17 =	vperm.xlane v20, v61;
	v10 =	vadd.f32 v44, v12  }
0x147: {  	v12 =	vperm.xlane v15, v61;
	v8 =	vadd.f32 v13, v8;
	v9 =	vadd.f32 v14, v9  }
0x148: {  	v11 =	vperm.xlane v45, v61;
	v10 =	vperm.xlane v10, v61  }
0x149: {  	v13 =	vsel vm0, v21, v40;
	v8 =	vperm.xlane v8, v61;
	v9 =	vperm.xlane v9, v61  }
0x14a: {  	v11 =	vsel vm0, v17, v11;
	v14 =	vperm.xlane v13, v62  }
0x14b: {  	v10 =	vsel vm0, v12, v10;
	v46 =	vperm.xlane v11, v62;
	v8 =	vsel vm0, v8, v9  }
0x14c: {  	v12 =	vperm.xlane v10, v62;
	v15 =	vperm.xlane v8, v62  }
0x14d: {  	v13 =	vadd.f32 v14, v13;
	v9 =	vadd.f32 v46, v11  }
0x14e: {  	v48 =	vld [tilespmem:$0x1FFE0];
	v10 =	vadd.f32 v12, v10;
	v8 =	vadd.f32 v15, v8  }
0x14f: {  	v47 =	vperm.xlane v13, v63;
	v9 =	vperm.xlane v9, v63  }
0x150: {  	v10 =	vperm.xlane v10, v63;
	v8 =	vperm.xlane v8, v63;
	_ =	sdelay $0x1  }
0x151: {  	v52 =	vld [tilespmem:$0x1FFF0];
	v9 =	vsel vm0, v47, v9;
	v8 =	vsel vm0, v10, v8  }
0x152: {  	v49 =	vperm.xlane v9, v48;
	v50 =	vperm.xlane v8, v48  }
0x153: {  	s8 =	sshra.s32 s0, $0x2  }
0x154: {  	v51 =	vld [tilespmem:s8+$0x10400];
	v9 =	vadd.f32 v49, v9;
	v8 =	vadd.f32 v50, v8;
	_ =	sdelay $0x1  }
0x155: {  	v53 =	vld [tilespmem:s8+$0x10600];
	v9 =	vperm.xlane v9, v52;
	v8 =	vperm.xlane v8, v52;
	_ =	sdelay $0x1  }
0x156: {  	v8 =	vsel vm0, v9, v8  }
0x157: {  	v8 =	vadd.f32 v51, v8;
	_ =	sdelay $0x1  }
0x158: {  	v8 =	vadd.f32 v53, v8;
	_ =	sdelay $0x1  }
0x159: {  	v8 =	vsub.f32 $0.0e+00, v8;
	_ =	sdelay $0x1  }
0x15a: {  	v8 =	vmul.f32 $1.442695020e+00, v8;
	_ =	sdelay $0x1  }
0x15b: {  	(erf) = vpow2.f32 v8;
	_ =	sdelay $0x8  }
0x15c: {  	v8 =	vpop (erf)  }
0x15d: {  	v8 =	vadd.f32 $1.000000000e+00, v8;
	_ =	sdelay $0x1  }
0x15e: {  	(erf) = vrcp.f32 v8;
	_ =	sdelay $0x8  }
0x15f: {  	v8 =	vpop (erf)  }
0x160: {  	v8 =	vmul.f32 $5.000000000e+00, v8;
	_ =	sdelay $0x1  }
0x161: {  	s3 =	sadd.s32 $0x400, s3;
	[tilespmem:s8+$0x10800] =	vst v8  }
0x162: {  	s30 =	sadd.s32 $0x400, s30;
	v1 =	vld [tilespmem:s3+$0xFFFFFE30]  }
0x163: {  	v5 =	vld [tilespmem:s30+$0xFFFFFE30]  }
0x164: {  	v3 =	vld [tilespmem:s3+$0xFFFFFE70]  }
0x165: {  	v9 =	vld [tilespmem:s30+$0xFFFFFE70]  }
0x166: {  	v10 =	vld [tilespmem:s3+$0xFFFFFEB0]  }
0x167: {  	v13 =	vld [tilespmem:s30+$0xFFFFFEB0]  }
0x168: {  	v11 =	vld [tilespmem:s3+$0xFFFFFEF0]  }
0x169: {  	v22 =	vld [tilespmem:s30+$0xFFFFFEF0]  }
0x16a: {  	v40 =	vld [tilespmem:s3+$0xFFFFFF30]  }
0x16b: {  	v43 =	vld [tilespmem:s30+$0xFFFFFF30]  }
0x16c: {  	v41 =	vld [tilespmem:s3+$0xFFFFFF70]  }
0x16d: {  	v57 =	vld [tilespmem:s30+$0xFFFFFF70]  }
0x16e: {  	v54 =	vld [tilespmem:s3+$0xFFFFFFB0]  }
0x16f: {  	v55 =	vld [tilespmem:s30+$0xFFFFFFB0]  }
0x170: {  	v56 =	vld [tilespmem:s3+$0xFFFFFFF0]  }
0x171: {  	v8 =	vld [tilespmem:s30+$0xFFFFFFF0]  }
0x172: {  	v32 =	vld [tilespmem:s3+$0x30]  }
0x173: {  	v33 =	vld [tilespmem:s30+$0x30]  }
0x174: {  	v34 =	vld [tilespmem:s3+$0x70]  }
0x175: {  	v35 =	vld [tilespmem:s30+$0x70]  }
0x176: {  	v36 =	vld [tilespmem:s3+$0xB0]  }
0x177: {  	v37 =	vld [tilespmem:s30+$0xB0]  }
0x178: {  	v38 =	vld [tilespmem:s3+$0xF0]  }
0x179: {  	v39 =	vld [tilespmem:s30+$0xF0]  }
0x17a: {  	v42 =	vld [tilespmem:s3+$0x130]  }
0x17b: {  	v44 =	vld [tilespmem:s30+$0x130]  }
0x17c: {  	v45 =	vld [tilespmem:s3+$0x170]  }
0x17d: {  	v46 =	vld [tilespmem:s30+$0x170]  }
0x17e: {  	v47 =	vld [tilespmem:s3+$0x1B0]  }
0x17f: {  	v48 =	vld [tilespmem:s30+$0x1B0]  }
0x180: {  	v49 =	vld [tilespmem:s3+$0x1F0]  }
0x181: {  	v50 =	vld [tilespmem:s30+$0x1F0]  }
0x182: {  	v26 =	vld [tilespmem:s30+$0xFFFFFEA0]  }
0x183: {  	v29 =	vld [tilespmem:s3+$0xFFFFFF20]  }
0x184: {  	v24 =	vld [tilespmem:s30+$0xFFFFFF20]  }
0x185: {  	v30 =	vld [tilespmem:s3+$0xFFFFFF60]  }
0x186: {  	v25 =	vld [tilespmem:s30+$0xFFFFFF60]  }
0x187: {  	v27 =	vld [tilespmem:s3+$0xFFFFFFA0]  }
0x188: {  	v18 =	vld [tilespmem:s30+$0xFFFFFFA0]  }
0x189: {  	v51 =	vld [tilespmem:s3+$0xFFFFFFE0]  }
0x18a: {  	v28 =	vld [tilespmem:s30+$0x20]  }
0x18b: {  	v19 =	vld [tilespmem:s3+$0xA0]  }
0x18c: {  	v17 =	vld [tilespmem:s30+$0xA0]  }
0x18d: {  	v31 =	vld [tilespmem:s3+$0xE0]  }
0x18e: {  	v20 =	vld [tilespmem:s30+$0xE0]  }
0x18f: {  	v14 =	vld [tilespmem:s3+$0x120]  }
0x190: {  	v12 =	vld [tilespmem:s30+$0x120]  }
0x191: {  	v52 =	vld [tilespmem:s3+$0x160]  }
0x192: {  	v53 =	vld [tilespmem:s30+$0x160]  }
0x193: {  	v0 =	vmov v59;
	v59 =	vld [tilespmem:s3+$0xFFFFFE00]  }
0x194: {  	v7 =	vld [tilespmem:s30+$0xFFFFFE80]  }
0x195: {  	v4 =	vld [tilespmem:s3+$0xFFFFFE90]  }
0x196: {  	v6 =	vld [tilespmem:s3+$0xFFFFFED0]  }
0x197: {  	v2 =	vld [tilespmem:s30+$0xFFFFFED0]  }
0x198: {  	v21 =	vld [tilespmem:s3+$0xFFFFFF00]  }
0x199: {  	v16 =	vld [tilespmem:s30+$0xFFFFFF00]  }
0x19a: {  	v15 =	vld [tilespmem:s3+$0xFFFFFF10]  }
0x19b: {  	[tilespmem:$0x1FC50] =	vst v45;
	v45 =	vld [tilespmem:s3+$0xFFFFFE20]  }
0x19c: {  	[tilespmem:$0x1FBE0] =	vst v35;
	v35 =	vld [tilespmem:s30+$0xFFFFFE20]  }
0x19d: {  	[tilespmem:$0x1FC20] =	vst v39;
	v39 =	vld [tilespmem:s3+$0xFFFFFE60]  }
0x19e: {  	[tilespmem:$0x1FBC0] =	vst v33;
	v33 =	vld [tilespmem:s30+$0xFFFFFE60]  }
0x19f: {  	[tilespmem:$0x1FBB0] =	vst v32;
	v32 =	vld [tilespmem:s3+$0xFFFFFEA0]  }
0x1a0: {  	[tilespmem:$0x1FC10] =	vst v38;
	v38 =	vld [tilespmem:s3+$0xFFFFFEE0]  }
0x1a1: {  	[tilespmem:$0x1FBD0] =	vst v34;
	v34 =	vld [tilespmem:s30+$0xFFFFFEE0]  }
0x1a2: {  	[tilespmem:$0x1FC00] =	vst v37;
	v37 =	vld [tilespmem:s30+$0xFFFFFFE0]  }
0x1a3: {  	[tilespmem:$0x1FC40] =	vst v44;
	v44 =	vld [tilespmem:s3+$0x20]  }
0x1a4: {  	[tilespmem:$0x1FC60] =	vst v46;
	v46 =	vld [tilespmem:s3+$0x60]  }
0x1a5: {  	[tilespmem:$0x1FBF0] =	vst v36;
	v36 =	vld [tilespmem:s30+$0x60]  }
0x1a6: {  	[tilespmem:$0x1FB70] =	vst v54;
	v54 =	vld [tilespmem:s3+$0x1A0]  }
0x1a7: {  	[tilespmem:$0x1FB80] =	vst v55;
	v55 =	vld [tilespmem:s30+$0x1A0]  }
0x1a8: {  	[tilespmem:$0x1FB90] =	vst v56;
	v56 =	vld [tilespmem:s3+$0x1E0]  }
0x1a9: {  	[tilespmem:$0x1FBA0] =	vst v8;
	v8 =	vld [tilespmem:s30+$0x1E0]  }
0x1aa: {  	[tilespmem:$0x1FC70] =	vst v47;
	v47 =	vld [tilespmem:s30+$0xFFFFFE00]  }
0x1ab: {  	[tilespmem:$0x1FC80] =	vst v48;
	v48 =	vld [tilespmem:s3+$0xFFFFFE10]  }
0x1ac: {  	[tilespmem:$0x1FC90] =	vst v49;
	v49 =	vld [tilespmem:s30+$0xFFFFFE10]  }
0x1ad: {  	[tilespmem:$0x1FCC0] =	vst v52;
	v52 =	vld [tilespmem:s3+$0xFFFFFE40]  }
0x1ae: {  	[tilespmem:$0x1FCA0] =	vst v50;
	v50 =	vld [tilespmem:s30+$0xFFFFFE40]  }
0x1af: {  	[tilespmem:$0x1FCD0] =	vst v53;
	v53 =	vld [tilespmem:s3+$0xFFFFFE50]  }
0x1b0: {  	[tilespmem:$0x1FCB0] =	vst v51;
	v51 =	vld [tilespmem:s30+$0xFFFFFE90]  }
0x1b1: {  	v22 =	vmul.f32 v22, v11;
	v11 =	vld [tilespmem:s30+$0xFFFFFF10]  }
0x1b2: {  	v23 =	vmul.f32 v13, v10;
	v13 =	vld [tilespmem:s3+$0xFFFFFF40]  }
0x1b3: {  	v10 =	vld [tilespmem:s30+$0xFFFFFF40]  }
0x1b4: {  	v5 =	vmul.f32 v5, v1;
	v1 =	vmul.f32 v9, v3;
	v9 =	vld [tilespmem:s3+$0xFFFFFF50]  }
0x1b5: {  	v24 =	vmul.f32 v24, v29;
	v29 =	vld [tilespmem:s3+$0xFFFFFFC0]  }
0x1b6: {  	v25 =	vmul.f32 v25, v30;
	v30 =	vld [tilespmem:s30+$0xFFFFFFC0]  }
0x1b7: {  	v6 =	vmul.f32 v2, v6;
	v2 =	vld [tilespmem:s3+$0x90]  }
0x1b8: {  	v3 =	vmul.f32 v43, v40;
	v40 =	vld [tilespmem:$0x1FB80]  }
0x1b9: {  	v43 =	vmul.f32 v57, v41;
	v41 =	vld [tilespmem:$0x1FBA0]  }
0x1ba: {  	[tilespmem:$0x1FC30] =	vst v42;
	v42 =	vld [tilespmem:$0x1FBC0]  }
0x1bb: {  	v57 =	vld [tilespmem:$0x1FBE0]  }
0x1bc: {  	[tilespmem:$0x1FD20] =	vst v3;
	v3 =	vld [tilespmem:$0x1FB70]  }
0x1bd: {  	[tilespmem:$0x1FCF0] =	vst v55;
	v55 =	vld [tilespmem:s30+$0xFFFFFE50]  }
0x1be: {  	[tilespmem:$0x1FD10] =	vst v8;
	v8 =	vld [tilespmem:s3+$0xFFFFFE80]  }
0x1bf: {  	[tilespmem:$0x1FCE0] =	vst v54;
	v54 =	vld [tilespmem:s3+$0xFFFFFEC0]  }
0x1c0: {  	[tilespmem:$0x1FD00] =	vst v56;
	v56 =	vld [tilespmem:s30+$0xFFFFFEC0];
	v35 =	vmul.f32 v35, v45  }
0x1c1: {  	v45 =	vld [tilespmem:$0x1FCA0];
	v33 =	vmul.f32 v33, v39;
	v26 =	vmul.f32 v26, v32  }
0x1c2: {  	v32 =	vld [tilespmem:s3+$0xFFFFFF90];
	v39 =	vmul.f32 v47, v59;
	v59 =	vmov v0;
	v0 =	vmul.f32 v49, v48  }
0x1c3: {  	v34 =	vmul.f32 v34, v38;
	v49 =	vmul.f32 v18, v27;
	v38 =	vld [tilespmem:s30+$0xFFFFFFD0]  }
0x1c4: {  	v18 =	vmul.f32 v50, v52;
	v50 =	vmul.f32 v28, v44;
	v28 =	vld [tilespmem:s3+$0x0]  }
0x1c5: {  	v27 =	vld [tilespmem:s30+$0x0]  }
0x1c6: {  	v48 =	vmul.f32 v20, v31;
	v20 =	vld [tilespmem:s3+$0x10]  }
0x1c7: {  	v31 =	vld [tilespmem:s30+$0x10];
	v3 =	vmul.f32 v40, v3  }
0x1c8: {  	v30 =	vmul.f32 v30, v29;
	v29 =	vld [tilespmem:s3+$0x140]  }
0x1c9: {  	[tilespmem:$0x1FD30] =	vst v3;
	v3 =	vld [tilespmem:$0x1FB90]  }
0x1ca: {  	v40 =	vld [tilespmem:$0x1FC10]  }
0x1cb: {  	v47 =	vadd.f32 v0, v39;
	v39 =	vld [tilespmem:s30+$0x40]  }
0x1cc: {  	v52 =	vmul.f32 v55, v53;
	v53 =	vld [tilespmem:$0x1FCB0]  }
0x1cd: {  	v55 =	vld [tilespmem:$0x1FCC0]  }
0x1ce: {  	v20 =	vmul.f32 v31, v20;
	v31 =	vld [tilespmem:s3+$0x150];
	v3 =	vmul.f32 v41, v3  }
0x1cf: {  	v44 =	vmul.f32 v16, v21;
	v35 =	vadd.f32 v35, v47;
	v47 =	vmul.f32 v17, v19;
	v16 =	vld [tilespmem:$0x1FD30]  }
0x1d0: {  	v17 =	vmul.f32 v51, v4;
	v4 =	vmul.f32 v11, v15;
	[tilespmem:$0x1FD40] =	vst v3;
	v3 =	vld [tilespmem:$0x1FBB0]  }
0x1d1: {  	v19 =	vadd.f32 v5, v35;
	v5 =	vmul.f32 v12, v14;
	v14 =	vmul.f32 v7, v8;
	v8 =	vld [tilespmem:$0x1FCE0]  }
0x1d2: {  	v7 =	vld [tilespmem:s30+$0x50]  }
0x1d3: {  	v4 =	vadd.f32 v4, v44;
	v44 =	vld [tilespmem:s3+$0xC0]  }
0x1d4: {  	v18 =	vadd.f32 v52, v18;
	v52 =	vmul.f32 v36, v46;
	v36 =	vld [tilespmem:$0x1FCF0]  }
0x1d5: {  	v46 =	vmul.f32 v10, v13;
	v13 =	vld [tilespmem:$0x1FD10];
	v3 =	vmul.f32 v42, v3  }
0x1d6: {  	v4 =	vadd.f32 v24, v4;
	v24 =	vld [tilespmem:s3+$0x100]  }
0x1d7: {  	[tilespmem:$0x1FD50] =	vst v3;
	v3 =	vld [tilespmem:$0x1FBD0]  }
0x1d8: {  	v41 =	vld [tilespmem:$0x1FC50]  }
0x1d9: {  	v12 =	vadd.f32 v33, v18;
	v33 =	vld [tilespmem:s3+$0x40]  }
0x1da: {  	v18 =	vmul.f32 v56, v54;
	v56 =	vld [tilespmem:$0x1FCD0]  }
0x1db: {  	v42 =	vld [tilespmem:$0x1FC60]  }
0x1dc: {  	v54 =	vld [tilespmem:$0x1FD00];
	v3 =	vmul.f32 v57, v3  }
0x1dd: {  	v57 =	vld [tilespmem:$0x1FC00]  }
0x1de: {  	[tilespmem:$0x1FD60] =	vst v3;
	v3 =	vld [tilespmem:$0x1FBF0]  }
0x1df: {  	v12 =	vadd.f32 v1, v12;
	v1 =	vld [tilespmem:s3+$0x80]  }
0x1e0: {  	v6 =	vadd.f32 v6, v18;
	v18 =	vmul.f32 v36, v8;
	v36 =	vld [tilespmem:s3+$0x50];
	v41 =	vmul.f32 v42, v41  }
0x1e1: {  	v14 =	vadd.f32 v17, v14;
	v42 =	vld [tilespmem:$0x1FC80]  }
0x1e2: {  	[tilespmem:$0x1FE30] =	vst v41;
	v41 =	vld [tilespmem:$0x1FC70]  }
0x1e3: {  	v14 =	vadd.f32 v26, v14;
	v3 =	vmul.f32 v57, v3;
	v57 =	vld [tilespmem:$0x1FC20]  }
0x1e4: {  	v8 =	vld [tilespmem:s30+$0x90]  }
0x1e5: {  	v37 =	vmul.f32 v37, v53;
	v53 =	vadd.f32 v23, v14;
	v23 =	vld [tilespmem:s30+$0x190]  }
0x1e6: {  	[tilespmem:$0x1FD80] =	vst v3;
	v3 =	vld [tilespmem:s30+$0xFFFFFF50]  }
0x1e7: {  	v17 =	vmul.f32 v56, v55;
	v55 =	vld [tilespmem:$0x1FD20]  }
0x1e8: {  	v41 =	vmul.f32 v42, v41;
	v42 =	vld [tilespmem:$0x1FC90];
	v40 =	vmul.f32 v57, v40  }
0x1e9: {  	v57 =	vld [tilespmem:$0x1FC40]  }
0x1ea: {  	v6 =	vadd.f32 v34, v6;
	[tilespmem:$0x1FD70] =	vst v40;
	v40 =	vld [tilespmem:$0x1FC30]  }
0x1eb: {  	v34 =	vld [tilespmem:s3+$0x1C0];
	v51 =	vmul.f32 v3, v9  }
0x1ec: {  	v6 =	vadd.f32 v22, v6;
	v22 =	vld [tilespmem:s3+$0x190]  }
0x1ed: {  	v35 =	vperm.xlane v19, v58;
	v4 =	vadd.f32 v55, v4;
	[tilespmem:$0x1FE40] =	vst v41;
	v41 =	vld [tilespmem:s30+$0xFFFFFF80];
	v0 =	vadd.f32 v51, v46  }
0x1ee: {  	v14 =	vperm.xlane v53, v58;
	v42 =	vmul.f32 v45, v42;
	v45 =	vld [tilespmem:s30+$0xFFFFFF90]  }
0x1ef: {  	v15 =	vperm.xlane v4, v58;
	v0 =	vadd.f32 v25, v0;
	v57 =	vmul.f32 v57, v40;
	v40 =	vld [tilespmem:s3+$0xFFFFFF80]  }
0x1f0: {  	v19 =	vadd.f32 v35, v19;
	v26 =	vperm.xlane v12, v58;
	v10 =	vadd.f32 v14, v53;
	v14 =	vld [tilespmem:s30+$0xD0]  }
0x1f1: {  	v4 =	vadd.f32 v15, v4;
	v15 =	vmul.f32 v39, v33;
	v33 =	vld [tilespmem:s3+$0x180];
	v0 =	vadd.f32 v43, v0  }
0x1f2: {  	v7 =	vmul.f32 v7, v36;
	v39 =	vld [tilespmem:s30+$0x1C0];
	v3 =	vadd.f32 v26, v12;
	v12 =	vperm.xlane v19, v59  }
0x1f3: {  	[tilespmem:$0x1FE50] =	vst v42;
	v42 =	vld [tilespmem:s3+$0xFFFFFFD0];
	v32 =	vmul.f32 v45, v32;
	v56 =	vperm.xlane v0, v58  }
0x1f4: {  	v53 =	vld [tilespmem:$0x1FD60];
	v3 =	vperm.xlane v3, v59;
	v43 =	vmul.f32 v41, v40  }
0x1f5: {  	v4 =	vperm.xlane v4, v59;
	v9 =	vld [tilespmem:s30+$0x80];
	v26 =	vperm.xlane v6, v58;
	v0 =	vadd.f32 v56, v0  }
0x1f6: {  	v19 =	vmul.f32 v13, v54;
	v46 =	vld [tilespmem:s30+$0xC0];
	v3 =	vsel vm0, v12, v3;
	v11 =	vadd.f32 v32, v43  }
0x1f7: {  	v6 =	vadd.f32 v26, v6;
	v26 =	vld [tilespmem:s3+$0x110];
	v13 =	vperm.xlane v3, v60;
	v0 =	vperm.xlane v0, v59  }
0x1f8: {  	v10 =	vperm.xlane v10, v59;
	v45 =	vmul.f32 v38, v42;
	v12 =	vld [tilespmem:s3+$0xD0];
	v11 =	vadd.f32 v49, v11  }
0x1f9: {  	v3 =	vadd.f32 v13, v3;
	v13 =	vmul.f32 v27, v28;
	v0 =	vsel vm0, v4, v0;
	v4 =	vld [tilespmem:$0x1FD50]  }
0x1fa: {  	v7 =	vadd.f32 v7, v15;
	v6 =	vperm.xlane v6, v59;
	v11 =	vadd.f32 v16, v11;
	v16 =	vld [tilespmem:$0x1FD40]  }
0x1fb: {  	v42 =	vld [tilespmem:s30+$0x1D0];
	v28 =	vadd.f32 v45, v30;
	v51 =	vadd.f32 v20, v13  }
0x1fc: {  	v7 =	vadd.f32 v52, v7;
	v25 =	vld [tilespmem:s30+$0x100];
	v55 =	vmul.f32 v9, v1;
	v6 =	vsel vm0, v10, v6  }
0x1fd: {  	v27 =	vld [tilespmem:s30+$0x110];
	v15 =	vperm.xlane v6, v60;
	v13 =	vadd.f32 v37, v28;
	v10 =	vadd.f32 v50, v51  }
0x1fe: {  	p0 =	sne.s32 s7, $0x7C0;
	v38 =	vadd.f32 v53, v7;
	v30 =	vld [tilespmem:s30+$0x140];
	v44 =	vmul.f32 v46, v44;
	v45 =	vmul.f32 v14, v12  }
.Ltmp1:
0x1ff: {  	v28 =	vld [tilespmem:s30+$0x180];
	v56 =	vmul.f32 v8, v2;
	v4 =	vadd.f32 v4, v10;
	v13 =	vadd.f32 v16, v13;
	(pc) =	sbr.rel @p0 .LBB2_4-.Ltmp1, $4  }
0x200: {  	v12 =	vld [tilespmem:$0x1FD70];
	v40 =	vadd.f32 v15, v6;
	v7 =	vperm.xlane v0, v60;
	v54 =	vperm.xlane v11, v58  }
0x201: {  	v41 =	vld [tilespmem:s3+$0x1D0];
	v46 =	vadd.f32 v56, v55;
	v6 =	vperm.xlane v4, v58;
	v21 =	vperm.xlane v13, v58  }
0x202: {  	v32 =	vld [tilespmem:s30+$0x150];
	v43 =	vperm.xlane v38, v58;
	v20 =	vadd.f32 v7, v0;
	v35 =	vadd.f32 v54, v11  }
0x203: {  	s0 =	smov.u32 s7;
	s7 =	sadd.s32 $0x40, s7;
	v37 =	vadd.f32 v6, v4;
	v36 =	vadd.f32 v21, v13;
	v13 =	vld [tilespmem:$0x1FD80];
	v21 =	vperm.xlane v3, v61  }
0x204: {  	v0 =	vadd.f32 v45, v44;
	v2 =	vperm.xlane v40, v61;
	v4 =	vmul.f32 v25, v24  }
0x205: {  	v1 =	vadd.f32 v43, v38;
	v6 =	vmul.f32 v27, v26;
	v7 =	vmul.f32 v30, v29  }
0x206: {  	v3 =	vadd.f32 v47, v46;
	v9 =	vmul.f32 v28, v33;
	v10 =	vmul.f32 v23, v22  }
0x207: {  	v11 =	vmul.f32 v39, v34;
	v33 =	vld [tilespmem:$0x1FE40];
	v0 =	vadd.f32 v48, v0;
	v23 =	vmul.f32 v42, v41  }
0x208: {  	v34 =	vld [tilespmem:$0x1FE50];
	v4 =	vadd.f32 v6, v4;
	v26 =	vadd.f32 v10, v9;
	v8 =	vmul.f32 v32, v31  }
0x209: {  	v25 =	vperm.xlane v35, v59;
	v31 =	vld [tilespmem:$0x1FE30];
	v3 =	vadd.f32 v13, v3;
	v0 =	vadd.f32 v12, v0  }
0x20a: {  	v28 =	vperm.xlane v36, v59;
	v27 =	vadd.f32 v23, v11;
	v24 =	vadd.f32 v8, v7  }
0x20b: {  	v30 =	vperm.xlane v37, v59;
	v4 =	vadd.f32 v5, v4;
	v8 =	vadd.f32 v18, v26  }
0x20c: {  	v1 =	vperm.xlane v1, v59;
	v9 =	vadd.f32 v19, v27;
	v29 =	vadd.f32 v17, v24  }
0x20d: {  	v4 =	vadd.f32 v57, v4;
	v32 =	vperm.xlane v3, v58;
	v8 =	vadd.f32 v33, v8  }
0x20e: {  	v35 =	vperm.xlane v0, v58;
	v9 =	vadd.f32 v34, v9;
	v5 =	vadd.f32 v31, v29  }
0x20f: {  	v3 =	vadd.f32 v32, v3;
	v36 =	vperm.xlane v4, v58;
	v38 =	vperm.xlane v8, v58  }
0x210: {  	v0 =	vadd.f32 v35, v0;
	v14 =	vperm.xlane v9, v58;
	v37 =	vperm.xlane v5, v58  }
0x211: {  	v3 =	vperm.xlane v3, v59;
	v4 =	vadd.f32 v36, v4;
	v8 =	vadd.f32 v38, v8  }
0x212: {  	v0 =	vperm.xlane v0, v59;
	v9 =	vadd.f32 v14, v9;
	v5 =	vadd.f32 v37, v5  }
0x213: {  	v1 =	vsel vm0, v30, v1;
	v4 =	vperm.xlane v4, v59;
	v39 =	vperm.xlane v8, v59  }
0x214: {  	v7 =	vsel vm0, v25, v28;
	v40 =	vperm.xlane v9, v59;
	v5 =	vperm.xlane v5, v59  }
0x215: {  	v42 =	vperm.xlane v1, v60;
	v41 =	vperm.xlane v7, v60;
	v0 =	vsel vm0, v3, v0  }
0x216: {  	v44 =	vperm.xlane v0, v60;
	v43 =	vsel vm0, v39, v40;
	v4 =	vsel vm0, v4, v5  }
0x217: {  	v1 =	vadd.f32 v42, v1;
	v8 =	vperm.xlane v43, v60;
	v45 =	vperm.xlane v4, v60  }
0x218: {  	v46 =	vperm.xlane v20, v61;
	v3 =	vadd.f32 v41, v7;
	v0 =	vadd.f32 v44, v0  }
0x219: {  	v1 =	vperm.xlane v1, v61;
	v5 =	vadd.f32 v8, v43;
	v4 =	vadd.f32 v45, v4  }
0x21a: {  	v3 =	vperm.xlane v3, v61;
	v0 =	vperm.xlane v0, v61  }
0x21b: {  	v2 =	vsel vm0, v21, v2;
	v5 =	vperm.xlane v5, v61;
	v4 =	vperm.xlane v4, v61  }
0x21c: {  	v47 =	vperm.xlane v2, v62;
	v3 =	vsel vm0, v46, v3  }
0x21d: {  	v49 =	vperm.xlane v3, v62;
	v0 =	vsel vm0, v1, v0;
	v48 =	vsel vm0, v4, v5  }
0x21e: {  	v50 =	vperm.xlane v0, v62;
	v51 =	vperm.xlane v48, v62  }
0x21f: {  	v2 =	vadd.f32 v47, v2;
	v3 =	vadd.f32 v49, v3  }
0x220: {  	v52 =	vld [tilespmem:$0x1FFE0];
	v0 =	vadd.f32 v50, v0;
	v1 =	vadd.f32 v51, v48  }
0x221: {  	v2 =	vperm.xlane v2, v63;
	v3 =	vperm.xlane v3, v63  }
0x222: {  	v0 =	vperm.xlane v0, v63;
	v1 =	vperm.xlane v1, v63;
	_ =	sdelay $0x1  }
0x223: {  	v56 =	vld [tilespmem:$0x1FFF0];
	v2 =	vsel vm0, v2, v3;
	v0 =	vsel vm0, v0, v1  }
0x224: {  	v53 =	vperm.xlane v2, v52;
	v54 =	vperm.xlane v0, v52  }
0x225: {  	s0 =	sshra.s32 s0, $0x2  }
0x226: {  	v55 =	vld [tilespmem:s0+$0x10400];
	v1 =	vadd.f32 v53, v2;
	v0 =	vadd.f32 v54, v0;
	_ =	sdelay $0x1  }
0x227: {  	v57 =	vld [tilespmem:s0+$0x10600];
	v1 =	vperm.xlane v1, v56;
	v0 =	vperm.xlane v0, v56;
	_ =	sdelay $0x1  }
0x228: {  	v0 =	vsel vm0, v1, v0  }
0x229: {  	v0 =	vadd.f32 v55, v0;
	_ =	sdelay $0x1  }
0x22a: {  	v0 =	vadd.f32 v57, v0;
	_ =	sdelay $0x1  }
0x22b: {  	v0 =	vsub.f32 $0.0e+00, v0;
	_ =	sdelay $0x1  }
0x22c: {  	v0 =	vmul.f32 $1.442695020e+00, v0;
	_ =	sdelay $0x1  }
0x22d: {  	(erf) = vpow2.f32 v0;
	_ =	sdelay $0x8  }
0x22e: {  	v0 =	vpop (erf)  }
0x22f: {  	v0 =	vadd.f32 $1.000000000e+00, v0;
	_ =	sdelay $0x1  }
0x230: {  	(erf) = vrcp.f32 v0;
	_ =	sdelay $0x8  }
0x231: {  	v0 =	vpop (erf)  }
0x232: {  	s31 =	sadd.s32 $0x1, s31;
	v0 =	vmul.f32 $5.000000000e+00, v0  }
0x233: {  	p0 =	sne.s32 s31, s16  }
.Ltmp2:
0x234: {  	s30 =	simm.s32 $0x10800;
	[tilespmem:s0+$0x10800] =	vst v0;
	(pc) =	sbr.rel @p0 .LBB2_1-.Ltmp2, $4  }
0x235: {  	[hbm4b:s15+s2] =	stream.linear.scatter [tilespmem:s30], [sflag:$0x5], $0x200, $0x38;
	[tilespmem:$0x10A00] =	vst v63  }
0x236: {  	_ =	swait.ge [sflag:s17], $0x200  }
0x237: {  	[sflag:s17] =	ssyncset.done $0x0  }
0x238: {  	[sflag:s17] =	ssyncadd.s32 $0xFFFFFE00  }
0x239: {  	_ =	sfence.sel $0x180000  }
0x23a: {  	[bflag:$0x0] =	sbarrier.arrive $0xFFFF  }
0x23b: {  	_ =	strace $0x90000047  }
0x23c: {  	s0 =	stileid.u32;
	[bflag:$0x2] =	sbarrier.arrive $0xFFFF  }
0x23d: {  	p0 =	sne.s32 s0, $0x0;
	s0 =	rddreg [dreg:$0x4]  }
0x23e: {  	s0 =	sadd.s32 @!p0 $0x100000, s0  }
0x23f: {  	[sflag:s0] =	ssyncadd.tile.s32 @!p0 $0x1;
	_ =	shalt  }
.Lfunc_end2:
_tile_overlayer_lowered:
.L_overlay_start_2:
0x240: {  	(tag) =	ssettag $0x2  }
0x241: {  	s0 =	rddreg [dreg:$0x0];
	s2 =	stileid.u32  }
0x242: {  	s1 =	rddreg [dreg:$0x1];
	p0 =	sne.s32 s2, $0x0  }
0x243: {  	s3 =	rddreg [dreg:$0x2];
	[bflag:$0x3] =	sbarrier.arrive $0xFFFF;
	s2 =	simm.s32 @!p0 $0x1C05  }
0x244: {  	[timem:s3], [sflag:s2] =	dma.local @!p0 [hbm:s0], s1  }
0x245: {  	s0 =	simm.s32 @!p0 $0x5  }
0x246: {  	_ =	swait.ge @!p0 [sflag:s0], s1  }
0x247: {  	s1 =	ssub.s32 @!p0 $0x0, s1;
	[sflag:s0] =	ssyncset.done @!p0 $0x0  }
0x248: {  	[sflag:s0] =	ssyncadd.s32 @!p0 s1  }
0x249: {  	[bflag:$0x3] =	sbarrier.arrive $0xFFFF  }
0x24a: {  	_ =	shalt  }

</sc_bundles>
